<compile_context>
chip_gen: v7x
topology: tpu7x:2x2x1
jax: 0.10.2.dev20260603
libtpu: 0.0.44.dev20260713+nightly
codegen_flags: <defaults>
</compile_context>

<pallas_src>
import functools
import jax
import jax.numpy as jnp
from jax import lax
from jax.experimental import pallas as pl
from jax.experimental.pallas import tpu as pltpu
from jax.experimental.pallas import tpu_sc as plsc

N = 10000
E = 320000
NP = 10240
NC, NS = 2, 16
NW = NC * NS
EPW = E // NW
C = 128
NCHUNK = 80
EPWP = NCHUNK * C
RPT = NP // NS
DW = 8
DH = 64
D3 = 40
KH = 76

_mesh = plsc.VectorSubcoreMesh(
    core_axis_name="c", subcore_axis_name="s", num_cores=NC, num_subcores=NS)
_untiled = pltpu.CompilerParams(use_tc_tiling_on_sc=False)


@functools.partial(
    pl.kernel,
    out_type=jax.ShapeDtypeStruct((NC, NP, DW), jnp.float32),
    mesh=_mesh,
    compiler_params=_untiled,
    scratch_types=[
        pltpu.VMEM((NCHUNK, C), jnp.int32),
        pltpu.VMEM((C, DW), jnp.float32),
        pltpu.VMEM_SHARED((NP, DW), jnp.float32),
    ],
)
def _deg_kernel(dst3_hbm, zs_hbm, out_hbm, dstv, ones, acc):
    c = lax.axis_index("c")
    s = lax.axis_index("s")
    wid = s * NC + c

    def fill(i, carry):
        ones[i, :] = jnp.ones((DW,), jnp.float32)
        return carry
    lax.fori_loop(0, C, fill, 0)

    pltpu.sync_copy(zs_hbm.at[pl.ds(s * RPT, RPT)], acc.at[pl.ds(s * RPT, RPT)])
    pltpu.sync_copy(dst3_hbm.at[wid], dstv)
    plsc.subcore_barrier()

    def body(i, carry):
        pltpu.sync_copy(ones, acc.at[dstv.at[i]], add=True)
        return carry
    lax.fori_loop(0, NCHUNK, body, 0)

    plsc.subcore_barrier()
    pltpu.sync_copy(acc.at[pl.ds(s * RPT, RPT)],
                    out_hbm.at[c, pl.ds(s * RPT, RPT)])


@functools.partial(
    pl.kernel,
    out_type=jax.ShapeDtypeStruct((NC, NP, DH), jnp.float32),
    mesh=_mesh,
    compiler_params=_untiled,
    scratch_types=[
        pltpu.VMEM((EPWP,), jnp.int32),
        pltpu.VMEM((NCHUNK, C), jnp.int32),
        pltpu.VMEM((C, DH), jnp.float32),
        pltpu.VMEM((C, DH), jnp.float32),
        pltpu.VMEM_SHARED((NP, DH), jnp.float32),
        pltpu.VMEM_SHARED((NP, DH), jnp.float32),
        pltpu.SemaphoreType.DMA,
        pltpu.SemaphoreType.DMA,
    ],
)
def _spmm_split(h2_hbm, src2_hbm, dst3_hbm, zs_hbm, out_hbm,
                srcf, dstv, rows_a, rows_b, h_sh, acc, sem_a, sem_b):
    c = lax.axis_index("c")
    s = lax.axis_index("s")

    if KH < NCHUNK:
        pltpu.sync_copy(h2_hbm.at[c, pl.ds(s * RPT, RPT)],
                        h_sh.at[pl.ds(s * RPT, RPT)])
    pltpu.sync_copy(zs_hbm.at[pl.ds(s * RPT, RPT)],
                    acc.at[pl.ds(s * RPT, RPT)])
    plsc.subcore_barrier()

    hbase = h2_hbm.at[c]

    def wt(buf, sem):
        pltpu.make_async_copy(h_sh.at[srcf.at[pl.ds(0, C)]], buf, sem).wait()

    def run_phase(lo, hi, table):
        def gat(j, buf, sem):
            pltpu.async_copy(table.at[srcf.at[pl.ds(j * C, C)]], buf, sem)

        gat(lo, rows_a, sem_a)

        def body(k, carry):
            a = lo + 2 * k
            b = a + 1
            gat(b, rows_b, sem_b)
            wt(rows_a, sem_a)
            pltpu.sync_copy(rows_a, acc.at[dstv.at[a]], add=True)

            @pl.when(b + 1 < hi)
            def _():
                gat(b + 1, rows_a, sem_a)
            wt(rows_b, sem_b)
            pltpu.sync_copy(rows_b, acc.at[dstv.at[b]], add=True)
            return carry
        lax.fori_loop(0, (hi - lo) // 2, body, 0)

    for p in range(2):
        w = s * 2 + p
        pltpu.sync_copy(src2_hbm.at[w], srcf)
        pltpu.sync_copy(dst3_hbm.at[w], dstv)
        if KH > 0:
            run_phase(0, KH, hbase)
        if KH < NCHUNK:
            run_phase(KH, NCHUNK, h_sh)

    plsc.subcore_barrier()
    pltpu.sync_copy(acc.at[pl.ds(s * RPT, RPT)],
                    out_hbm.at[c, pl.ds(s * RPT, RPT)])


@functools.partial(
    pl.kernel,
    out_type=jax.ShapeDtypeStruct((NC, NP, D3), jnp.float32),
    mesh=_mesh,
    compiler_params=_untiled,
    scratch_types=[
        pltpu.VMEM((EPWP,), jnp.int32),
        pltpu.VMEM((NCHUNK, C), jnp.int32),
        pltpu.VMEM((C, D3), jnp.float32),
        pltpu.VMEM((C, D3), jnp.float32),
        pltpu.VMEM_SHARED((NP, D3), jnp.float32),
        pltpu.VMEM_SHARED((NP, D3), jnp.float32),
        pltpu.SemaphoreType.DMA,
        pltpu.SemaphoreType.DMA,
    ],
)
def _spmm40(h_hbm, src2_hbm, dst3_hbm, zs_hbm, out_hbm,
            srcf, dstv, rows_a, rows_b, h_sh, acc, sem_a, sem_b):
    c = lax.axis_index("c")
    s = lax.axis_index("s")
    wid = s * NC + c

    pltpu.sync_copy(h_hbm.at[pl.ds(s * RPT, RPT)],
                    h_sh.at[pl.ds(s * RPT, RPT)])
    pltpu.sync_copy(zs_hbm.at[pl.ds(s * RPT, RPT)],
                    acc.at[pl.ds(s * RPT, RPT)])
    pltpu.sync_copy(src2_hbm.at[wid], srcf)
    pltpu.sync_copy(dst3_hbm.at[wid], dstv)
    plsc.subcore_barrier()

    def gat(j, buf, sem):
        pltpu.async_copy(h_sh.at[srcf.at[pl.ds(j * C, C)]], buf, sem)

    def wt(buf, sem):
        pltpu.make_async_copy(h_sh.at[srcf.at[pl.ds(0, C)]], buf, sem).wait()

    gat(0, rows_a, sem_a)

    def body(k, carry):
        a = 2 * k
        b = a + 1
        gat(b, rows_b, sem_b)
        wt(rows_a, sem_a)
        pltpu.sync_copy(rows_a, acc.at[dstv.at[a]], add=True)

        @pl.when(b + 1 < NCHUNK)
        def _():
            gat(b + 1, rows_a, sem_a)
        wt(rows_b, sem_b)
        pltpu.sync_copy(rows_b, acc.at[dstv.at[b]], add=True)
        return carry
    lax.fori_loop(0, NCHUNK // 2, body, 0)

    plsc.subcore_barrier()
    pltpu.sync_copy(acc.at[pl.ds(s * RPT, RPT)],
                    out_hbm.at[c, pl.ds(s * RPT, RPT)])


def _dense1(xp, W1, deg2):
    def body(x_ref, w_ref, d_ref, h_ref, dinv_ref):
        deg = d_ref[0][:, 0:1] + d_ref[1][:, 0:1] + 1.0
        dinv = lax.rsqrt(jnp.maximum(deg, 1.0))
        h = jnp.dot(x_ref[...], w_ref[...], preferred_element_type=jnp.float32)
        hp = h * dinv
        h_ref[0] = hp[:, :DH]
        h_ref[1] = hp[:, DH:]
        dinv_ref[...] = dinv
    return pl.pallas_call(
        body,
        out_shape=[jax.ShapeDtypeStruct((NC, NP, DH), jnp.float32),
                   jax.ShapeDtypeStruct((NP, 1), jnp.float32)],
    )(xp, W1, deg2)


def _dense_mid(S, hp2, dinv, b, g, be, W, DO):
    def body(S_ref, hp_ref, dinv_ref, b_ref, g_ref, be_ref, w_ref, o_ref):
        a = jnp.concatenate(
            [S_ref[0] + hp_ref[0], S_ref[1] + hp_ref[1]], axis=1)
        a = a * dinv_ref[...] + b_ref[...]
        aN = a[:N]
        m = jnp.mean(aN, axis=0, keepdims=True)
        d = aN - m
        v = jnp.mean(d * d, axis=0, keepdims=True)
        y = (a - m) * lax.rsqrt(v + 1e-5) * g_ref[...] + be_ref[...]
        y = jnp.maximum(y, 0.0)
        h = jnp.dot(y, w_ref[...], preferred_element_type=jnp.float32)
        hp = h * dinv_ref[...]
        if DO == 2 * DH:
            o_ref[0] = hp[:, :DH]
            o_ref[1] = hp[:, DH:]
        else:
            o_ref[...] = hp
    out_shape = (jax.ShapeDtypeStruct((NC, NP, DH), jnp.float32)
                 if DO == 2 * DH else
                 jax.ShapeDtypeStruct((NP, DO), jnp.float32))
    return pl.pallas_call(
        body,
        out_shape=out_shape,
    )(S, hp2, dinv, b, g, be, W)


def _dense_final(S, hp, dinv, b):
    def body(S_ref, hp_ref, dinv_ref, b_ref, o_ref):
        a = (S_ref[0] + S_ref[1] + hp_ref[...]) * dinv_ref[...] + b_ref[...]
        aN = a[:N, :D3]
        z = aN - jnp.max(aN, axis=1, keepdims=True)
        lse = jnp.log(jnp.sum(jnp.exp(z), axis=1, keepdims=True))
        o_ref[...] = z - lse
    return pl.pallas_call(
        body,
        out_shape=jax.ShapeDtypeStruct((N, D3), jnp.float32),
    )(S, hp, dinv, b)


def kernel(adj_t, x, W1, b1, g1, be1, W2, b2, g2, be2, W3, b3):
    f32 = jnp.float32
    pad = ((0, 0), (0, EPWP - EPW))
    src2 = jnp.pad(adj_t[0].astype(jnp.int32).reshape(NW, EPW), pad,
                   constant_values=NP - 1)
    dst3 = jnp.pad(adj_t[1].astype(jnp.int32).reshape(NW, EPW), pad,
                   constant_values=NP - 1).reshape(NW, NCHUNK, C)
    xp = jnp.pad(x.astype(f32), ((0, NP - N), (0, 0)))
    zs8 = jnp.zeros((NP, DW), f32)
    zs64 = jnp.zeros((NP, DH), f32)
    zs40 = jnp.zeros((NP, D3), f32)
    b1r = b1.reshape(1, 128)
    g1r = g1.reshape(1, 128)
    be1r = be1.reshape(1, 128)
    b2r = b2.reshape(1, 128)
    g2r = g2.reshape(1, 128)
    be2r = be2.reshape(1, 128)
    b3r = b3.reshape(1, D3)

    deg2 = _deg_kernel(dst3, zs8)
    h1p2, dinv = _dense1(xp, W1, deg2)
    S1 = _spmm_split(h1p2, src2, dst3, zs64)
    h2p2 = _dense_mid(S1, h1p2, dinv, b1r, g1r, be1r, W2, 128)
    S2 = _spmm_split(h2p2, src2, dst3, zs64)
    h3p = _dense_mid(S2, h2p2, dinv, b2r, g2r, be2r, W3, D3)
    S3 = _spmm40(h3p, src2, dst3, zs40)
    return _dense_final(S3, h3p, dinv, b3r)

# --- scband reference (transcript-rebuilt; emitter-appended) ---
"""Pipeline reference for scband-gcn-10462540333288 (READ-ONLY COPY).

The authoritative reference and input builder live on the scoring server;
editing this copy changes nothing except your own understanding.
"""

import jax, jax.numpy as jnp
import numpy as np

N = 10000
E = 320000
D_IN = 128
D_HID = 128
D_OUT = 40


def gcn_conv(x, edge_index, W, b):
    n = x.shape[0]
    src = edge_index[0]
    dst = edge_index[1]
    loop = jnp.arange(n, dtype=src.dtype)
    src = jnp.concatenate([src, loop])
    dst = jnp.concatenate([dst, loop])
    h = x @ W
    deg = jax.ops.segment_sum(jnp.ones(src.shape[0], dtype=x.dtype), dst, num_segments=n)
    dinv = jax.lax.rsqrt(jnp.maximum(deg, 1.0))
    norm = dinv[src] * dinv[dst]
    msg = jnp.take(h, src, axis=0) * norm[:, None]
    out = jax.ops.segment_sum(msg, dst, num_segments=n)
    return out + b


def batch_norm(x, gamma, beta, eps=1e-5):
    m = jnp.mean(x, axis=0)
    v = jnp.var(x, axis=0)
    return (x - m) * jax.lax.rsqrt(v + eps) * gamma + beta


def setup_inputs(seed: int = 0) -> dict:
    key = jax.random.key(seed)
    ks = jax.random.split(key, 12)
    adj_t = jax.random.randint(ks[0], (2, E), 0, N, dtype=jnp.int64)
    x = jax.random.normal(ks[1], (N, D_IN), dtype=jnp.float32)
    s1 = 1.0 / np.sqrt(D_IN)
    s2 = 1.0 / np.sqrt(D_HID)
    W1 = jax.random.uniform(ks[2], (D_IN, D_HID), jnp.float32, -s1, s1)
    b1 = jnp.zeros((D_HID,), jnp.float32)
    g1 = jnp.ones((D_HID,), jnp.float32)
    be1 = jnp.zeros((D_HID,), jnp.float32)
    W2 = jax.random.uniform(ks[3], (D_HID, D_HID), jnp.float32, -s2, s2)
    b2 = jnp.zeros((D_HID,), jnp.float32)
    g2 = jnp.ones((D_HID,), jnp.float32)
    be2 = jnp.zeros((D_HID,), jnp.float32)
    W3 = jax.random.uniform(ks[4], (D_HID, D_OUT), jnp.float32, -s2, s2)
    b3 = jnp.zeros((D_OUT,), jnp.float32)
    return {"adj_t": adj_t, "x": x, "W1": W1, "b1": b1, "g1": g1, "be1": be1,
            "W2": W2, "b2": b2, "g2": g2, "be2": be2, "W3": W3, "b3": b3}


def reference(adj_t, x, W1, b1, g1, be1, W2, b2, g2, be2, W3, b3):
    # layer 1
    h = gcn_conv(x, adj_t, W1, b1)
    h = batch_norm(h, g1, be1)
    h = jax.nn.relu(h)
    # dropout is identity in eval/deterministic mode
    # layer 2
    h = gcn_conv(h, adj_t, W2, b2)
    h = batch_norm(h, g2, be2)
    h = jax.nn.relu(h)
    # layer 3 (output)
    h = gcn_conv(h, adj_t, W3, b3)
    out = jax.nn.log_softmax(h, axis=1)
    return out

if __name__ == "__main__":
    import jax
    _d = setup_inputs()
    print(jax.jit(kernel)(*tuple(_d.values())))

</pallas_src>

<mosaic_0001>
#map = affine_map<(d0, d1) -> (0, 0, 0)>
#map1 = affine_map<(d0, d1) -> (0, 0)>
module attributes {stable_mosaic.version = 14 : i64} {
  func.func @_deg_kernel(%arg0: i32, %arg1: i32, %arg2: memref<32x80x128xi32, #tpu.memory_space<hbm>>, %arg3: memref<10240x8xf32, #tpu.memory_space<hbm>>, %arg4: memref<2x10240x8xf32, #tpu.memory_space<hbm>>, %arg5: memref<80x128xi32, #tpu.memory_space<vmem>>, %arg6: memref<128x8xf32, #tpu.memory_space<vmem>>, %arg7: memref<10240x8xf32, #tpu.memory_space<vmem_shared>>) attributes {dimension_semantics = [#tpu.dimension_semantics<core_parallel>, #tpu.dimension_semantics<subcore_parallel>], iteration_bounds = array<i64: 2, 16>, scalar_prefetch = 0 : i64, scratch_operands = 3 : i64, tpu.core_type = #tpu.core_type<sc_vector_subcore>, window_params = [{transform_indices = #map}, {transform_indices = #map1}, {transform_indices = #map}]} {
    %mul3A = arith.constant 2 : i32
    %mul3A_0 = arith.muli %arg1, %mul3A : i32
    %add3A = arith.addi %mul3A_0, %arg0 : i32
    %scan3A = arith.constant 0 : i32
    %scan3A_1 = arith.constant 0 : i32
    %scan3A_2 = arith.constant 128 : i32
    %scan3A_3 = arith.addi %scan3A_1, %scan3A_2 : i32
    %scan3A_4 = arith.constant 1 : i32
    scf.for %scan3A_21 = %scan3A_1 to %scan3A_3 step %scan3A_4  : i32 {
      %broadcast_in_dim3A = arith.constant 1.000000e+00 : f32
      %broadcast_in_dim3A_22 = vector.broadcast %broadcast_in_dim3A : f32 to vector<8xf32>
      %swap3A = arith.index_cast %scan3A_21 : i32 to index
      %swap3A_23 = arith.constant 0 : index
      %swap3A_24 = tpu.vector_load %arg6[%swap3A, %swap3A_23] {strides = array<i32>} : memref<128x8xf32, #tpu.memory_space<vmem>>, vector<1x8xf32>,
      %swap3A_25 = vector.shape_cast %swap3A_24 : vector<1x8xf32> to vector<8xf32>
      %swap3A_26 = vector.shape_cast %broadcast_in_dim3A_22 : vector<8xf32> to vector<1x8xf32>
      tpu.vector_store %arg6[%swap3A, %swap3A_23], %swap3A_26 {strides = array<i32>} : memref<128x8xf32, #tpu.memory_space<vmem>>, vector<1x8xf32>,
    }
    %scan3A_5 = arith.constant 128 : i32
    %mul3A_6 = arith.constant 640 : i32
    %mul3A_7 = arith.muli %arg1, %mul3A_6 : i32
    %mul3A_8 = arith.constant 640 : i32
    %mul3A_9 = arith.muli %arg1, %mul3A_8 : i32
    "tpu.region"() ({
      %run_scoped3A = tpu.sem_alloc : memref<!tpu.dma_semaphore, #tpu.memory_space<semaphore_mem>>
      %dma_start3A = arith.constant 0 : i32
      %dma_start3A_21 = tpu.memref_slice %arg7[%mul3A_9, %dma_start3A] : memref<10240x8xf32, #tpu.memory_space<vmem_shared>> -> memref<640x8xf32, #tpu.memory_space<vmem_shared>>
      %dma_start3A_22 = arith.constant 0 : i32
      %dma_start3A_23 = tpu.memref_slice %arg3[%mul3A_7, %dma_start3A_22] : memref<10240x8xf32, #tpu.memory_space<hbm>> -> memref<640x8xf32, #tpu.memory_space<hbm>>
      tpu.enqueue_dma source(%dma_start3A_23 : memref<640x8xf32, #tpu.memory_space<hbm>>) target(%dma_start3A_21 : memref<640x8xf32, #tpu.memory_space<vmem_shared>>) target_semaphore(%run_scoped3A : memref<!tpu.dma_semaphore, #tpu.memory_space<semaphore_mem>>)
      %dma_wait3A = arith.constant 0 : i32
      %dma_wait3A_24 = tpu.memref_slice %arg7[%mul3A_9, %dma_wait3A] : memref<10240x8xf32, #tpu.memory_space<vmem_shared>> -> memref<640x8xf32, #tpu.memory_space<vmem_shared>>
      %dma_wait3A_25 = arith.constant 0 : i32
      %dma_wait3A_26 = tpu.memref_slice %arg3[%mul3A_7, %dma_wait3A_25] : memref<10240x8xf32, #tpu.memory_space<hbm>> -> memref<640x8xf32, #tpu.memory_space<hbm>>
      tpu.wait_dma2 semaphore(%run_scoped3A : memref<!tpu.dma_semaphore, #tpu.memory_space<semaphore_mem>>) src(%dma_wait3A_26 : memref<640x8xf32, #tpu.memory_space<hbm>>) dst(%dma_wait3A_24 : memref<640x8xf32, #tpu.memory_space<vmem_shared>>)
      tpu.yield
    }) : () -> ()
    "tpu.region"() ({
      %run_scoped3A = tpu.sem_alloc : memref<!tpu.dma_semaphore, #tpu.memory_space<semaphore_mem>>
      %dma_start3A = arith.constant 0 : i32
      %dma_start3A_21 = arith.constant 0 : i32
      %dma_start3A_22 = tpu.memref_slice %arg2[%add3A, %dma_start3A, %dma_start3A_21] : memref<32x80x128xi32, #tpu.memory_space<hbm>> -> memref<1x80x128xi32, #tpu.memory_space<hbm>>
      %dma_start3A_23 = tpu.memref_squeeze %dma_start3A_22 : memref<1x80x128xi32, #tpu.memory_space<hbm>> -> memref<80x128xi32, #tpu.memory_space<hbm>>
      %dma_start3A_24 = arith.constant 0 : i32
      %dma_start3A_25 = arith.constant 0 : i32
      %dma_start3A_26 = tpu.memref_slice %arg2[%add3A, %dma_start3A_24, %dma_start3A_25] : memref<32x80x128xi32, #tpu.memory_space<hbm>> -> memref<1x80x128xi32, #tpu.memory_space<hbm>>
      %dma_start3A_27 = tpu.memref_squeeze %dma_start3A_26 : memref<1x80x128xi32, #tpu.memory_space<hbm>> -> memref<80x128xi32, #tpu.memory_space<hbm>>
      tpu.enqueue_dma source(%dma_start3A_27 : memref<80x128xi32, #tpu.memory_space<hbm>>) target(%arg5 : memref<80x128xi32, #tpu.memory_space<vmem>>) target_semaphore(%run_scoped3A : memref<!tpu.dma_semaphore, #tpu.memory_space<semaphore_mem>>)
      %dma_wait3A = arith.constant 0 : i32
      %dma_wait3A_28 = arith.constant 0 : i32
      %dma_wait3A_29 = tpu.memref_slice %arg2[%add3A, %dma_wait3A, %dma_wait3A_28] : memref<32x80x128xi32, #tpu.memory_space<hbm>> -> memref<1x80x128xi32, #tpu.memory_space<hbm>>
      %dma_wait3A_30 = tpu.memref_squeeze %dma_wait3A_29 : memref<1x80x128xi32, #tpu.memory_space<hbm>> -> memref<80x128xi32, #tpu.memory_space<hbm>>
      %dma_wait3A_31 = arith.constant 0 : i32
      %dma_wait3A_32 = arith.constant 0 : i32
      %dma_wait3A_33 = tpu.memref_slice %arg2[%add3A, %dma_wait3A_31, %dma_wait3A_32] : memref<32x80x128xi32, #tpu.memory_space<hbm>> -> memref<1x80x128xi32, #tpu.memory_space<hbm>>
      %dma_wait3A_34 = tpu.memref_squeeze %dma_wait3A_33 : memref<1x80x128xi32, #tpu.memory_space<hbm>> -> memref<80x128xi32, #tpu.memory_space<hbm>>
      tpu.wait_dma2 semaphore(%run_scoped3A : memref<!tpu.dma_semaphore, #tpu.memory_space<semaphore_mem>>) src(%dma_wait3A_34 : memref<80x128xi32, #tpu.memory_space<hbm>>) dst(%arg5 : memref<80x128xi32, #tpu.memory_space<vmem>>)
      tpu.yield
    }) : () -> ()
    %barrier3A = arith.constant 0 : index
    tpu.barrier barrier_id(%barrier3A)
    %scan3A_10 = arith.constant 0 : i32
    %scan3A_11 = arith.constant 0 : i32
    %scan3A_12 = arith.constant 80 : i32
    %scan3A_13 = arith.addi %scan3A_11, %scan3A_12 : i32
    %scan3A_14 = arith.constant 1 : i32
    scf.for %scan3A_21 = %scan3A_11 to %scan3A_13 step %scan3A_14  : i32 {
      "tpu.region"() ({
        %run_scoped3A = tpu.sem_alloc : memref<!tpu.dma_semaphore, #tpu.memory_space<semaphore_mem>>
        %dma_start3A = arith.constant 0 : i32
        %dma_start3A_22 = tpu.memref_slice %arg5[%scan3A_21, %dma_start3A] : memref<80x128xi32, #tpu.memory_space<vmem>> -> memref<1x128xi32, #tpu.memory_space<vmem>>
        %dma_start3A_23 = tpu.memref_squeeze %dma_start3A_22 : memref<1x128xi32, #tpu.memory_space<vmem>> -> memref<128xi32, #tpu.memory_space<vmem>>
        %dma_start3A_24 = arith.constant 0 : i32
        %dma_start3A_25 = arith.constant 0 : i32
        %dma_start3A_26 = tpu.memref_slice %arg7[%dma_start3A_24, %dma_start3A_25] : memref<10240x8xf32, #tpu.memory_space<vmem_shared>> -> memref<10240x8xf32, #tpu.memory_space<vmem_shared>>
        tpu.enqueue_indirect_dma source(%arg6 : memref<128x8xf32, #tpu.memory_space<vmem>>) target(%dma_start3A_26 : memref<10240x8xf32, #tpu.memory_space<vmem_shared>>) offsets(%dma_start3A_23 : memref<128xi32, #tpu.memory_space<vmem>>) semaphore(%run_scoped3A : memref<!tpu.dma_semaphore, #tpu.memory_space<semaphore_mem>>) {add = true}
        %dma_wait3A = arith.constant 0 : i32
        %dma_wait3A_27 = tpu.memref_slice %arg5[%scan3A_21, %dma_wait3A] : memref<80x128xi32, #tpu.memory_space<vmem>> -> memref<1x128xi32, #tpu.memory_space<vmem>>
        %dma_wait3A_28 = tpu.memref_squeeze %dma_wait3A_27 : memref<1x128xi32, #tpu.memory_space<vmem>> -> memref<128xi32, #tpu.memory_space<vmem>>
        %dma_wait3A_29 = arith.constant 0 : i32
        %dma_wait3A_30 = arith.constant 0 : i32
        %dma_wait3A_31 = tpu.memref_slice %arg7[%dma_wait3A_29, %dma_wait3A_30] : memref<10240x8xf32, #tpu.memory_space<vmem_shared>> -> memref<10240x8xf32, #tpu.memory_space<vmem_shared>>
        tpu.wait_indirect_dma semaphore(%run_scoped3A : memref<!tpu.dma_semaphore, #tpu.memory_space<semaphore_mem>>) src(%arg6 : memref<128x8xf32, #tpu.memory_space<vmem>>) dst(%dma_wait3A_31 : memref<10240x8xf32, #tpu.memory_space<vmem_shared>>)
        tpu.yield
      }) : () -> ()
    }
    %scan3A_15 = arith.constant 80 : i32
    %barrier3A_16 = arith.constant 0 : index
    tpu.barrier barrier_id(%barrier3A_16)
    %mul3A_17 = arith.constant 640 : i32
    %mul3A_18 = arith.muli %arg1, %mul3A_17 : i32
    %mul3A_19 = arith.constant 640 : i32
    %mul3A_20 = arith.muli %arg1, %mul3A_19 : i32
    "tpu.region"() ({
      %run_scoped3A = tpu.sem_alloc : memref<!tpu.dma_semaphore, #tpu.memory_space<semaphore_mem>>
      %dma_start3A = arith.constant 0 : i32
      %dma_start3A_21 = tpu.memref_slice %arg4[%arg0, %mul3A_20, %dma_start3A] : memref<2x10240x8xf32, #tpu.memory_space<hbm>> -> memref<1x640x8xf32, #tpu.memory_space<hbm>>
      %dma_start3A_22 = tpu.memref_squeeze %dma_start3A_21 : memref<1x640x8xf32, #tpu.memory_space<hbm>> -> memref<640x8xf32, #tpu.memory_space<hbm>>
      %dma_start3A_23 = arith.constant 0 : i32
      %dma_start3A_24 = tpu.memref_slice %arg7[%mul3A_18, %dma_start3A_23] : memref<10240x8xf32, #tpu.memory_space<vmem_shared>> -> memref<640x8xf32, #tpu.memory_space<vmem_shared>>
      tpu.enqueue_dma source(%dma_start3A_24 : memref<640x8xf32, #tpu.memory_space<vmem_shared>>) target(%dma_start3A_22 : memref<640x8xf32, #tpu.memory_space<hbm>>) target_semaphore(%run_scoped3A : memref<!tpu.dma_semaphore, #tpu.memory_space<semaphore_mem>>)
      %dma_wait3A = arith.constant 0 : i32
      %dma_wait3A_25 = tpu.memref_slice %arg4[%arg0, %mul3A_20, %dma_wait3A] : memref<2x10240x8xf32, #tpu.memory_space<hbm>> -> memref<1x640x8xf32, #tpu.memory_space<hbm>>
      %dma_wait3A_26 = tpu.memref_squeeze %dma_wait3A_25 : memref<1x640x8xf32, #tpu.memory_space<hbm>> -> memref<640x8xf32, #tpu.memory_space<hbm>>
      %dma_wait3A_27 = arith.constant 0 : i32
      %dma_wait3A_28 = tpu.memref_slice %arg7[%mul3A_18, %dma_wait3A_27] : memref<10240x8xf32, #tpu.memory_space<vmem_shared>> -> memref<640x8xf32, #tpu.memory_space<vmem_shared>>
      tpu.wait_dma2 semaphore(%run_scoped3A : memref<!tpu.dma_semaphore, #tpu.memory_space<semaphore_mem>>) src(%dma_wait3A_28 : memref<640x8xf32, #tpu.memory_space<vmem_shared>>) dst(%dma_wait3A_26 : memref<640x8xf32, #tpu.memory_space<hbm>>)
      tpu.yield
    }) : () -> ()
    return
  }
}

#map = affine_map<(d0, d1) -> (0, 0)>
#map1 = affine_map<(d0, d1) -> (0, 0, 0)>
module attributes {stable_mosaic.version = 14 : i64} {
  func.func @_spmm40(%arg0: i32, %arg1: i32, %arg2: memref<10240x40xf32, #tpu.memory_space<hbm>>, %arg3: memref<32x10240xi32, #tpu.memory_space<hbm>>, %arg4: memref<32x80x128xi32, #tpu.memory_space<hbm>>, %arg5: memref<10240x40xf32, #tpu.memory_space<hbm>>, %arg6: memref<2x10240x40xf32, #tpu.memory_space<hbm>>, %arg7: memref<10240xi32, #tpu.memory_space<vmem>>, %arg8: memref<80x128xi32, #tpu.memory_space<vmem>>, %arg9: memref<128x40xf32, #tpu.memory_space<vmem>>, %arg10: memref<128x40xf32, #tpu.memory_space<vmem>>, %arg11: memref<10240x40xf32, #tpu.memory_space<vmem_shared>>, %arg12: memref<10240x40xf32, #tpu.memory_space<vmem_shared>>, %arg13: memref<!tpu.dma_semaphore, #tpu.memory_space<semaphore_mem>>, %arg14: memref<!tpu.dma_semaphore, #tpu.memory_space<semaphore_mem>>) attributes {dimension_semantics = [#tpu.dimension_semantics<core_parallel>, #tpu.dimension_semantics<subcore_parallel>], iteration_bounds = array<i64: 2, 16>, scalar_prefetch = 0 : i64, scratch_operands = 8 : i64, tpu.core_type = #tpu.core_type<sc_vector_subcore>, window_params = [{transform_indices = #map}, {transform_indices = #map}, {transform_indices = #map1}, {transform_indices = #map}, {transform_indices = #map1}]} {
    %mul3A = arith.constant 2 : i32
    %mul3A_0 = arith.muli %arg1, %mul3A : i32
    %add3A = arith.addi %mul3A_0, %arg0 : i32
    %mul3A_1 = arith.constant 640 : i32
    %mul3A_2 = arith.muli %arg1, %mul3A_1 : i32
    %mul3A_3 = arith.constant 640 : i32
    %mul3A_4 = arith.muli %arg1, %mul3A_3 : i32
    "tpu.region"() ({
      %run_scoped3A = tpu.sem_alloc : memref<!tpu.dma_semaphore, #tpu.memory_space<semaphore_mem>>
      %dma_start3A_23 = arith.constant 0 : i32
      %dma_start3A_24 = tpu.memref_slice %arg11[%mul3A_4, %dma_start3A_23] : memref<10240x40xf32, #tpu.memory_space<vmem_shared>> -> memref<640x40xf32, #tpu.memory_space<vmem_shared>>
      %dma_start3A_25 = arith.constant 0 : i32
      %dma_start3A_26 = tpu.memref_slice %arg2[%mul3A_2, %dma_start3A_25] : memref<10240x40xf32, #tpu.memory_space<hbm>> -> memref<640x40xf32, #tpu.memory_space<hbm>>
      tpu.enqueue_dma source(%dma_start3A_26 : memref<640x40xf32, #tpu.memory_space<hbm>>) target(%dma_start3A_24 : memref<640x40xf32, #tpu.memory_space<vmem_shared>>) target_semaphore(%run_scoped3A : memref<!tpu.dma_semaphore, #tpu.memory_space<semaphore_mem>>)
      %dma_wait3A = arith.constant 0 : i32
      %dma_wait3A_27 = tpu.memref_slice %arg11[%mul3A_4, %dma_wait3A] : memref<10240x40xf32, #tpu.memory_space<vmem_shared>> -> memref<640x40xf32, #tpu.memory_space<vmem_shared>>
      %dma_wait3A_28 = arith.constant 0 : i32
      %dma_wait3A_29 = tpu.memref_slice %arg2[%mul3A_2, %dma_wait3A_28] : memref<10240x40xf32, #tpu.memory_space<hbm>> -> memref<640x40xf32, #tpu.memory_space<hbm>>
      tpu.wait_dma2 semaphore(%run_scoped3A : memref<!tpu.dma_semaphore, #tpu.memory_space<semaphore_mem>>) src(%dma_wait3A_29 : memref<640x40xf32, #tpu.memory_space<hbm>>) dst(%dma_wait3A_27 : memref<640x40xf32, #tpu.memory_space<vmem_shared>>)
      tpu.yield
    }) : () -> ()
    %mul3A_5 = arith.constant 640 : i32
    %mul3A_6 = arith.muli %arg1, %mul3A_5 : i32
    %mul3A_7 = arith.constant 640 : i32
    %mul3A_8 = arith.muli %arg1, %mul3A_7 : i32
    "tpu.region"() ({
      %run_scoped3A = tpu.sem_alloc : memref<!tpu.dma_semaphore, #tpu.memory_space<semaphore_mem>>
      %dma_start3A_23 = arith.constant 0 : i32
      %dma_start3A_24 = tpu.memref_slice %arg12[%mul3A_8, %dma_start3A_23] : memref<10240x40xf32, #tpu.memory_space<vmem_shared>> -> memref<640x40xf32, #tpu.memory_space<vmem_shared>>
      %dma_start3A_25 = arith.constant 0 : i32
      %dma_start3A_26 = tpu.memref_slice %arg5[%mul3A_6, %dma_start3A_25] : memref<10240x40xf32, #tpu.memory_space<hbm>> -> memref<640x40xf32, #tpu.memory_space<hbm>>
      tpu.enqueue_dma source(%dma_start3A_26 : memref<640x40xf32, #tpu.memory_space<hbm>>) target(%dma_start3A_24 : memref<640x40xf32, #tpu.memory_space<vmem_shared>>) target_semaphore(%run_scoped3A : memref<!tpu.dma_semaphore, #tpu.memory_space<semaphore_mem>>)
      %dma_wait3A = arith.constant 0 : i32
      %dma_wait3A_27 = tpu.memref_slice %arg12[%mul3A_8, %dma_wait3A] : memref<10240x40xf32, #tpu.memory_space<vmem_shared>> -> memref<640x40xf32, #tpu.memory_space<vmem_shared>>
      %dma_wait3A_28 = arith.constant 0 : i32
      %dma_wait3A_29 = tpu.memref_slice %arg5[%mul3A_6, %dma_wait3A_28] : memref<10240x40xf32, #tpu.memory_space<hbm>> -> memref<640x40xf32, #tpu.memory_space<hbm>>
      tpu.wait_dma2 semaphore(%run_scoped3A : memref<!tpu.dma_semaphore, #tpu.memory_space<semaphore_mem>>) src(%dma_wait3A_29 : memref<640x40xf32, #tpu.memory_space<hbm>>) dst(%dma_wait3A_27 : memref<640x40xf32, #tpu.memory_space<vmem_shared>>)
      tpu.yield
    }) : () -> ()
    "tpu.region"() ({
      %run_scoped3A = tpu.sem_alloc : memref<!tpu.dma_semaphore, #tpu.memory_space<semaphore_mem>>
      %dma_start3A_23 = arith.constant 0 : i32
      %dma_start3A_24 = tpu.memref_slice %arg3[%add3A, %dma_start3A_23] : memref<32x10240xi32, #tpu.memory_space<hbm>> -> memref<1x10240xi32, #tpu.memory_space<hbm>>
      %dma_start3A_25 = tpu.memref_squeeze %dma_start3A_24 : memref<1x10240xi32, #tpu.memory_space<hbm>> -> memref<10240xi32, #tpu.memory_space<hbm>>
      %dma_start3A_26 = arith.constant 0 : i32
      %dma_start3A_27 = tpu.memref_slice %arg3[%add3A, %dma_start3A_26] : memref<32x10240xi32, #tpu.memory_space<hbm>> -> memref<1x10240xi32, #tpu.memory_space<hbm>>
      %dma_start3A_28 = tpu.memref_squeeze %dma_start3A_27 : memref<1x10240xi32, #tpu.memory_space<hbm>> -> memref<10240xi32, #tpu.memory_space<hbm>>
      tpu.enqueue_dma source(%dma_start3A_28 : memref<10240xi32, #tpu.memory_space<hbm>>) target(%arg7 : memref<10240xi32, #tpu.memory_space<vmem>>) target_semaphore(%run_scoped3A : memref<!tpu.dma_semaphore, #tpu.memory_space<semaphore_mem>>)
      %dma_wait3A = arith.constant 0 : i32
      %dma_wait3A_29 = tpu.memref_slice %arg3[%add3A, %dma_wait3A] : memref<32x10240xi32, #tpu.memory_space<hbm>> -> memref<1x10240xi32, #tpu.memory_space<hbm>>
      %dma_wait3A_30 = tpu.memref_squeeze %dma_wait3A_29 : memref<1x10240xi32, #tpu.memory_space<hbm>> -> memref<10240xi32, #tpu.memory_space<hbm>>
      %dma_wait3A_31 = arith.constant 0 : i32
      %dma_wait3A_32 = tpu.memref_slice %arg3[%add3A, %dma_wait3A_31] : memref<32x10240xi32, #tpu.memory_space<hbm>> -> memref<1x10240xi32, #tpu.memory_space<hbm>>
      %dma_wait3A_33 = tpu.memref_squeeze %dma_wait3A_32 : memref<1x10240xi32, #tpu.memory_space<hbm>> -> memref<10240xi32, #tpu.memory_space<hbm>>
      tpu.wait_dma2 semaphore(%run_scoped3A : memref<!tpu.dma_semaphore, #tpu.memory_space<semaphore_mem>>) src(%dma_wait3A_33 : memref<10240xi32, #tpu.memory_space<hbm>>) dst(%arg7 : memref<10240xi32, #tpu.memory_space<vmem>>)
      tpu.yield
    }) : () -> ()
    "tpu.region"() ({
      %run_scoped3A = tpu.sem_alloc : memref<!tpu.dma_semaphore, #tpu.memory_space<semaphore_mem>>
      %dma_start3A_23 = arith.constant 0 : i32
      %dma_start3A_24 = arith.constant 0 : i32
      %dma_start3A_25 = tpu.memref_slice %arg4[%add3A, %dma_start3A_23, %dma_start3A_24] : memref<32x80x128xi32, #tpu.memory_space<hbm>> -> memref<1x80x128xi32, #tpu.memory_space<hbm>>
      %dma_start3A_26 = tpu.memref_squeeze %dma_start3A_25 : memref<1x80x128xi32, #tpu.memory_space<hbm>> -> memref<80x128xi32, #tpu.memory_space<hbm>>
      %dma_start3A_27 = arith.constant 0 : i32
      %dma_start3A_28 = arith.constant 0 : i32
      %dma_start3A_29 = tpu.memref_slice %arg4[%add3A, %dma_start3A_27, %dma_start3A_28] : memref<32x80x128xi32, #tpu.memory_space<hbm>> -> memref<1x80x128xi32, #tpu.memory_space<hbm>>
      %dma_start3A_30 = tpu.memref_squeeze %dma_start3A_29 : memref<1x80x128xi32, #tpu.memory_space<hbm>> -> memref<80x128xi32, #tpu.memory_space<hbm>>
      tpu.enqueue_dma source(%dma_start3A_30 : memref<80x128xi32, #tpu.memory_space<hbm>>) target(%arg8 : memref<80x128xi32, #tpu.memory_space<vmem>>) target_semaphore(%run_scoped3A : memref<!tpu.dma_semaphore, #tpu.memory_space<semaphore_mem>>)
      %dma_wait3A = arith.constant 0 : i32
      %dma_wait3A_31 = arith.constant 0 : i32
      %dma_wait3A_32 = tpu.memref_slice %arg4[%add3A, %dma_wait3A, %dma_wait3A_31] : memref<32x80x128xi32, #tpu.memory_space<hbm>> -> memref<1x80x128xi32, #tpu.memory_space<hbm>>
      %dma_wait3A_33 = tpu.memref_squeeze %dma_wait3A_32 : memref<1x80x128xi32, #tpu.memory_space<hbm>> -> memref<80x128xi32, #tpu.memory_space<hbm>>
      %dma_wait3A_34 = arith.constant 0 : i32
      %dma_wait3A_35 = arith.constant 0 : i32
      %dma_wait3A_36 = tpu.memref_slice %arg4[%add3A, %dma_wait3A_34, %dma_wait3A_35] : memref<32x80x128xi32, #tpu.memory_space<hbm>> -> memref<1x80x128xi32, #tpu.memory_space<hbm>>
      %dma_wait3A_37 = tpu.memref_squeeze %dma_wait3A_36 : memref<1x80x128xi32, #tpu.memory_space<hbm>> -> memref<80x128xi32, #tpu.memory_space<hbm>>
      tpu.wait_dma2 semaphore(%run_scoped3A : memref<!tpu.dma_semaphore, #tpu.memory_space<semaphore_mem>>) src(%dma_wait3A_37 : memref<80x128xi32, #tpu.memory_space<hbm>>) dst(%arg8 : memref<80x128xi32, #tpu.memory_space<vmem>>)
      tpu.yield
    }) : () -> ()
    %barrier3A = arith.constant 0 : index
    tpu.barrier barrier_id(%barrier3A)
    %dma_start3A = arith.constant 0 : i32
    %dma_start3A_9 = tpu.memref_slice %arg7[%dma_start3A] : memref<10240xi32, #tpu.memory_space<vmem>> -> memref<128xi32, #tpu.memory_space<vmem>>
    %dma_start3A_10 = arith.constant 0 : i32
    %dma_start3A_11 = arith.constant 0 : i32
    %dma_start3A_12 = tpu.memref_slice %arg11[%dma_start3A_10, %dma_start3A_11] : memref<10240x40xf32, #tpu.memory_space<vmem_shared>> -> memref<10240x40xf32, #tpu.memory_space<vmem_shared>>
    tpu.enqueue_indirect_dma source(%dma_start3A_12 : memref<10240x40xf32, #tpu.memory_space<vmem_shared>>) target(%arg9 : memref<128x40xf32, #tpu.memory_space<vmem>>) offsets(%dma_start3A_9 : memref<128xi32, #tpu.memory_space<vmem>>) semaphore(%arg13 : memref<!tpu.dma_semaphore, #tpu.memory_space<semaphore_mem>>)
    %scan3A = arith.constant 0 : i32
    %scan3A_13 = arith.constant 0 : i32
    %scan3A_14 = arith.constant 40 : i32
    %scan3A_15 = arith.addi %scan3A_13, %scan3A_14 : i32
    %scan3A_16 = arith.constant 1 : i32
    scf.for %scan3A_23 = %scan3A_13 to %scan3A_15 step %scan3A_16  : i32 {
      %mul3A_24 = arith.constant 2 : i32
      %mul3A_25 = arith.muli %mul3A_24, %scan3A_23 : i32
      %add3A_26 = arith.constant 1 : i32
      %add3A_27 = arith.addi %mul3A_25, %add3A_26 : i32
      %mul3A_28 = arith.constant 128 : i32
      %mul3A_29 = arith.muli %add3A_27, %mul3A_28 : i32
      %dma_start3A_30 = tpu.memref_slice %arg7[%mul3A_29] : memref<10240xi32, #tpu.memory_space<vmem>> -> memref<128xi32, #tpu.memory_space<vmem>>
      %dma_start3A_31 = arith.constant 0 : i32
      %dma_start3A_32 = arith.constant 0 : i32
      %dma_start3A_33 = tpu.memref_slice %arg11[%dma_start3A_31, %dma_start3A_32] : memref<10240x40xf32, #tpu.memory_space<vmem_shared>> -> memref<10240x40xf32, #tpu.memory_space<vmem_shared>>
      tpu.enqueue_indirect_dma source(%dma_start3A_33 : memref<10240x40xf32, #tpu.memory_space<vmem_shared>>) target(%arg10 : memref<128x40xf32, #tpu.memory_space<vmem>>) offsets(%dma_start3A_30 : memref<128xi32, #tpu.memory_space<vmem>>) semaphore(%arg14 : memref<!tpu.dma_semaphore, #tpu.memory_space<semaphore_mem>>)
      %dma_wait3A = arith.constant 0 : i32
      %dma_wait3A_34 = tpu.memref_slice %arg7[%dma_wait3A] : memref<10240xi32, #tpu.memory_space<vmem>> -> memref<128xi32, #tpu.memory_space<vmem>>
      %dma_wait3A_35 = arith.constant 0 : i32
      %dma_wait3A_36 = arith.constant 0 : i32
      %dma_wait3A_37 = tpu.memref_slice %arg11[%dma_wait3A_35, %dma_wait3A_36] : memref<10240x40xf32, #tpu.memory_space<vmem_shared>> -> memref<10240x40xf32, #tpu.memory_space<vmem_shared>>
      tpu.wait_indirect_dma semaphore(%arg13 : memref<!tpu.dma_semaphore, #tpu.memory_space<semaphore_mem>>) src(%dma_wait3A_37 : memref<10240x40xf32, #tpu.memory_space<vmem_shared>>) dst(%arg9 : memref<128x40xf32, #tpu.memory_space<vmem>>)
      "tpu.region"() ({
        %run_scoped3A = tpu.sem_alloc : memref<!tpu.dma_semaphore, #tpu.memory_space<semaphore_mem>>
        %dma_start3A_47 = arith.constant 0 : i32
        %dma_start3A_48 = tpu.memref_slice %arg8[%mul3A_25, %dma_start3A_47] : memref<80x128xi32, #tpu.memory_space<vmem>> -> memref<1x128xi32, #tpu.memory_space<vmem>>
        %dma_start3A_49 = tpu.memref_squeeze %dma_start3A_48 : memref<1x128xi32, #tpu.memory_space<vmem>> -> memref<128xi32, #tpu.memory_space<vmem>>
        %dma_start3A_50 = arith.constant 0 : i32
        %dma_start3A_51 = arith.constant 0 : i32
        %dma_start3A_52 = tpu.memref_slice %arg12[%dma_start3A_50, %dma_start3A_51] : memref<10240x40xf32, #tpu.memory_space<vmem_shared>> -> memref<10240x40xf32, #tpu.memory_space<vmem_shared>>
        tpu.enqueue_indirect_dma source(%arg9 : memref<128x40xf32, #tpu.memory_space<vmem>>) target(%dma_start3A_52 : memref<10240x40xf32, #tpu.memory_space<vmem_shared>>) offsets(%dma_start3A_49 : memref<128xi32, #tpu.memory_space<vmem>>) semaphore(%run_scoped3A : memref<!tpu.dma_semaphore, #tpu.memory_space<semaphore_mem>>) {add = true}
        %dma_wait3A_53 = arith.constant 0 : i32
        %dma_wait3A_54 = tpu.memref_slice %arg8[%mul3A_25, %dma_wait3A_53] : memref<80x128xi32, #tpu.memory_space<vmem>> -> memref<1x128xi32, #tpu.memory_space<vmem>>
        %dma_wait3A_55 = tpu.memref_squeeze %dma_wait3A_54 : memref<1x128xi32, #tpu.memory_space<vmem>> -> memref<128xi32, #tpu.memory_space<vmem>>
        %dma_wait3A_56 = arith.constant 0 : i32
        %dma_wait3A_57 = arith.constant 0 : i32
        %dma_wait3A_58 = tpu.memref_slice %arg12[%dma_wait3A_56, %dma_wait3A_57] : memref<10240x40xf32, #tpu.memory_space<vmem_shared>> -> memref<10240x40xf32, #tpu.memory_space<vmem_shared>>
        tpu.wait_indirect_dma semaphore(%run_scoped3A : memref<!tpu.dma_semaphore, #tpu.memory_space<semaphore_mem>>) src(%arg9 : memref<128x40xf32, #tpu.memory_space<vmem>>) dst(%dma_wait3A_58 : memref<10240x40xf32, #tpu.memory_space<vmem_shared>>)
        tpu.yield
      }) : () -> ()
      %add3A_38 = arith.constant 1 : i32
      %add3A_39 = arith.addi %add3A_27, %add3A_38 : i32
      %lt3A = arith.constant 80 : i32
      %lt3A_40 = arith.cmpi slt, %add3A_39, %lt3A : i32
      %convert_element_type3A = arith.extui %lt3A_40 : i1 to i32
      %cond3A = arith.constant 0 : i32
      %cond3A_41 = arith.cmpi ne, %convert_element_type3A, %cond3A : i32
      scf.if %cond3A_41 {
        %add3A_47 = arith.constant 1 : i32
        %add3A_48 = arith.addi %add3A_27, %add3A_47 : i32
        %mul3A_49 = arith.constant 128 : i32
        %mul3A_50 = arith.muli %add3A_48, %mul3A_49 : i32
        %dma_start3A_51 = tpu.memref_slice %arg7[%mul3A_50] : memref<10240xi32, #tpu.memory_space<vmem>> -> memref<128xi32, #tpu.memory_space<vmem>>
        %dma_start3A_52 = arith.constant 0 : i32
        %dma_start3A_53 = arith.constant 0 : i32
        %dma_start3A_54 = tpu.memref_slice %arg11[%dma_start3A_52, %dma_start3A_53] : memref<10240x40xf32, #tpu.memory_space<vmem_shared>> -> memref<10240x40xf32, #tpu.memory_space<vmem_shared>>
        tpu.enqueue_indirect_dma source(%dma_start3A_54 : memref<10240x40xf32, #tpu.memory_space<vmem_shared>>) target(%arg9 : memref<128x40xf32, #tpu.memory_space<vmem>>) offsets(%dma_start3A_51 : memref<128xi32, #tpu.memory_space<vmem>>) semaphore(%arg13 : memref<!tpu.dma_semaphore, #tpu.memory_space<semaphore_mem>>)
      } else {
      }
      %dma_wait3A_42 = arith.constant 0 : i32
      %dma_wait3A_43 = tpu.memref_slice %arg7[%dma_wait3A_42] : memref<10240xi32, #tpu.memory_space<vmem>> -> memref<128xi32, #tpu.memory_space<vmem>>
      %dma_wait3A_44 = arith.constant 0 : i32
      %dma_wait3A_45 = arith.constant 0 : i32
      %dma_wait3A_46 = tpu.memref_slice %arg11[%dma_wait3A_44, %dma_wait3A_45] : memref<10240x40xf32, #tpu.memory_space<vmem_shared>> -> memref<10240x40xf32, #tpu.memory_space<vmem_shared>>
      tpu.wait_indirect_dma semaphore(%arg14 : memref<!tpu.dma_semaphore, #tpu.memory_space<semaphore_mem>>) src(%dma_wait3A_46 : memref<10240x40xf32, #tpu.memory_space<vmem_shared>>) dst(%arg10 : memref<128x40xf32, #tpu.memory_space<vmem>>)
      "tpu.region"() ({
        %run_scoped3A = tpu.sem_alloc : memref<!tpu.dma_semaphore, #tpu.memory_space<semaphore_mem>>
        %dma_start3A_47 = arith.constant 0 : i32
        %dma_start3A_48 = tpu.memref_slice %arg8[%add3A_27, %dma_start3A_47] : memref<80x128xi32, #tpu.memory_space<vmem>> -> memref<1x128xi32, #tpu.memory_space<vmem>>
        %dma_start3A_49 = tpu.memref_squeeze %dma_start3A_48 : memref<1x128xi32, #tpu.memory_space<vmem>> -> memref<128xi32, #tpu.memory_space<vmem>>
        %dma_start3A_50 = arith.constant 0 : i32
        %dma_start3A_51 = arith.constant 0 : i32
        %dma_start3A_52 = tpu.memref_slice %arg12[%dma_start3A_50, %dma_start3A_51] : memref<10240x40xf32, #tpu.memory_space<vmem_shared>> -> memref<10240x40xf32, #tpu.memory_space<vmem_shared>>
        tpu.enqueue_indirect_dma source(%arg10 : memref<128x40xf32, #tpu.memory_space<vmem>>) target(%dma_start3A_52 : memref<10240x40xf32, #tpu.memory_space<vmem_shared>>) offsets(%dma_start3A_49 : memref<128xi32, #tpu.memory_space<vmem>>) semaphore(%run_scoped3A : memref<!tpu.dma_semaphore, #tpu.memory_space<semaphore_mem>>) {add = true}
        %dma_wait3A_53 = arith.constant 0 : i32
        %dma_wait3A_54 = tpu.memref_slice %arg8[%add3A_27, %dma_wait3A_53] : memref<80x128xi32, #tpu.memory_space<vmem>> -> memref<1x128xi32, #tpu.memory_space<vmem>>
        %dma_wait3A_55 = tpu.memref_squeeze %dma_wait3A_54 : memref<1x128xi32, #tpu.memory_space<vmem>> -> memref<128xi32, #tpu.memory_space<vmem>>
        %dma_wait3A_56 = arith.constant 0 : i32
        %dma_wait3A_57 = arith.constant 0 : i32
        %dma_wait3A_58 = tpu.memref_slice %arg12[%dma_wait3A_56, %dma_wait3A_57] : memref<10240x40xf32, #tpu.memory_space<vmem_shared>> -> memref<10240x40xf32, #tpu.memory_space<vmem_shared>>
        tpu.wait_indirect_dma semaphore(%run_scoped3A : memref<!tpu.dma_semaphore, #tpu.memory_space<semaphore_mem>>) src(%arg10 : memref<128x40xf32, #tpu.memory_space<vmem>>) dst(%dma_wait3A_58 : memref<10240x40xf32, #tpu.memory_space<vmem_shared>>)
        tpu.yield
      }) : () -> ()
    }
    %scan3A_17 = arith.constant 40 : i32
    %barrier3A_18 = arith.constant 0 : index
    tpu.barrier barrier_id(%barrier3A_18)
    %mul3A_19 = arith.constant 640 : i32
    %mul3A_20 = arith.muli %arg1, %mul3A_19 : i32
    %mul3A_21 = arith.constant 640 : i32
    %mul3A_22 = arith.muli %arg1, %mul3A_21 : i32
    "tpu.region"() ({
      %run_scoped3A = tpu.sem_alloc : memref<!tpu.dma_semaphore, #tpu.memory_space<semaphore_mem>>
      %dma_start3A_23 = arith.constant 0 : i32
      %dma_start3A_24 = tpu.memref_slice %arg6[%arg0, %mul3A_22, %dma_start3A_23] : memref<2x10240x40xf32, #tpu.memory_space<hbm>> -> memref<1x640x40xf32, #tpu.memory_space<hbm>>
      %dma_start3A_25 = tpu.memref_squeeze %dma_start3A_24 : memref<1x640x40xf32, #tpu.memory_space<hbm>> -> memref<640x40xf32, #tpu.memory_space<hbm>>
      %dma_start3A_26 = arith.constant 0 : i32
      %dma_start3A_27 = tpu.memref_slice %arg12[%mul3A_20, %dma_start3A_26] : memref<10240x40xf32, #tpu.memory_space<vmem_shared>> -> memref<640x40xf32, #tpu.memory_space<vmem_shared>>
      tpu.enqueue_dma source(%dma_start3A_27 : memref<640x40xf32, #tpu.memory_space<vmem_shared>>) target(%dma_start3A_25 : memref<640x40xf32, #tpu.memory_space<hbm>>) target_semaphore(%run_scoped3A : memref<!tpu.dma_semaphore, #tpu.memory_space<semaphore_mem>>)
      %dma_wait3A = arith.constant 0 : i32
      %dma_wait3A_28 = tpu.memref_slice %arg6[%arg0, %mul3A_22, %dma_wait3A] : memref<2x10240x40xf32, #tpu.memory_space<hbm>> -> memref<1x640x40xf32, #tpu.memory_space<hbm>>
      %dma_wait3A_29 = tpu.memref_squeeze %dma_wait3A_28 : memref<1x640x40xf32, #tpu.memory_space<hbm>> -> memref<640x40xf32, #tpu.memory_space<hbm>>
      %dma_wait3A_30 = arith.constant 0 : i32
      %dma_wait3A_31 = tpu.memref_slice %arg12[%mul3A_20, %dma_wait3A_30] : memref<10240x40xf32, #tpu.memory_space<vmem_shared>> -> memref<640x40xf32, #tpu.memory_space<vmem_shared>>
      tpu.wait_dma2 semaphore(%run_scoped3A : memref<!tpu.dma_semaphore, #tpu.memory_space<semaphore_mem>>) src(%dma_wait3A_31 : memref<640x40xf32, #tpu.memory_space<vmem_shared>>) dst(%dma_wait3A_29 : memref<640x40xf32, #tpu.memory_space<hbm>>)
      tpu.yield
    }) : () -> ()
    return
  }
}

#map = affine_map<(d0, d1) -> (0, 0, 0)>
#map1 = affine_map<(d0, d1) -> (0, 0)>
module attributes {stable_mosaic.version = 14 : i64} {
  func.func @_spmm_split(%arg0: i32, %arg1: i32, %arg2: memref<2x10240x64xf32, #tpu.memory_space<hbm>>, %arg3: memref<32x10240xi32, #tpu.memory_space<hbm>>, %arg4: memref<32x80x128xi32, #tpu.memory_space<hbm>>, %arg5: memref<10240x64xf32, #tpu.memory_space<hbm>>, %arg6: memref<2x10240x64xf32, #tpu.memory_space<hbm>>, %arg7: memref<10240xi32, #tpu.memory_space<vmem>>, %arg8: memref<80x128xi32, #tpu.memory_space<vmem>>, %arg9: memref<128x64xf32, #tpu.memory_space<vmem>>, %arg10: memref<128x64xf32, #tpu.memory_space<vmem>>, %arg11: memref<10240x64xf32, #tpu.memory_space<vmem_shared>>, %arg12: memref<10240x64xf32, #tpu.memory_space<vmem_shared>>, %arg13: memref<!tpu.dma_semaphore, #tpu.memory_space<semaphore_mem>>, %arg14: memref<!tpu.dma_semaphore, #tpu.memory_space<semaphore_mem>>) attributes {dimension_semantics = [#tpu.dimension_semantics<core_parallel>, #tpu.dimension_semantics<subcore_parallel>], iteration_bounds = array<i64: 2, 16>, scalar_prefetch = 0 : i64, scratch_operands = 8 : i64, tpu.core_type = #tpu.core_type<sc_vector_subcore>, window_params = [{transform_indices = #map}, {transform_indices = #map1}, {transform_indices = #map}, {transform_indices = #map1}, {transform_indices = #map}]} {
    %mul3A = arith.constant 640 : i32
    %mul3A_0 = arith.muli %arg1, %mul3A : i32
    %mul3A_1 = arith.constant 640 : i32
    %mul3A_2 = arith.muli %arg1, %mul3A_1 : i32
    "tpu.region"() ({
      %run_scoped3A = tpu.sem_alloc : memref<!tpu.dma_semaphore, #tpu.memory_space<semaphore_mem>>
      %dma_start3A_69 = arith.constant 0 : i32
      %dma_start3A_70 = tpu.memref_slice %arg11[%mul3A_2, %dma_start3A_69] : memref<10240x64xf32, #tpu.memory_space<vmem_shared>> -> memref<640x64xf32, #tpu.memory_space<vmem_shared>>
      %dma_start3A_71 = arith.constant 0 : i32
      %dma_start3A_72 = tpu.memref_slice %arg2[%arg0, %mul3A_0, %dma_start3A_71] : memref<2x10240x64xf32, #tpu.memory_space<hbm>> -> memref<1x640x64xf32, #tpu.memory_space<hbm>>
      %dma_start3A_73 = tpu.memref_squeeze %dma_start3A_72 : memref<1x640x64xf32, #tpu.memory_space<hbm>> -> memref<640x64xf32, #tpu.memory_space<hbm>>
      tpu.enqueue_dma source(%dma_start3A_73 : memref<640x64xf32, #tpu.memory_space<hbm>>) target(%dma_start3A_70 : memref<640x64xf32, #tpu.memory_space<vmem_shared>>) target_semaphore(%run_scoped3A : memref<!tpu.dma_semaphore, #tpu.memory_space<semaphore_mem>>)
      %dma_wait3A = arith.constant 0 : i32
      %dma_wait3A_74 = tpu.memref_slice %arg11[%mul3A_2, %dma_wait3A] : memref<10240x64xf32, #tpu.memory_space<vmem_shared>> -> memref<640x64xf32, #tpu.memory_space<vmem_shared>>
      %dma_wait3A_75 = arith.constant 0 : i32
      %dma_wait3A_76 = tpu.memref_slice %arg2[%arg0, %mul3A_0, %dma_wait3A_75] : memref<2x10240x64xf32, #tpu.memory_space<hbm>> -> memref<1x640x64xf32, #tpu.memory_space<hbm>>
      %dma_wait3A_77 = tpu.memref_squeeze %dma_wait3A_76 : memref<1x640x64xf32, #tpu.memory_space<hbm>> -> memref<640x64xf32, #tpu.memory_space<hbm>>
      tpu.wait_dma2 semaphore(%run_scoped3A : memref<!tpu.dma_semaphore, #tpu.memory_space<semaphore_mem>>) src(%dma_wait3A_77 : memref<640x64xf32, #tpu.memory_space<hbm>>) dst(%dma_wait3A_74 : memref<640x64xf32, #tpu.memory_space<vmem_shared>>)
      tpu.yield
    }) : () -> ()
    %mul3A_3 = arith.constant 640 : i32
    %mul3A_4 = arith.muli %arg1, %mul3A_3 : i32
    %mul3A_5 = arith.constant 640 : i32
    %mul3A_6 = arith.muli %arg1, %mul3A_5 : i32
    "tpu.region"() ({
      %run_scoped3A = tpu.sem_alloc : memref<!tpu.dma_semaphore, #tpu.memory_space<semaphore_mem>>
      %dma_start3A_69 = arith.constant 0 : i32
      %dma_start3A_70 = tpu.memref_slice %arg12[%mul3A_6, %dma_start3A_69] : memref<10240x64xf32, #tpu.memory_space<vmem_shared>> -> memref<640x64xf32, #tpu.memory_space<vmem_shared>>
      %dma_start3A_71 = arith.constant 0 : i32
      %dma_start3A_72 = tpu.memref_slice %arg5[%mul3A_4, %dma_start3A_71] : memref<10240x64xf32, #tpu.memory_space<hbm>> -> memref<640x64xf32, #tpu.memory_space<hbm>>
      tpu.enqueue_dma source(%dma_start3A_72 : memref<640x64xf32, #tpu.memory_space<hbm>>) target(%dma_start3A_70 : memref<640x64xf32, #tpu.memory_space<vmem_shared>>) target_semaphore(%run_scoped3A : memref<!tpu.dma_semaphore, #tpu.memory_space<semaphore_mem>>)
      %dma_wait3A = arith.constant 0 : i32
      %dma_wait3A_73 = tpu.memref_slice %arg12[%mul3A_6, %dma_wait3A] : memref<10240x64xf32, #tpu.memory_space<vmem_shared>> -> memref<640x64xf32, #tpu.memory_space<vmem_shared>>
      %dma_wait3A_74 = arith.constant 0 : i32
      %dma_wait3A_75 = tpu.memref_slice %arg5[%mul3A_4, %dma_wait3A_74] : memref<10240x64xf32, #tpu.memory_space<hbm>> -> memref<640x64xf32, #tpu.memory_space<hbm>>
      tpu.wait_dma2 semaphore(%run_scoped3A : memref<!tpu.dma_semaphore, #tpu.memory_space<semaphore_mem>>) src(%dma_wait3A_75 : memref<640x64xf32, #tpu.memory_space<hbm>>) dst(%dma_wait3A_73 : memref<640x64xf32, #tpu.memory_space<vmem_shared>>)
      tpu.yield
    }) : () -> ()
    %barrier3A = arith.constant 0 : index
    tpu.barrier barrier_id(%barrier3A)
    %mul3A_7 = arith.constant 2 : i32
    %mul3A_8 = arith.muli %arg1, %mul3A_7 : i32
    %add3A = arith.constant 0 : i32
    %add3A_9 = arith.addi %mul3A_8, %add3A : i32
    "tpu.region"() ({
      %run_scoped3A = tpu.sem_alloc : memref<!tpu.dma_semaphore, #tpu.memory_space<semaphore_mem>>
      %dma_start3A_69 = arith.constant 0 : i32
      %dma_start3A_70 = tpu.memref_slice %arg3[%add3A_9, %dma_start3A_69] : memref<32x10240xi32, #tpu.memory_space<hbm>> -> memref<1x10240xi32, #tpu.memory_space<hbm>>
      %dma_start3A_71 = tpu.memref_squeeze %dma_start3A_70 : memref<1x10240xi32, #tpu.memory_space<hbm>> -> memref<10240xi32, #tpu.memory_space<hbm>>
      %dma_start3A_72 = arith.constant 0 : i32
      %dma_start3A_73 = tpu.memref_slice %arg3[%add3A_9, %dma_start3A_72] : memref<32x10240xi32, #tpu.memory_space<hbm>> -> memref<1x10240xi32, #tpu.memory_space<hbm>>
      %dma_start3A_74 = tpu.memref_squeeze %dma_start3A_73 : memref<1x10240xi32, #tpu.memory_space<hbm>> -> memref<10240xi32, #tpu.memory_space<hbm>>
      tpu.enqueue_dma source(%dma_start3A_74 : memref<10240xi32, #tpu.memory_space<hbm>>) target(%arg7 : memref<10240xi32, #tpu.memory_space<vmem>>) target_semaphore(%run_scoped3A : memref<!tpu.dma_semaphore, #tpu.memory_space<semaphore_mem>>)
      %dma_wait3A = arith.constant 0 : i32
      %dma_wait3A_75 = tpu.memref_slice %arg3[%add3A_9, %dma_wait3A] : memref<32x10240xi32, #tpu.memory_space<hbm>> -> memref<1x10240xi32, #tpu.memory_space<hbm>>
      %dma_wait3A_76 = tpu.memref_squeeze %dma_wait3A_75 : memref<1x10240xi32, #tpu.memory_space<hbm>> -> memref<10240xi32, #tpu.memory_space<hbm>>
      %dma_wait3A_77 = arith.constant 0 : i32
      %dma_wait3A_78 = tpu.memref_slice %arg3[%add3A_9, %dma_wait3A_77] : memref<32x10240xi32, #tpu.memory_space<hbm>> -> memref<1x10240xi32, #tpu.memory_space<hbm>>
      %dma_wait3A_79 = tpu.memref_squeeze %dma_wait3A_78 : memref<1x10240xi32, #tpu.memory_space<hbm>> -> memref<10240xi32, #tpu.memory_space<hbm>>
      tpu.wait_dma2 semaphore(%run_scoped3A : memref<!tpu.dma_semaphore, #tpu.memory_space<semaphore_mem>>) src(%dma_wait3A_79 : memref<10240xi32, #tpu.memory_space<hbm>>) dst(%arg7 : memref<10240xi32, #tpu.memory_space<vmem>>)
      tpu.yield
    }) : () -> ()
    "tpu.region"() ({
      %run_scoped3A = tpu.sem_alloc : memref<!tpu.dma_semaphore, #tpu.memory_space<semaphore_mem>>
      %dma_start3A_69 = arith.constant 0 : i32
      %dma_start3A_70 = arith.constant 0 : i32
      %dma_start3A_71 = tpu.memref_slice %arg4[%add3A_9, %dma_start3A_69, %dma_start3A_70] : memref<32x80x128xi32, #tpu.memory_space<hbm>> -> memref<1x80x128xi32, #tpu.memory_space<hbm>>
      %dma_start3A_72 = tpu.memref_squeeze %dma_start3A_71 : memref<1x80x128xi32, #tpu.memory_space<hbm>> -> memref<80x128xi32, #tpu.memory_space<hbm>>
      %dma_start3A_73 = arith.constant 0 : i32
      %dma_start3A_74 = arith.constant 0 : i32
      %dma_start3A_75 = tpu.memref_slice %arg4[%add3A_9, %dma_start3A_73, %dma_start3A_74] : memref<32x80x128xi32, #tpu.memory_space<hbm>> -> memref<1x80x128xi32, #tpu.memory_space<hbm>>
      %dma_start3A_76 = tpu.memref_squeeze %dma_start3A_75 : memref<1x80x128xi32, #tpu.memory_space<hbm>> -> memref<80x128xi32, #tpu.memory_space<hbm>>
      tpu.enqueue_dma source(%dma_start3A_76 : memref<80x128xi32, #tpu.memory_space<hbm>>) target(%arg8 : memref<80x128xi32, #tpu.memory_space<vmem>>) target_semaphore(%run_scoped3A : memref<!tpu.dma_semaphore, #tpu.memory_space<semaphore_mem>>)
      %dma_wait3A = arith.constant 0 : i32
      %dma_wait3A_77 = arith.constant 0 : i32
      %dma_wait3A_78 = tpu.memref_slice %arg4[%add3A_9, %dma_wait3A, %dma_wait3A_77] : memref<32x80x128xi32, #tpu.memory_space<hbm>> -> memref<1x80x128xi32, #tpu.memory_space<hbm>>
      %dma_wait3A_79 = tpu.memref_squeeze %dma_wait3A_78 : memref<1x80x128xi32, #tpu.memory_space<hbm>> -> memref<80x128xi32, #tpu.memory_space<hbm>>
      %dma_wait3A_80 = arith.constant 0 : i32
      %dma_wait3A_81 = arith.constant 0 : i32
      %dma_wait3A_82 = tpu.memref_slice %arg4[%add3A_9, %dma_wait3A_80, %dma_wait3A_81] : memref<32x80x128xi32, #tpu.memory_space<hbm>> -> memref<1x80x128xi32, #tpu.memory_space<hbm>>
      %dma_wait3A_83 = tpu.memref_squeeze %dma_wait3A_82 : memref<1x80x128xi32, #tpu.memory_space<hbm>> -> memref<80x128xi32, #tpu.memory_space<hbm>>
      tpu.wait_dma2 semaphore(%run_scoped3A : memref<!tpu.dma_semaphore, #tpu.memory_space<semaphore_mem>>) src(%dma_wait3A_83 : memref<80x128xi32, #tpu.memory_space<hbm>>) dst(%arg8 : memref<80x128xi32, #tpu.memory_space<vmem>>)
      tpu.yield
    }) : () -> ()
    %dma_start3A = arith.constant 0 : i32
    %dma_start3A_10 = tpu.memref_slice %arg7[%dma_start3A] : memref<10240xi32, #tpu.memory_space<vmem>> -> memref<128xi32, #tpu.memory_space<vmem>>
    %dma_start3A_11 = arith.constant 0 : i32
    %dma_start3A_12 = arith.constant 0 : i32
    %dma_start3A_13 = tpu.memref_slice %arg2[%arg0, %dma_start3A_11, %dma_start3A_12] : memref<2x10240x64xf32, #tpu.memory_space<hbm>> -> memref<1x10240x64xf32, #tpu.memory_space<hbm>>
    %dma_start3A_14 = tpu.memref_squeeze %dma_start3A_13 : memref<1x10240x64xf32, #tpu.memory_space<hbm>> -> memref<10240x64xf32, #tpu.memory_space<hbm>>
    %dma_start3A_15 = arith.constant 0 : i32
    %dma_start3A_16 = arith.constant 0 : i32
    %dma_start3A_17 = tpu.memref_slice %dma_start3A_14[%dma_start3A_15, %dma_start3A_16] : memref<10240x64xf32, #tpu.memory_space<hbm>> -> memref<10240x64xf32, #tpu.memory_space<hbm>>
    tpu.enqueue_indirect_dma source(%dma_start3A_17 : memref<10240x64xf32, #tpu.memory_space<hbm>>) target(%arg9 : memref<128x64xf32, #tpu.memory_space<vmem>>) offsets(%dma_start3A_10 : memref<128xi32, #tpu.memory_space<vmem>>) semaphore(%arg13 : memref<!tpu.dma_semaphore, #tpu.memory_space<semaphore_mem>>)
    %scan3A = arith.constant 0 : i32
    %scan3A_18 = arith.constant 0 : i32
    %scan3A_19 = arith.constant 38 : i32
    %scan3A_20 = arith.addi %scan3A_18, %scan3A_19 : i32
    %scan3A_21 = arith.constant 1 : i32
    scf.for %scan3A_69 = %scan3A_18 to %scan3A_20 step %scan3A_21  : i32 {
      %mul3A_70 = arith.constant 2 : i32
      %mul3A_71 = arith.muli %mul3A_70, %scan3A_69 : i32
      %add3A_72 = arith.constant 0 : i32
      %add3A_73 = arith.addi %add3A_72, %mul3A_71 : i32
      %add3A_74 = arith.constant 1 : i32
      %add3A_75 = arith.addi %add3A_73, %add3A_74 : i32
      %mul3A_76 = arith.constant 128 : i32
      %mul3A_77 = arith.muli %add3A_75, %mul3A_76 : i32
      %dma_start3A_78 = tpu.memref_slice %arg7[%mul3A_77] : memref<10240xi32, #tpu.memory_space<vmem>> -> memref<128xi32, #tpu.memory_space<vmem>>
      %dma_start3A_79 = arith.constant 0 : i32
      %dma_start3A_80 = arith.constant 0 : i32
      %dma_start3A_81 = tpu.memref_slice %arg2[%arg0, %dma_start3A_79, %dma_start3A_80] : memref<2x10240x64xf32, #tpu.memory_space<hbm>> -> memref<1x10240x64xf32, #tpu.memory_space<hbm>>
      %dma_start3A_82 = tpu.memref_squeeze %dma_start3A_81 : memref<1x10240x64xf32, #tpu.memory_space<hbm>> -> memref<10240x64xf32, #tpu.memory_space<hbm>>
      %dma_start3A_83 = arith.constant 0 : i32
      %dma_start3A_84 = arith.constant 0 : i32
      %dma_start3A_85 = tpu.memref_slice %dma_start3A_82[%dma_start3A_83, %dma_start3A_84] : memref<10240x64xf32, #tpu.memory_space<hbm>> -> memref<10240x64xf32, #tpu.memory_space<hbm>>
      tpu.enqueue_indirect_dma source(%dma_start3A_85 : memref<10240x64xf32, #tpu.memory_space<hbm>>) target(%arg10 : memref<128x64xf32, #tpu.memory_space<vmem>>) offsets(%dma_start3A_78 : memref<128xi32, #tpu.memory_space<vmem>>) semaphore(%arg14 : memref<!tpu.dma_semaphore, #tpu.memory_space<semaphore_mem>>)
      %dma_wait3A = arith.constant 0 : i32
      %dma_wait3A_86 = tpu.memref_slice %arg7[%dma_wait3A] : memref<10240xi32, #tpu.memory_space<vmem>> -> memref<128xi32, #tpu.memory_space<vmem>>
      %dma_wait3A_87 = arith.constant 0 : i32
      %dma_wait3A_88 = arith.constant 0 : i32
      %dma_wait3A_89 = tpu.memref_slice %arg11[%dma_wait3A_87, %dma_wait3A_88] : memref<10240x64xf32, #tpu.memory_space<vmem_shared>> -> memref<10240x64xf32, #tpu.memory_space<vmem_shared>>
      tpu.wait_indirect_dma semaphore(%arg13 : memref<!tpu.dma_semaphore, #tpu.memory_space<semaphore_mem>>) src(%dma_wait3A_89 : memref<10240x64xf32, #tpu.memory_space<vmem_shared>>) dst(%arg9 : memref<128x64xf32, #tpu.memory_space<vmem>>)
      "tpu.region"() ({
        %run_scoped3A = tpu.sem_alloc : memref<!tpu.dma_semaphore, #tpu.memory_space<semaphore_mem>>
        %dma_start3A_99 = arith.constant 0 : i32
        %dma_start3A_100 = tpu.memref_slice %arg8[%add3A_73, %dma_start3A_99] : memref<80x128xi32, #tpu.memory_space<vmem>> -> memref<1x128xi32, #tpu.memory_space<vmem>>
        %dma_start3A_101 = tpu.memref_squeeze %dma_start3A_100 : memref<1x128xi32, #tpu.memory_space<vmem>> -> memref<128xi32, #tpu.memory_space<vmem>>
        %dma_start3A_102 = arith.constant 0 : i32
        %dma_start3A_103 = arith.constant 0 : i32
        %dma_start3A_104 = tpu.memref_slice %arg12[%dma_start3A_102, %dma_start3A_103] : memref<10240x64xf32, #tpu.memory_space<vmem_shared>> -> memref<10240x64xf32, #tpu.memory_space<vmem_shared>>
        tpu.enqueue_indirect_dma source(%arg9 : memref<128x64xf32, #tpu.memory_space<vmem>>) target(%dma_start3A_104 : memref<10240x64xf32, #tpu.memory_space<vmem_shared>>) offsets(%dma_start3A_101 : memref<128xi32, #tpu.memory_space<vmem>>) semaphore(%run_scoped3A : memref<!tpu.dma_semaphore, #tpu.memory_space<semaphore_mem>>) {add = true}
        %dma_wait3A_105 = arith.constant 0 : i32
        %dma_wait3A_106 = tpu.memref_slice %arg8[%add3A_73, %dma_wait3A_105] : memref<80x128xi32, #tpu.memory_space<vmem>> -> memref<1x128xi32, #tpu.memory_space<vmem>>
        %dma_wait3A_107 = tpu.memref_squeeze %dma_wait3A_106 : memref<1x128xi32, #tpu.memory_space<vmem>> -> memref<128xi32, #tpu.memory_space<vmem>>
        %dma_wait3A_108 = arith.constant 0 : i32
        %dma_wait3A_109 = arith.constant 0 : i32
        %dma_wait3A_110 = tpu.memref_slice %arg12[%dma_wait3A_108, %dma_wait3A_109] : memref<10240x64xf32, #tpu.memory_space<vmem_shared>> -> memref<10240x64xf32, #tpu.memory_space<vmem_shared>>
        tpu.wait_indirect_dma semaphore(%run_scoped3A : memref<!tpu.dma_semaphore, #tpu.memory_space<semaphore_mem>>) src(%arg9 : memref<128x64xf32, #tpu.memory_space<vmem>>) dst(%dma_wait3A_110 : memref<10240x64xf32, #tpu.memory_space<vmem_shared>>)
        tpu.yield
      }) : () -> ()
      %add3A_90 = arith.constant 1 : i32
      %add3A_91 = arith.addi %add3A_75, %add3A_90 : i32
      %lt3A = arith.constant 76 : i32
      %lt3A_92 = arith.cmpi slt, %add3A_91, %lt3A : i32
      %convert_element_type3A = arith.extui %lt3A_92 : i1 to i32
      %cond3A = arith.constant 0 : i32
      %cond3A_93 = arith.cmpi ne, %convert_element_type3A, %cond3A : i32
      scf.if %cond3A_93 {
        %add3A_99 = arith.constant 1 : i32
        %add3A_100 = arith.addi %add3A_75, %add3A_99 : i32
        %mul3A_101 = arith.constant 128 : i32
        %mul3A_102 = arith.muli %add3A_100, %mul3A_101 : i32
        %dma_start3A_103 = tpu.memref_slice %arg7[%mul3A_102] : memref<10240xi32, #tpu.memory_space<vmem>> -> memref<128xi32, #tpu.memory_space<vmem>>
        %dma_start3A_104 = arith.constant 0 : i32
        %dma_start3A_105 = arith.constant 0 : i32
        %dma_start3A_106 = tpu.memref_slice %arg2[%arg0, %dma_start3A_104, %dma_start3A_105] : memref<2x10240x64xf32, #tpu.memory_space<hbm>> -> memref<1x10240x64xf32, #tpu.memory_space<hbm>>
        %dma_start3A_107 = tpu.memref_squeeze %dma_start3A_106 : memref<1x10240x64xf32, #tpu.memory_space<hbm>> -> memref<10240x64xf32, #tpu.memory_space<hbm>>
        %dma_start3A_108 = arith.constant 0 : i32
        %dma_start3A_109 = arith.constant 0 : i32
        %dma_start3A_110 = tpu.memref_slice %dma_start3A_107[%dma_start3A_108, %dma_start3A_109] : memref<10240x64xf32, #tpu.memory_space<hbm>> -> memref<10240x64xf32, #tpu.memory_space<hbm>>
        tpu.enqueue_indirect_dma source(%dma_start3A_110 : memref<10240x64xf32, #tpu.memory_space<hbm>>) target(%arg9 : memref<128x64xf32, #tpu.memory_space<vmem>>) offsets(%dma_start3A_103 : memref<128xi32, #tpu.memory_space<vmem>>) semaphore(%arg13 : memref<!tpu.dma_semaphore, #tpu.memory_space<semaphore_mem>>)
      } else {
      }
      %dma_wait3A_94 = arith.constant 0 : i32
      %dma_wait3A_95 = tpu.memref_slice %arg7[%dma_wait3A_94] : memref<10240xi32, #tpu.memory_space<vmem>> -> memref<128xi32, #tpu.memory_space<vmem>>
      %dma_wait3A_96 = arith.constant 0 : i32
      %dma_wait3A_97 = arith.constant 0 : i32
      %dma_wait3A_98 = tpu.memref_slice %arg11[%dma_wait3A_96, %dma_wait3A_97] : memref<10240x64xf32, #tpu.memory_space<vmem_shared>> -> memref<10240x64xf32, #tpu.memory_space<vmem_shared>>
      tpu.wait_indirect_dma semaphore(%arg14 : memref<!tpu.dma_semaphore, #tpu.memory_space<semaphore_mem>>) src(%dma_wait3A_98 : memref<10240x64xf32, #tpu.memory_space<vmem_shared>>) dst(%arg10 : memref<128x64xf32, #tpu.memory_space<vmem>>)
      "tpu.region"() ({
        %run_scoped3A = tpu.sem_alloc : memref<!tpu.dma_semaphore, #tpu.memory_space<semaphore_mem>>
        %dma_start3A_99 = arith.constant 0 : i32
        %dma_start3A_100 = tpu.memref_slice %arg8[%add3A_75, %dma_start3A_99] : memref<80x128xi32, #tpu.memory_space<vmem>> -> memref<1x128xi32, #tpu.memory_space<vmem>>
        %dma_start3A_101 = tpu.memref_squeeze %dma_start3A_100 : memref<1x128xi32, #tpu.memory_space<vmem>> -> memref<128xi32, #tpu.memory_space<vmem>>
        %dma_start3A_102 = arith.constant 0 : i32
        %dma_start3A_103 = arith.constant 0 : i32
        %dma_start3A_104 = tpu.memref_slice %arg12[%dma_start3A_102, %dma_start3A_103] : memref<10240x64xf32, #tpu.memory_space<vmem_shared>> -> memref<10240x64xf32, #tpu.memory_space<vmem_shared>>
        tpu.enqueue_indirect_dma source(%arg10 : memref<128x64xf32, #tpu.memory_space<vmem>>) target(%dma_start3A_104 : memref<10240x64xf32, #tpu.memory_space<vmem_shared>>) offsets(%dma_start3A_101 : memref<128xi32, #tpu.memory_space<vmem>>) semaphore(%run_scoped3A : memref<!tpu.dma_semaphore, #tpu.memory_space<semaphore_mem>>) {add = true}
        %dma_wait3A_105 = arith.constant 0 : i32
        %dma_wait3A_106 = tpu.memref_slice %arg8[%add3A_75, %dma_wait3A_105] : memref<80x128xi32, #tpu.memory_space<vmem>> -> memref<1x128xi32, #tpu.memory_space<vmem>>
        %dma_wait3A_107 = tpu.memref_squeeze %dma_wait3A_106 : memref<1x128xi32, #tpu.memory_space<vmem>> -> memref<128xi32, #tpu.memory_space<vmem>>
        %dma_wait3A_108 = arith.constant 0 : i32
        %dma_wait3A_109 = arith.constant 0 : i32
        %dma_wait3A_110 = tpu.memref_slice %arg12[%dma_wait3A_108, %dma_wait3A_109] : memref<10240x64xf32, #tpu.memory_space<vmem_shared>> -> memref<10240x64xf32, #tpu.memory_space<vmem_shared>>
        tpu.wait_indirect_dma semaphore(%run_scoped3A : memref<!tpu.dma_semaphore, #tpu.memory_space<semaphore_mem>>) src(%arg10 : memref<128x64xf32, #tpu.memory_space<vmem>>) dst(%dma_wait3A_110 : memref<10240x64xf32, #tpu.memory_space<vmem_shared>>)
        tpu.yield
      }) : () -> ()
    }
    %scan3A_22 = arith.constant 38 : i32
    %dma_start3A_23 = arith.constant 9728 : i32
    %dma_start3A_24 = tpu.memref_slice %arg7[%dma_start3A_23] : memref<10240xi32, #tpu.memory_space<vmem>> -> memref<128xi32, #tpu.memory_space<vmem>>
    %dma_start3A_25 = arith.constant 0 : i32
    %dma_start3A_26 = arith.constant 0 : i32
    %dma_start3A_27 = tpu.memref_slice %arg11[%dma_start3A_25, %dma_start3A_26] : memref<10240x64xf32, #tpu.memory_space<vmem_shared>> -> memref<10240x64xf32, #tpu.memory_space<vmem_shared>>
    tpu.enqueue_indirect_dma source(%dma_start3A_27 : memref<10240x64xf32, #tpu.memory_space<vmem_shared>>) target(%arg9 : memref<128x64xf32, #tpu.memory_space<vmem>>) offsets(%dma_start3A_24 : memref<128xi32, #tpu.memory_space<vmem>>) semaphore(%arg13 : memref<!tpu.dma_semaphore, #tpu.memory_space<semaphore_mem>>)
    %scan3A_28 = arith.constant 0 : i32
    %scan3A_29 = arith.constant 0 : i32
    %scan3A_30 = arith.constant 2 : i32
    %scan3A_31 = arith.addi %scan3A_29, %scan3A_30 : i32
    %scan3A_32 = arith.constant 1 : i32
    scf.for %scan3A_69 = %scan3A_29 to %scan3A_31 step %scan3A_32  : i32 {
      %mul3A_70 = arith.constant 2 : i32
      %mul3A_71 = arith.muli %mul3A_70, %scan3A_69 : i32
      %add3A_72 = arith.constant 76 : i32
      %add3A_73 = arith.addi %add3A_72, %mul3A_71 : i32
      %add3A_74 = arith.constant 1 : i32
      %add3A_75 = arith.addi %add3A_73, %add3A_74 : i32
      %mul3A_76 = arith.constant 128 : i32
      %mul3A_77 = arith.muli %add3A_75, %mul3A_76 : i32
      %dma_start3A_78 = tpu.memref_slice %arg7[%mul3A_77] : memref<10240xi32, #tpu.memory_space<vmem>> -> memref<128xi32, #tpu.memory_space<vmem>>
      %dma_start3A_79 = arith.constant 0 : i32
      %dma_start3A_80 = arith.constant 0 : i32
      %dma_start3A_81 = tpu.memref_slice %arg11[%dma_start3A_79, %dma_start3A_80] : memref<10240x64xf32, #tpu.memory_space<vmem_shared>> -> memref<10240x64xf32, #tpu.memory_space<vmem_shared>>
      tpu.enqueue_indirect_dma source(%dma_start3A_81 : memref<10240x64xf32, #tpu.memory_space<vmem_shared>>) target(%arg10 : memref<128x64xf32, #tpu.memory_space<vmem>>) offsets(%dma_start3A_78 : memref<128xi32, #tpu.memory_space<vmem>>) semaphore(%arg14 : memref<!tpu.dma_semaphore, #tpu.memory_space<semaphore_mem>>)
      %dma_wait3A = arith.constant 0 : i32
      %dma_wait3A_82 = tpu.memref_slice %arg7[%dma_wait3A] : memref<10240xi32, #tpu.memory_space<vmem>> -> memref<128xi32, #tpu.memory_space<vmem>>
      %dma_wait3A_83 = arith.constant 0 : i32
      %dma_wait3A_84 = arith.constant 0 : i32
      %dma_wait3A_85 = tpu.memref_slice %arg11[%dma_wait3A_83, %dma_wait3A_84] : memref<10240x64xf32, #tpu.memory_space<vmem_shared>> -> memref<10240x64xf32, #tpu.memory_space<vmem_shared>>
      tpu.wait_indirect_dma semaphore(%arg13 : memref<!tpu.dma_semaphore, #tpu.memory_space<semaphore_mem>>) src(%dma_wait3A_85 : memref<10240x64xf32, #tpu.memory_space<vmem_shared>>) dst(%arg9 : memref<128x64xf32, #tpu.memory_space<vmem>>)
      "tpu.region"() ({
        %run_scoped3A = tpu.sem_alloc : memref<!tpu.dma_semaphore, #tpu.memory_space<semaphore_mem>>
        %dma_start3A_95 = arith.constant 0 : i32
        %dma_start3A_96 = tpu.memref_slice %arg8[%add3A_73, %dma_start3A_95] : memref<80x128xi32, #tpu.memory_space<vmem>> -> memref<1x128xi32, #tpu.memory_space<vmem>>
        %dma_start3A_97 = tpu.memref_squeeze %dma_start3A_96 : memref<1x128xi32, #tpu.memory_space<vmem>> -> memref<128xi32, #tpu.memory_space<vmem>>
        %dma_start3A_98 = arith.constant 0 : i32
        %dma_start3A_99 = arith.constant 0 : i32
        %dma_start3A_100 = tpu.memref_slice %arg12[%dma_start3A_98, %dma_start3A_99] : memref<10240x64xf32, #tpu.memory_space<vmem_shared>> -> memref<10240x64xf32, #tpu.memory_space<vmem_shared>>
        tpu.enqueue_indirect_dma source(%arg9 : memref<128x64xf32, #tpu.memory_space<vmem>>) target(%dma_start3A_100 : memref<10240x64xf32, #tpu.memory_space<vmem_shared>>) offsets(%dma_start3A_97 : memref<128xi32, #tpu.memory_space<vmem>>) semaphore(%run_scoped3A : memref<!tpu.dma_semaphore, #tpu.memory_space<semaphore_mem>>) {add = true}
        %dma_wait3A_101 = arith.constant 0 : i32
        %dma_wait3A_102 = tpu.memref_slice %arg8[%add3A_73, %dma_wait3A_101] : memref<80x128xi32, #tpu.memory_space<vmem>> -> memref<1x128xi32, #tpu.memory_space<vmem>>
        %dma_wait3A_103 = tpu.memref_squeeze %dma_wait3A_102 : memref<1x128xi32, #tpu.memory_space<vmem>> -> memref<128xi32, #tpu.memory_space<vmem>>
        %dma_wait3A_104 = arith.constant 0 : i32
        %dma_wait3A_105 = arith.constant 0 : i32
        %dma_wait3A_106 = tpu.memref_slice %arg12[%dma_wait3A_104, %dma_wait3A_105] : memref<10240x64xf32, #tpu.memory_space<vmem_shared>> -> memref<10240x64xf32, #tpu.memory_space<vmem_shared>>
        tpu.wait_indirect_dma semaphore(%run_scoped3A : memref<!tpu.dma_semaphore, #tpu.memory_space<semaphore_mem>>) src(%arg9 : memref<128x64xf32, #tpu.memory_space<vmem>>) dst(%dma_wait3A_106 : memref<10240x64xf32, #tpu.memory_space<vmem_shared>>)
        tpu.yield
      }) : () -> ()
      %add3A_86 = arith.constant 1 : i32
      %add3A_87 = arith.addi %add3A_75, %add3A_86 : i32
      %lt3A = arith.constant 80 : i32
      %lt3A_88 = arith.cmpi slt, %add3A_87, %lt3A : i32
      %convert_element_type3A = arith.extui %lt3A_88 : i1 to i32
      %cond3A = arith.constant 0 : i32
      %cond3A_89 = arith.cmpi ne, %convert_element_type3A, %cond3A : i32
      scf.if %cond3A_89 {
        %add3A_95 = arith.constant 1 : i32
        %add3A_96 = arith.addi %add3A_75, %add3A_95 : i32
        %mul3A_97 = arith.constant 128 : i32
        %mul3A_98 = arith.muli %add3A_96, %mul3A_97 : i32
        %dma_start3A_99 = tpu.memref_slice %arg7[%mul3A_98] : memref<10240xi32, #tpu.memory_space<vmem>> -> memref<128xi32, #tpu.memory_space<vmem>>
        %dma_start3A_100 = arith.constant 0 : i32
        %dma_start3A_101 = arith.constant 0 : i32
        %dma_start3A_102 = tpu.memref_slice %arg11[%dma_start3A_100, %dma_start3A_101] : memref<10240x64xf32, #tpu.memory_space<vmem_shared>> -> memref<10240x64xf32, #tpu.memory_space<vmem_shared>>
        tpu.enqueue_indirect_dma source(%dma_start3A_102 : memref<10240x64xf32, #tpu.memory_space<vmem_shared>>) target(%arg9 : memref<128x64xf32, #tpu.memory_space<vmem>>) offsets(%dma_start3A_99 : memref<128xi32, #tpu.memory_space<vmem>>) semaphore(%arg13 : memref<!tpu.dma_semaphore, #tpu.memory_space<semaphore_mem>>)
      } else {
      }
      %dma_wait3A_90 = arith.constant 0 : i32
      %dma_wait3A_91 = tpu.memref_slice %arg7[%dma_wait3A_90] : memref<10240xi32, #tpu.memory_space<vmem>> -> memref<128xi32, #tpu.memory_space<vmem>>
      %dma_wait3A_92 = arith.constant 0 : i32
      %dma_wait3A_93 = arith.constant 0 : i32
      %dma_wait3A_94 = tpu.memref_slice %arg11[%dma_wait3A_92, %dma_wait3A_93] : memref<10240x64xf32, #tpu.memory_space<vmem_shared>> -> memref<10240x64xf32, #tpu.memory_space<vmem_shared>>
      tpu.wait_indirect_dma semaphore(%arg14 : memref<!tpu.dma_semaphore, #tpu.memory_space<semaphore_mem>>) src(%dma_wait3A_94 : memref<10240x64xf32, #tpu.memory_space<vmem_shared>>) dst(%arg10 : memref<128x64xf32, #tpu.memory_space<vmem>>)
      "tpu.region"() ({
        %run_scoped3A = tpu.sem_alloc : memref<!tpu.dma_semaphore, #tpu.memory_space<semaphore_mem>>
        %dma_start3A_95 = arith.constant 0 : i32
        %dma_start3A_96 = tpu.memref_slice %arg8[%add3A_75, %dma_start3A_95] : memref<80x128xi32, #tpu.memory_space<vmem>> -> memref<1x128xi32, #tpu.memory_space<vmem>>
        %dma_start3A_97 = tpu.memref_squeeze %dma_start3A_96 : memref<1x128xi32, #tpu.memory_space<vmem>> -> memref<128xi32, #tpu.memory_space<vmem>>
        %dma_start3A_98 = arith.constant 0 : i32
        %dma_start3A_99 = arith.constant 0 : i32
        %dma_start3A_100 = tpu.memref_slice %arg12[%dma_start3A_98, %dma_start3A_99] : memref<10240x64xf32, #tpu.memory_space<vmem_shared>> -> memref<10240x64xf32, #tpu.memory_space<vmem_shared>>
        tpu.enqueue_indirect_dma source(%arg10 : memref<128x64xf32, #tpu.memory_space<vmem>>) target(%dma_start3A_100 : memref<10240x64xf32, #tpu.memory_space<vmem_shared>>) offsets(%dma_start3A_97 : memref<128xi32, #tpu.memory_space<vmem>>) semaphore(%run_scoped3A : memref<!tpu.dma_semaphore, #tpu.memory_space<semaphore_mem>>) {add = true}
        %dma_wait3A_101 = arith.constant 0 : i32
        %dma_wait3A_102 = tpu.memref_slice %arg8[%add3A_75, %dma_wait3A_101] : memref<80x128xi32, #tpu.memory_space<vmem>> -> memref<1x128xi32, #tpu.memory_space<vmem>>
        %dma_wait3A_103 = tpu.memref_squeeze %dma_wait3A_102 : memref<1x128xi32, #tpu.memory_space<vmem>> -> memref<128xi32, #tpu.memory_space<vmem>>
        %dma_wait3A_104 = arith.constant 0 : i32
        %dma_wait3A_105 = arith.constant 0 : i32
        %dma_wait3A_106 = tpu.memref_slice %arg12[%dma_wait3A_104, %dma_wait3A_105] : memref<10240x64xf32, #tpu.memory_space<vmem_shared>> -> memref<10240x64xf32, #tpu.memory_space<vmem_shared>>
        tpu.wait_indirect_dma semaphore(%run_scoped3A : memref<!tpu.dma_semaphore, #tpu.memory_space<semaphore_mem>>) src(%arg10 : memref<128x64xf32, #tpu.memory_space<vmem>>) dst(%dma_wait3A_106 : memref<10240x64xf32, #tpu.memory_space<vmem_shared>>)
        tpu.yield
      }) : () -> ()
    }
    %scan3A_33 = arith.constant 2 : i32
    %mul3A_34 = arith.constant 2 : i32
    %mul3A_35 = arith.muli %arg1, %mul3A_34 : i32
    %add3A_36 = arith.constant 1 : i32
    %add3A_37 = arith.addi %mul3A_35, %add3A_36 : i32
    "tpu.region"() ({
      %run_scoped3A = tpu.sem_alloc : memref<!tpu.dma_semaphore, #tpu.memory_space<semaphore_mem>>
      %dma_start3A_69 = arith.constant 0 : i32
      %dma_start3A_70 = tpu.memref_slice %arg3[%add3A_37, %dma_start3A_69] : memref<32x10240xi32, #tpu.memory_space<hbm>> -> memref<1x10240xi32, #tpu.memory_space<hbm>>
      %dma_start3A_71 = tpu.memref_squeeze %dma_start3A_70 : memref<1x10240xi32, #tpu.memory_space<hbm>> -> memref<10240xi32, #tpu.memory_space<hbm>>
      %dma_start3A_72 = arith.constant 0 : i32
      %dma_start3A_73 = tpu.memref_slice %arg3[%add3A_37, %dma_start3A_72] : memref<32x10240xi32, #tpu.memory_space<hbm>> -> memref<1x10240xi32, #tpu.memory_space<hbm>>
      %dma_start3A_74 = tpu.memref_squeeze %dma_start3A_73 : memref<1x10240xi32, #tpu.memory_space<hbm>> -> memref<10240xi32, #tpu.memory_space<hbm>>
      tpu.enqueue_dma source(%dma_start3A_74 : memref<10240xi32, #tpu.memory_space<hbm>>) target(%arg7 : memref<10240xi32, #tpu.memory_space<vmem>>) target_semaphore(%run_scoped3A : memref<!tpu.dma_semaphore, #tpu.memory_space<semaphore_mem>>)
      %dma_wait3A = arith.constant 0 : i32
      %dma_wait3A_75 = tpu.memref_slice %arg3[%add3A_37, %dma_wait3A] : memref<32x10240xi32, #tpu.memory_space<hbm>> -> memref<1x10240xi32, #tpu.memory_space<hbm>>
      %dma_wait3A_76 = tpu.memref_squeeze %dma_wait3A_75 : memref<1x10240xi32, #tpu.memory_space<hbm>> -> memref<10240xi32, #tpu.memory_space<hbm>>
      %dma_wait3A_77 = arith.constant 0 : i32
      %dma_wait3A_78 = tpu.memref_slice %arg3[%add3A_37, %dma_wait3A_77] : memref<32x10240xi32, #tpu.memory_space<hbm>> -> memref<1x10240xi32, #tpu.memory_space<hbm>>
      %dma_wait3A_79 = tpu.memref_squeeze %dma_wait3A_78 : memref<1x10240xi32, #tpu.memory_space<hbm>> -> memref<10240xi32, #tpu.memory_space<hbm>>
      tpu.wait_dma2 semaphore(%run_scoped3A : memref<!tpu.dma_semaphore, #tpu.memory_space<semaphore_mem>>) src(%dma_wait3A_79 : memref<10240xi32, #tpu.memory_space<hbm>>) dst(%arg7 : memref<10240xi32, #tpu.memory_space<vmem>>)
      tpu.yield
    }) : () -> ()
    "tpu.region"() ({
      %run_scoped3A = tpu.sem_alloc : memref<!tpu.dma_semaphore, #tpu.memory_space<semaphore_mem>>
      %dma_start3A_69 = arith.constant 0 : i32
      %dma_start3A_70 = arith.constant 0 : i32
      %dma_start3A_71 = tpu.memref_slice %arg4[%add3A_37, %dma_start3A_69, %dma_start3A_70] : memref<32x80x128xi32, #tpu.memory_space<hbm>> -> memref<1x80x128xi32, #tpu.memory_space<hbm>>
      %dma_start3A_72 = tpu.memref_squeeze %dma_start3A_71 : memref<1x80x128xi32, #tpu.memory_space<hbm>> -> memref<80x128xi32, #tpu.memory_space<hbm>>
      %dma_start3A_73 = arith.constant 0 : i32
      %dma_start3A_74 = arith.constant 0 : i32
      %dma_start3A_75 = tpu.memref_slice %arg4[%add3A_37, %dma_start3A_73, %dma_start3A_74] : memref<32x80x128xi32, #tpu.memory_space<hbm>> -> memref<1x80x128xi32, #tpu.memory_space<hbm>>
      %dma_start3A_76 = tpu.memref_squeeze %dma_start3A_75 : memref<1x80x128xi32, #tpu.memory_space<hbm>> -> memref<80x128xi32, #tpu.memory_space<hbm>>
      tpu.enqueue_dma source(%dma_start3A_76 : memref<80x128xi32, #tpu.memory_space<hbm>>) target(%arg8 : memref<80x128xi32, #tpu.memory_space<vmem>>) target_semaphore(%run_scoped3A : memref<!tpu.dma_semaphore, #tpu.memory_space<semaphore_mem>>)
      %dma_wait3A = arith.constant 0 : i32
      %dma_wait3A_77 = arith.constant 0 : i32
      %dma_wait3A_78 = tpu.memref_slice %arg4[%add3A_37, %dma_wait3A, %dma_wait3A_77] : memref<32x80x128xi32, #tpu.memory_space<hbm>> -> memref<1x80x128xi32, #tpu.memory_space<hbm>>
      %dma_wait3A_79 = tpu.memref_squeeze %dma_wait3A_78 : memref<1x80x128xi32, #tpu.memory_space<hbm>> -> memref<80x128xi32, #tpu.memory_space<hbm>>
      %dma_wait3A_80 = arith.constant 0 : i32
      %dma_wait3A_81 = arith.constant 0 : i32
      %dma_wait3A_82 = tpu.memref_slice %arg4[%add3A_37, %dma_wait3A_80, %dma_wait3A_81] : memref<32x80x128xi32, #tpu.memory_space<hbm>> -> memref<1x80x128xi32, #tpu.memory_space<hbm>>
      %dma_wait3A_83 = tpu.memref_squeeze %dma_wait3A_82 : memref<1x80x128xi32, #tpu.memory_space<hbm>> -> memref<80x128xi32, #tpu.memory_space<hbm>>
      tpu.wait_dma2 semaphore(%run_scoped3A : memref<!tpu.dma_semaphore, #tpu.memory_space<semaphore_mem>>) src(%dma_wait3A_83 : memref<80x128xi32, #tpu.memory_space<hbm>>) dst(%arg8 : memref<80x128xi32, #tpu.memory_space<vmem>>)
      tpu.yield
    }) : () -> ()
    %dma_start3A_38 = arith.constant 0 : i32
    %dma_start3A_39 = tpu.memref_slice %arg7[%dma_start3A_38] : memref<10240xi32, #tpu.memory_space<vmem>> -> memref<128xi32, #tpu.memory_space<vmem>>
    %dma_start3A_40 = arith.constant 0 : i32
    %dma_start3A_41 = arith.constant 0 : i32
    %dma_start3A_42 = tpu.memref_slice %arg2[%arg0, %dma_start3A_40, %dma_start3A_41] : memref<2x10240x64xf32, #tpu.memory_space<hbm>> -> memref<1x10240x64xf32, #tpu.memory_space<hbm>>
    %dma_start3A_43 = tpu.memref_squeeze %dma_start3A_42 : memref<1x10240x64xf32, #tpu.memory_space<hbm>> -> memref<10240x64xf32, #tpu.memory_space<hbm>>
    %dma_start3A_44 = arith.constant 0 : i32
    %dma_start3A_45 = arith.constant 0 : i32
    %dma_start3A_46 = tpu.memref_slice %dma_start3A_43[%dma_start3A_44, %dma_start3A_45] : memref<10240x64xf32, #tpu.memory_space<hbm>> -> memref<10240x64xf32, #tpu.memory_space<hbm>>
    tpu.enqueue_indirect_dma source(%dma_start3A_46 : memref<10240x64xf32, #tpu.memory_space<hbm>>) target(%arg9 : memref<128x64xf32, #tpu.memory_space<vmem>>) offsets(%dma_start3A_39 : memref<128xi32, #tpu.memory_space<vmem>>) semaphore(%arg13 : memref<!tpu.dma_semaphore, #tpu.memory_space<semaphore_mem>>)
    %scan3A_47 = arith.constant 0 : i32
    %scan3A_48 = arith.constant 0 : i32
    %scan3A_49 = arith.constant 38 : i32
    %scan3A_50 = arith.addi %scan3A_48, %scan3A_49 : i32
    %scan3A_51 = arith.constant 1 : i32
    scf.for %scan3A_69 = %scan3A_48 to %scan3A_50 step %scan3A_51  : i32 {
      %mul3A_70 = arith.constant 2 : i32
      %mul3A_71 = arith.muli %mul3A_70, %scan3A_69 : i32
      %add3A_72 = arith.constant 0 : i32
      %add3A_73 = arith.addi %add3A_72, %mul3A_71 : i32
      %add3A_74 = arith.constant 1 : i32
      %add3A_75 = arith.addi %add3A_73, %add3A_74 : i32
      %mul3A_76 = arith.constant 128 : i32
      %mul3A_77 = arith.muli %add3A_75, %mul3A_76 : i32
      %dma_start3A_78 = tpu.memref_slice %arg7[%mul3A_77] : memref<10240xi32, #tpu.memory_space<vmem>> -> memref<128xi32, #tpu.memory_space<vmem>>
      %dma_start3A_79 = arith.constant 0 : i32
      %dma_start3A_80 = arith.constant 0 : i32
      %dma_start3A_81 = tpu.memref_slice %arg2[%arg0, %dma_start3A_79, %dma_start3A_80] : memref<2x10240x64xf32, #tpu.memory_space<hbm>> -> memref<1x10240x64xf32, #tpu.memory_space<hbm>>
      %dma_start3A_82 = tpu.memref_squeeze %dma_start3A_81 : memref<1x10240x64xf32, #tpu.memory_space<hbm>> -> memref<10240x64xf32, #tpu.memory_space<hbm>>
      %dma_start3A_83 = arith.constant 0 : i32
      %dma_start3A_84 = arith.constant 0 : i32
      %dma_start3A_85 = tpu.memref_slice %dma_start3A_82[%dma_start3A_83, %dma_start3A_84] : memref<10240x64xf32, #tpu.memory_space<hbm>> -> memref<10240x64xf32, #tpu.memory_space<hbm>>
      tpu.enqueue_indirect_dma source(%dma_start3A_85 : memref<10240x64xf32, #tpu.memory_space<hbm>>) target(%arg10 : memref<128x64xf32, #tpu.memory_space<vmem>>) offsets(%dma_start3A_78 : memref<128xi32, #tpu.memory_space<vmem>>) semaphore(%arg14 : memref<!tpu.dma_semaphore, #tpu.memory_space<semaphore_mem>>)
      %dma_wait3A = arith.constant 0 : i32
      %dma_wait3A_86 = tpu.memref_slice %arg7[%dma_wait3A] : memref<10240xi32, #tpu.memory_space<vmem>> -> memref<128xi32, #tpu.memory_space<vmem>>
      %dma_wait3A_87 = arith.constant 0 : i32
      %dma_wait3A_88 = arith.constant 0 : i32
      %dma_wait3A_89 = tpu.memref_slice %arg11[%dma_wait3A_87, %dma_wait3A_88] : memref<10240x64xf32, #tpu.memory_space<vmem_shared>> -> memref<10240x64xf32, #tpu.memory_space<vmem_shared>>
      tpu.wait_indirect_dma semaphore(%arg13 : memref<!tpu.dma_semaphore, #tpu.memory_space<semaphore_mem>>) src(%dma_wait3A_89 : memref<10240x64xf32, #tpu.memory_space<vmem_shared>>) dst(%arg9 : memref<128x64xf32, #tpu.memory_space<vmem>>)
      "tpu.region"() ({
        %run_scoped3A = tpu.sem_alloc : memref<!tpu.dma_semaphore, #tpu.memory_space<semaphore_mem>>
        %dma_start3A_99 = arith.constant 0 : i32
        %dma_start3A_100 = tpu.memref_slice %arg8[%add3A_73, %dma_start3A_99] : memref<80x128xi32, #tpu.memory_space<vmem>> -> memref<1x128xi32, #tpu.memory_space<vmem>>
        %dma_start3A_101 = tpu.memref_squeeze %dma_start3A_100 : memref<1x128xi32, #tpu.memory_space<vmem>> -> memref<128xi32, #tpu.memory_space<vmem>>
        %dma_start3A_102 = arith.constant 0 : i32
        %dma_start3A_103 = arith.constant 0 : i32
        %dma_start3A_104 = tpu.memref_slice %arg12[%dma_start3A_102, %dma_start3A_103] : memref<10240x64xf32, #tpu.memory_space<vmem_shared>> -> memref<10240x64xf32, #tpu.memory_space<vmem_shared>>
        tpu.enqueue_indirect_dma source(%arg9 : memref<128x64xf32, #tpu.memory_space<vmem>>) target(%dma_start3A_104 : memref<10240x64xf32, #tpu.memory_space<vmem_shared>>) offsets(%dma_start3A_101 : memref<128xi32, #tpu.memory_space<vmem>>) semaphore(%run_scoped3A : memref<!tpu.dma_semaphore, #tpu.memory_space<semaphore_mem>>) {add = true}
        %dma_wait3A_105 = arith.constant 0 : i32
        %dma_wait3A_106 = tpu.memref_slice %arg8[%add3A_73, %dma_wait3A_105] : memref<80x128xi32, #tpu.memory_space<vmem>> -> memref<1x128xi32, #tpu.memory_space<vmem>>
        %dma_wait3A_107 = tpu.memref_squeeze %dma_wait3A_106 : memref<1x128xi32, #tpu.memory_space<vmem>> -> memref<128xi32, #tpu.memory_space<vmem>>
        %dma_wait3A_108 = arith.constant 0 : i32
        %dma_wait3A_109 = arith.constant 0 : i32
        %dma_wait3A_110 = tpu.memref_slice %arg12[%dma_wait3A_108, %dma_wait3A_109] : memref<10240x64xf32, #tpu.memory_space<vmem_shared>> -> memref<10240x64xf32, #tpu.memory_space<vmem_shared>>
        tpu.wait_indirect_dma semaphore(%run_scoped3A : memref<!tpu.dma_semaphore, #tpu.memory_space<semaphore_mem>>) src(%arg9 : memref<128x64xf32, #tpu.memory_space<vmem>>) dst(%dma_wait3A_110 : memref<10240x64xf32, #tpu.memory_space<vmem_shared>>)
        tpu.yield
      }) : () -> ()
      %add3A_90 = arith.constant 1 : i32
      %add3A_91 = arith.addi %add3A_75, %add3A_90 : i32
      %lt3A = arith.constant 76 : i32
      %lt3A_92 = arith.cmpi slt, %add3A_91, %lt3A : i32
      %convert_element_type3A = arith.extui %lt3A_92 : i1 to i32
      %cond3A = arith.constant 0 : i32
      %cond3A_93 = arith.cmpi ne, %convert_element_type3A, %cond3A : i32
      scf.if %cond3A_93 {
        %add3A_99 = arith.constant 1 : i32
        %add3A_100 = arith.addi %add3A_75, %add3A_99 : i32
        %mul3A_101 = arith.constant 128 : i32
        %mul3A_102 = arith.muli %add3A_100, %mul3A_101 : i32
        %dma_start3A_103 = tpu.memref_slice %arg7[%mul3A_102] : memref<10240xi32, #tpu.memory_space<vmem>> -> memref<128xi32, #tpu.memory_space<vmem>>
        %dma_start3A_104 = arith.constant 0 : i32
        %dma_start3A_105 = arith.constant 0 : i32
        %dma_start3A_106 = tpu.memref_slice %arg2[%arg0, %dma_start3A_104, %dma_start3A_105] : memref<2x10240x64xf32, #tpu.memory_space<hbm>> -> memref<1x10240x64xf32, #tpu.memory_space<hbm>>
        %dma_start3A_107 = tpu.memref_squeeze %dma_start3A_106 : memref<1x10240x64xf32, #tpu.memory_space<hbm>> -> memref<10240x64xf32, #tpu.memory_space<hbm>>
        %dma_start3A_108 = arith.constant 0 : i32
        %dma_start3A_109 = arith.constant 0 : i32
        %dma_start3A_110 = tpu.memref_slice %dma_start3A_107[%dma_start3A_108, %dma_start3A_109] : memref<10240x64xf32, #tpu.memory_space<hbm>> -> memref<10240x64xf32, #tpu.memory_space<hbm>>
        tpu.enqueue_indirect_dma source(%dma_start3A_110 : memref<10240x64xf32, #tpu.memory_space<hbm>>) target(%arg9 : memref<128x64xf32, #tpu.memory_space<vmem>>) offsets(%dma_start3A_103 : memref<128xi32, #tpu.memory_space<vmem>>) semaphore(%arg13 : memref<!tpu.dma_semaphore, #tpu.memory_space<semaphore_mem>>)
      } else {
      }
      %dma_wait3A_94 = arith.constant 0 : i32
      %dma_wait3A_95 = tpu.memref_slice %arg7[%dma_wait3A_94] : memref<10240xi32, #tpu.memory_space<vmem>> -> memref<128xi32, #tpu.memory_space<vmem>>
      %dma_wait3A_96 = arith.constant 0 : i32
      %dma_wait3A_97 = arith.constant 0 : i32
      %dma_wait3A_98 = tpu.memref_slice %arg11[%dma_wait3A_96, %dma_wait3A_97] : memref<10240x64xf32, #tpu.memory_space<vmem_shared>> -> memref<10240x64xf32, #tpu.memory_space<vmem_shared>>
      tpu.wait_indirect_dma semaphore(%arg14 : memref<!tpu.dma_semaphore, #tpu.memory_space<semaphore_mem>>) src(%dma_wait3A_98 : memref<10240x64xf32, #tpu.memory_space<vmem_shared>>) dst(%arg10 : memref<128x64xf32, #tpu.memory_space<vmem>>)
      "tpu.region"() ({
        %run_scoped3A = tpu.sem_alloc : memref<!tpu.dma_semaphore, #tpu.memory_space<semaphore_mem>>
        %dma_start3A_99 = arith.constant 0 : i32
        %dma_start3A_100 = tpu.memref_slice %arg8[%add3A_75, %dma_start3A_99] : memref<80x128xi32, #tpu.memory_space<vmem>> -> memref<1x128xi32, #tpu.memory_space<vmem>>
        %dma_start3A_101 = tpu.memref_squeeze %dma_start3A_100 : memref<1x128xi32, #tpu.memory_space<vmem>> -> memref<128xi32, #tpu.memory_space<vmem>>
        %dma_start3A_102 = arith.constant 0 : i32
        %dma_start3A_103 = arith.constant 0 : i32
        %dma_start3A_104 = tpu.memref_slice %arg12[%dma_start3A_102, %dma_start3A_103] : memref<10240x64xf32, #tpu.memory_space<vmem_shared>> -> memref<10240x64xf32, #tpu.memory_space<vmem_shared>>
        tpu.enqueue_indirect_dma source(%arg10 : memref<128x64xf32, #tpu.memory_space<vmem>>) target(%dma_start3A_104 : memref<10240x64xf32, #tpu.memory_space<vmem_shared>>) offsets(%dma_start3A_101 : memref<128xi32, #tpu.memory_space<vmem>>) semaphore(%run_scoped3A : memref<!tpu.dma_semaphore, #tpu.memory_space<semaphore_mem>>) {add = true}
        %dma_wait3A_105 = arith.constant 0 : i32
        %dma_wait3A_106 = tpu.memref_slice %arg8[%add3A_75, %dma_wait3A_105] : memref<80x128xi32, #tpu.memory_space<vmem>> -> memref<1x128xi32, #tpu.memory_space<vmem>>
        %dma_wait3A_107 = tpu.memref_squeeze %dma_wait3A_106 : memref<1x128xi32, #tpu.memory_space<vmem>> -> memref<128xi32, #tpu.memory_space<vmem>>
        %dma_wait3A_108 = arith.constant 0 : i32
        %dma_wait3A_109 = arith.constant 0 : i32
        %dma_wait3A_110 = tpu.memref_slice %arg12[%dma_wait3A_108, %dma_wait3A_109] : memref<10240x64xf32, #tpu.memory_space<vmem_shared>> -> memref<10240x64xf32, #tpu.memory_space<vmem_shared>>
        tpu.wait_indirect_dma semaphore(%run_scoped3A : memref<!tpu.dma_semaphore, #tpu.memory_space<semaphore_mem>>) src(%arg10 : memref<128x64xf32, #tpu.memory_space<vmem>>) dst(%dma_wait3A_110 : memref<10240x64xf32, #tpu.memory_space<vmem_shared>>)
        tpu.yield
      }) : () -> ()
    }
    %scan3A_52 = arith.constant 38 : i32
    %dma_start3A_53 = arith.constant 9728 : i32
    %dma_start3A_54 = tpu.memref_slice %arg7[%dma_start3A_53] : memref<10240xi32, #tpu.memory_space<vmem>> -> memref<128xi32, #tpu.memory_space<vmem>>
    %dma_start3A_55 = arith.constant 0 : i32
    %dma_start3A_56 = arith.constant 0 : i32
    %dma_start3A_57 = tpu.memref_slice %arg11[%dma_start3A_55, %dma_start3A_56] : memref<10240x64xf32, #tpu.memory_space<vmem_shared>> -> memref<10240x64xf32, #tpu.memory_space<vmem_shared>>
    tpu.enqueue_indirect_dma source(%dma_start3A_57 : memref<10240x64xf32, #tpu.memory_space<vmem_shared>>) target(%arg9 : memref<128x64xf32, #tpu.memory_space<vmem>>) offsets(%dma_start3A_54 : memref<128xi32, #tpu.memory_space<vmem>>) semaphore(%arg13 : memref<!tpu.dma_semaphore, #tpu.memory_space<semaphore_mem>>)
    %scan3A_58 = arith.constant 0 : i32
    %scan3A_59 = arith.constant 0 : i32
    %scan3A_60 = arith.constant 2 : i32
    %scan3A_61 = arith.addi %scan3A_59, %scan3A_60 : i32
    %scan3A_62 = arith.constant 1 : i32
    scf.for %scan3A_69 = %scan3A_59 to %scan3A_61 step %scan3A_62  : i32 {
      %mul3A_70 = arith.constant 2 : i32
      %mul3A_71 = arith.muli %mul3A_70, %scan3A_69 : i32
      %add3A_72 = arith.constant 76 : i32
      %add3A_73 = arith.addi %add3A_72, %mul3A_71 : i32
      %add3A_74 = arith.constant 1 : i32
      %add3A_75 = arith.addi %add3A_73, %add3A_74 : i32
      %mul3A_76 = arith.constant 128 : i32
      %mul3A_77 = arith.muli %add3A_75, %mul3A_76 : i32
      %dma_start3A_78 = tpu.memref_slice %arg7[%mul3A_77] : memref<10240xi32, #tpu.memory_space<vmem>> -> memref<128xi32, #tpu.memory_space<vmem>>
      %dma_start3A_79 = arith.constant 0 : i32
      %dma_start3A_80 = arith.constant 0 : i32
      %dma_start3A_81 = tpu.memref_slice %arg11[%dma_start3A_79, %dma_start3A_80] : memref<10240x64xf32, #tpu.memory_space<vmem_shared>> -> memref<10240x64xf32, #tpu.memory_space<vmem_shared>>
      tpu.enqueue_indirect_dma source(%dma_start3A_81 : memref<10240x64xf32, #tpu.memory_space<vmem_shared>>) target(%arg10 : memref<128x64xf32, #tpu.memory_space<vmem>>) offsets(%dma_start3A_78 : memref<128xi32, #tpu.memory_space<vmem>>) semaphore(%arg14 : memref<!tpu.dma_semaphore, #tpu.memory_space<semaphore_mem>>)
      %dma_wait3A = arith.constant 0 : i32
      %dma_wait3A_82 = tpu.memref_slice %arg7[%dma_wait3A] : memref<10240xi32, #tpu.memory_space<vmem>> -> memref<128xi32, #tpu.memory_space<vmem>>
      %dma_wait3A_83 = arith.constant 0 : i32
      %dma_wait3A_84 = arith.constant 0 : i32
      %dma_wait3A_85 = tpu.memref_slice %arg11[%dma_wait3A_83, %dma_wait3A_84] : memref<10240x64xf32, #tpu.memory_space<vmem_shared>> -> memref<10240x64xf32, #tpu.memory_space<vmem_shared>>
      tpu.wait_indirect_dma semaphore(%arg13 : memref<!tpu.dma_semaphore, #tpu.memory_space<semaphore_mem>>) src(%dma_wait3A_85 : memref<10240x64xf32, #tpu.memory_space<vmem_shared>>) dst(%arg9 : memref<128x64xf32, #tpu.memory_space<vmem>>)
      "tpu.region"() ({
        %run_scoped3A = tpu.sem_alloc : memref<!tpu.dma_semaphore, #tpu.memory_space<semaphore_mem>>
        %dma_start3A_95 = arith.constant 0 : i32
        %dma_start3A_96 = tpu.memref_slice %arg8[%add3A_73, %dma_start3A_95] : memref<80x128xi32, #tpu.memory_space<vmem>> -> memref<1x128xi32, #tpu.memory_space<vmem>>
        %dma_start3A_97 = tpu.memref_squeeze %dma_start3A_96 : memref<1x128xi32, #tpu.memory_space<vmem>> -> memref<128xi32, #tpu.memory_space<vmem>>
        %dma_start3A_98 = arith.constant 0 : i32
        %dma_start3A_99 = arith.constant 0 : i32
        %dma_start3A_100 = tpu.memref_slice %arg12[%dma_start3A_98, %dma_start3A_99] : memref<10240x64xf32, #tpu.memory_space<vmem_shared>> -> memref<10240x64xf32, #tpu.memory_space<vmem_shared>>
        tpu.enqueue_indirect_dma source(%arg9 : memref<128x64xf32, #tpu.memory_space<vmem>>) target(%dma_start3A_100 : memref<10240x64xf32, #tpu.memory_space<vmem_shared>>) offsets(%dma_start3A_97 : memref<128xi32, #tpu.memory_space<vmem>>) semaphore(%run_scoped3A : memref<!tpu.dma_semaphore, #tpu.memory_space<semaphore_mem>>) {add = true}
        %dma_wait3A_101 = arith.constant 0 : i32
        %dma_wait3A_102 = tpu.memref_slice %arg8[%add3A_73, %dma_wait3A_101] : memref<80x128xi32, #tpu.memory_space<vmem>> -> memref<1x128xi32, #tpu.memory_space<vmem>>
        %dma_wait3A_103 = tpu.memref_squeeze %dma_wait3A_102 : memref<1x128xi32, #tpu.memory_space<vmem>> -> memref<128xi32, #tpu.memory_space<vmem>>
        %dma_wait3A_104 = arith.constant 0 : i32
        %dma_wait3A_105 = arith.constant 0 : i32
        %dma_wait3A_106 = tpu.memref_slice %arg12[%dma_wait3A_104, %dma_wait3A_105] : memref<10240x64xf32, #tpu.memory_space<vmem_shared>> -> memref<10240x64xf32, #tpu.memory_space<vmem_shared>>
        tpu.wait_indirect_dma semaphore(%run_scoped3A : memref<!tpu.dma_semaphore, #tpu.memory_space<semaphore_mem>>) src(%arg9 : memref<128x64xf32, #tpu.memory_space<vmem>>) dst(%dma_wait3A_106 : memref<10240x64xf32, #tpu.memory_space<vmem_shared>>)
        tpu.yield
      }) : () -> ()
      %add3A_86 = arith.constant 1 : i32
      %add3A_87 = arith.addi %add3A_75, %add3A_86 : i32
      %lt3A = arith.constant 80 : i32
      %lt3A_88 = arith.cmpi slt, %add3A_87, %lt3A : i32
      %convert_element_type3A = arith.extui %lt3A_88 : i1 to i32
      %cond3A = arith.constant 0 : i32
      %cond3A_89 = arith.cmpi ne, %convert_element_type3A, %cond3A : i32
      scf.if %cond3A_89 {
        %add3A_95 = arith.constant 1 : i32
        %add3A_96 = arith.addi %add3A_75, %add3A_95 : i32
        %mul3A_97 = arith.constant 128 : i32
        %mul3A_98 = arith.muli %add3A_96, %mul3A_97 : i32
        %dma_start3A_99 = tpu.memref_slice %arg7[%mul3A_98] : memref<10240xi32, #tpu.memory_space<vmem>> -> memref<128xi32, #tpu.memory_space<vmem>>
        %dma_start3A_100 = arith.constant 0 : i32
        %dma_start3A_101 = arith.constant 0 : i32
        %dma_start3A_102 = tpu.memref_slice %arg11[%dma_start3A_100, %dma_start3A_101] : memref<10240x64xf32, #tpu.memory_space<vmem_shared>> -> memref<10240x64xf32, #tpu.memory_space<vmem_shared>>
        tpu.enqueue_indirect_dma source(%dma_start3A_102 : memref<10240x64xf32, #tpu.memory_space<vmem_shared>>) target(%arg9 : memref<128x64xf32, #tpu.memory_space<vmem>>) offsets(%dma_start3A_99 : memref<128xi32, #tpu.memory_space<vmem>>) semaphore(%arg13 : memref<!tpu.dma_semaphore, #tpu.memory_space<semaphore_mem>>)
      } else {
      }
      %dma_wait3A_90 = arith.constant 0 : i32
      %dma_wait3A_91 = tpu.memref_slice %arg7[%dma_wait3A_90] : memref<10240xi32, #tpu.memory_space<vmem>> -> memref<128xi32, #tpu.memory_space<vmem>>
      %dma_wait3A_92 = arith.constant 0 : i32
      %dma_wait3A_93 = arith.constant 0 : i32
      %dma_wait3A_94 = tpu.memref_slice %arg11[%dma_wait3A_92, %dma_wait3A_93] : memref<10240x64xf32, #tpu.memory_space<vmem_shared>> -> memref<10240x64xf32, #tpu.memory_space<vmem_shared>>
      tpu.wait_indirect_dma semaphore(%arg14 : memref<!tpu.dma_semaphore, #tpu.memory_space<semaphore_mem>>) src(%dma_wait3A_94 : memref<10240x64xf32, #tpu.memory_space<vmem_shared>>) dst(%arg10 : memref<128x64xf32, #tpu.memory_space<vmem>>)
      "tpu.region"() ({
        %run_scoped3A = tpu.sem_alloc : memref<!tpu.dma_semaphore, #tpu.memory_space<semaphore_mem>>
        %dma_start3A_95 = arith.constant 0 : i32
        %dma_start3A_96 = tpu.memref_slice %arg8[%add3A_75, %dma_start3A_95] : memref<80x128xi32, #tpu.memory_space<vmem>> -> memref<1x128xi32, #tpu.memory_space<vmem>>
        %dma_start3A_97 = tpu.memref_squeeze %dma_start3A_96 : memref<1x128xi32, #tpu.memory_space<vmem>> -> memref<128xi32, #tpu.memory_space<vmem>>
        %dma_start3A_98 = arith.constant 0 : i32
        %dma_start3A_99 = arith.constant 0 : i32
        %dma_start3A_100 = tpu.memref_slice %arg12[%dma_start3A_98, %dma_start3A_99] : memref<10240x64xf32, #tpu.memory_space<vmem_shared>> -> memref<10240x64xf32, #tpu.memory_space<vmem_shared>>
        tpu.enqueue_indirect_dma source(%arg10 : memref<128x64xf32, #tpu.memory_space<vmem>>) target(%dma_start3A_100 : memref<10240x64xf32, #tpu.memory_space<vmem_shared>>) offsets(%dma_start3A_97 : memref<128xi32, #tpu.memory_space<vmem>>) semaphore(%run_scoped3A : memref<!tpu.dma_semaphore, #tpu.memory_space<semaphore_mem>>) {add = true}
        %dma_wait3A_101 = arith.constant 0 : i32
        %dma_wait3A_102 = tpu.memref_slice %arg8[%add3A_75, %dma_wait3A_101] : memref<80x128xi32, #tpu.memory_space<vmem>> -> memref<1x128xi32, #tpu.memory_space<vmem>>
        %dma_wait3A_103 = tpu.memref_squeeze %dma_wait3A_102 : memref<1x128xi32, #tpu.memory_space<vmem>> -> memref<128xi32, #tpu.memory_space<vmem>>
        %dma_wait3A_104 = arith.constant 0 : i32
        %dma_wait3A_105 = arith.constant 0 : i32
        %dma_wait3A_106 = tpu.memref_slice %arg12[%dma_wait3A_104, %dma_wait3A_105] : memref<10240x64xf32, #tpu.memory_space<vmem_shared>> -> memref<10240x64xf32, #tpu.memory_space<vmem_shared>>
        tpu.wait_indirect_dma semaphore(%run_scoped3A : memref<!tpu.dma_semaphore, #tpu.memory_space<semaphore_mem>>) src(%arg10 : memref<128x64xf32, #tpu.memory_space<vmem>>) dst(%dma_wait3A_106 : memref<10240x64xf32, #tpu.memory_space<vmem_shared>>)
        tpu.yield
      }) : () -> ()
    }
    %scan3A_63 = arith.constant 2 : i32
    %barrier3A_64 = arith.constant 0 : index
    tpu.barrier barrier_id(%barrier3A_64)
    %mul3A_65 = arith.constant 640 : i32
    %mul3A_66 = arith.muli %arg1, %mul3A_65 : i32
    %mul3A_67 = arith.constant 640 : i32
    %mul3A_68 = arith.muli %arg1, %mul3A_67 : i32
    "tpu.region"() ({
      %run_scoped3A = tpu.sem_alloc : memref<!tpu.dma_semaphore, #tpu.memory_space<semaphore_mem>>
      %dma_start3A_69 = arith.constant 0 : i32
      %dma_start3A_70 = tpu.memref_slice %arg6[%arg0, %mul3A_68, %dma_start3A_69] : memref<2x10240x64xf32, #tpu.memory_space<hbm>> -> memref<1x640x64xf32, #tpu.memory_space<hbm>>
      %dma_start3A_71 = tpu.memref_squeeze %dma_start3A_70 : memref<1x640x64xf32, #tpu.memory_space<hbm>> -> memref<640x64xf32, #tpu.memory_space<hbm>>
      %dma_start3A_72 = arith.constant 0 : i32
      %dma_start3A_73 = tpu.memref_slice %arg12[%mul3A_66, %dma_start3A_72] : memref<10240x64xf32, #tpu.memory_space<vmem_shared>> -> memref<640x64xf32, #tpu.memory_space<vmem_shared>>
      tpu.enqueue_dma source(%dma_start3A_73 : memref<640x64xf32, #tpu.memory_space<vmem_shared>>) target(%dma_start3A_71 : memref<640x64xf32, #tpu.memory_space<hbm>>) target_semaphore(%run_scoped3A : memref<!tpu.dma_semaphore, #tpu.memory_space<semaphore_mem>>)
      %dma_wait3A = arith.constant 0 : i32
      %dma_wait3A_74 = tpu.memref_slice %arg6[%arg0, %mul3A_68, %dma_wait3A] : memref<2x10240x64xf32, #tpu.memory_space<hbm>> -> memref<1x640x64xf32, #tpu.memory_space<hbm>>
      %dma_wait3A_75 = tpu.memref_squeeze %dma_wait3A_74 : memref<1x640x64xf32, #tpu.memory_space<hbm>> -> memref<640x64xf32, #tpu.memory_space<hbm>>
      %dma_wait3A_76 = arith.constant 0 : i32
      %dma_wait3A_77 = tpu.memref_slice %arg12[%mul3A_66, %dma_wait3A_76] : memref<10240x64xf32, #tpu.memory_space<vmem_shared>> -> memref<640x64xf32, #tpu.memory_space<vmem_shared>>
      tpu.wait_dma2 semaphore(%run_scoped3A : memref<!tpu.dma_semaphore, #tpu.memory_space<semaphore_mem>>) src(%dma_wait3A_77 : memref<640x64xf32, #tpu.memory_space<vmem_shared>>) dst(%dma_wait3A_75 : memref<640x64xf32, #tpu.memory_space<hbm>>)
      tpu.yield
    }) : () -> ()
    return
  }
}

#map = affine_map<(d0, d1) -> (0, 0, 0)>
#map1 = affine_map<(d0, d1) -> (0, 0)>
module attributes {stable_mosaic.version = 14 : i64} {
  func.func @_spmm_split(%arg0: i32, %arg1: i32, %arg2: memref<2x10240x64xf32, #tpu.memory_space<hbm>>, %arg3: memref<32x10240xi32, #tpu.memory_space<hbm>>, %arg4: memref<32x80x128xi32, #tpu.memory_space<hbm>>, %arg5: memref<10240x64xf32, #tpu.memory_space<hbm>>, %arg6: memref<2x10240x64xf32, #tpu.memory_space<hbm>>, %arg7: memref<10240xi32, #tpu.memory_space<vmem>>, %arg8: memref<80x128xi32, #tpu.memory_space<vmem>>, %arg9: memref<128x64xf32, #tpu.memory_space<vmem>>, %arg10: memref<128x64xf32, #tpu.memory_space<vmem>>, %arg11: memref<10240x64xf32, #tpu.memory_space<vmem_shared>>, %arg12: memref<10240x64xf32, #tpu.memory_space<vmem_shared>>, %arg13: memref<!tpu.dma_semaphore, #tpu.memory_space<semaphore_mem>>, %arg14: memref<!tpu.dma_semaphore, #tpu.memory_space<semaphore_mem>>) attributes {dimension_semantics = [#tpu.dimension_semantics<core_parallel>, #tpu.dimension_semantics<subcore_parallel>], iteration_bounds = array<i64: 2, 16>, scalar_prefetch = 0 : i64, scratch_operands = 8 : i64, tpu.core_type = #tpu.core_type<sc_vector_subcore>, window_params = [{transform_indices = #map}, {transform_indices = #map1}, {transform_indices = #map}, {transform_indices = #map1}, {transform_indices = #map}]} {
    %mul3A = arith.constant 640 : i32
    %mul3A_0 = arith.muli %arg1, %mul3A : i32
    %mul3A_1 = arith.constant 640 : i32
    %mul3A_2 = arith.muli %arg1, %mul3A_1 : i32
    "tpu.region"() ({
      %run_scoped3A = tpu.sem_alloc : memref<!tpu.dma_semaphore, #tpu.memory_space<semaphore_mem>>
      %dma_start3A_69 = arith.constant 0 : i32
      %dma_start3A_70 = tpu.memref_slice %arg11[%mul3A_2, %dma_start3A_69] : memref<10240x64xf32, #tpu.memory_space<vmem_shared>> -> memref<640x64xf32, #tpu.memory_space<vmem_shared>>
      %dma_start3A_71 = arith.constant 0 : i32
      %dma_start3A_72 = tpu.memref_slice %arg2[%arg0, %mul3A_0, %dma_start3A_71] : memref<2x10240x64xf32, #tpu.memory_space<hbm>> -> memref<1x640x64xf32, #tpu.memory_space<hbm>>
      %dma_start3A_73 = tpu.memref_squeeze %dma_start3A_72 : memref<1x640x64xf32, #tpu.memory_space<hbm>> -> memref<640x64xf32, #tpu.memory_space<hbm>>
      tpu.enqueue_dma source(%dma_start3A_73 : memref<640x64xf32, #tpu.memory_space<hbm>>) target(%dma_start3A_70 : memref<640x64xf32, #tpu.memory_space<vmem_shared>>) target_semaphore(%run_scoped3A : memref<!tpu.dma_semaphore, #tpu.memory_space<semaphore_mem>>)
      %dma_wait3A = arith.constant 0 : i32
      %dma_wait3A_74 = tpu.memref_slice %arg11[%mul3A_2, %dma_wait3A] : memref<10240x64xf32, #tpu.memory_space<vmem_shared>> -> memref<640x64xf32, #tpu.memory_space<vmem_shared>>
      %dma_wait3A_75 = arith.constant 0 : i32
      %dma_wait3A_76 = tpu.memref_slice %arg2[%arg0, %mul3A_0, %dma_wait3A_75] : memref<2x10240x64xf32, #tpu.memory_space<hbm>> -> memref<1x640x64xf32, #tpu.memory_space<hbm>>
      %dma_wait3A_77 = tpu.memref_squeeze %dma_wait3A_76 : memref<1x640x64xf32, #tpu.memory_space<hbm>> -> memref<640x64xf32, #tpu.memory_space<hbm>>
      tpu.wait_dma2 semaphore(%run_scoped3A : memref<!tpu.dma_semaphore, #tpu.memory_space<semaphore_mem>>) src(%dma_wait3A_77 : memref<640x64xf32, #tpu.memory_space<hbm>>) dst(%dma_wait3A_74 : memref<640x64xf32, #tpu.memory_space<vmem_shared>>)
      tpu.yield
    }) : () -> ()
    %mul3A_3 = arith.constant 640 : i32
    %mul3A_4 = arith.muli %arg1, %mul3A_3 : i32
    %mul3A_5 = arith.constant 640 : i32
    %mul3A_6 = arith.muli %arg1, %mul3A_5 : i32
    "tpu.region"() ({
      %run_scoped3A = tpu.sem_alloc : memref<!tpu.dma_semaphore, #tpu.memory_space<semaphore_mem>>
      %dma_start3A_69 = arith.constant 0 : i32
      %dma_start3A_70 = tpu.memref_slice %arg12[%mul3A_6, %dma_start3A_69] : memref<10240x64xf32, #tpu.memory_space<vmem_shared>> -> memref<640x64xf32, #tpu.memory_space<vmem_shared>>
      %dma_start3A_71 = arith.constant 0 : i32
      %dma_start3A_72 = tpu.memref_slice %arg5[%mul3A_4, %dma_start3A_71] : memref<10240x64xf32, #tpu.memory_space<hbm>> -> memref<640x64xf32, #tpu.memory_space<hbm>>
      tpu.enqueue_dma source(%dma_start3A_72 : memref<640x64xf32, #tpu.memory_space<hbm>>) target(%dma_start3A_70 : memref<640x64xf32, #tpu.memory_space<vmem_shared>>) target_semaphore(%run_scoped3A : memref<!tpu.dma_semaphore, #tpu.memory_space<semaphore_mem>>)
      %dma_wait3A = arith.constant 0 : i32
      %dma_wait3A_73 = tpu.memref_slice %arg12[%mul3A_6, %dma_wait3A] : memref<10240x64xf32, #tpu.memory_space<vmem_shared>> -> memref<640x64xf32, #tpu.memory_space<vmem_shared>>
      %dma_wait3A_74 = arith.constant 0 : i32
      %dma_wait3A_75 = tpu.memref_slice %arg5[%mul3A_4, %dma_wait3A_74] : memref<10240x64xf32, #tpu.memory_space<hbm>> -> memref<640x64xf32, #tpu.memory_space<hbm>>
      tpu.wait_dma2 semaphore(%run_scoped3A : memref<!tpu.dma_semaphore, #tpu.memory_space<semaphore_mem>>) src(%dma_wait3A_75 : memref<640x64xf32, #tpu.memory_space<hbm>>) dst(%dma_wait3A_73 : memref<640x64xf32, #tpu.memory_space<vmem_shared>>)
      tpu.yield
    }) : () -> ()
    %barrier3A = arith.constant 0 : index
    tpu.barrier barrier_id(%barrier3A)
    %mul3A_7 = arith.constant 2 : i32
    %mul3A_8 = arith.muli %arg1, %mul3A_7 : i32
    %add3A = arith.constant 0 : i32
    %add3A_9 = arith.addi %mul3A_8, %add3A : i32
    "tpu.region"() ({
      %run_scoped3A = tpu.sem_alloc : memref<!tpu.dma_semaphore, #tpu.memory_space<semaphore_mem>>
      %dma_start3A_69 = arith.constant 0 : i32
      %dma_start3A_70 = tpu.memref_slice %arg3[%add3A_9, %dma_start3A_69] : memref<32x10240xi32, #tpu.memory_space<hbm>> -> memref<1x10240xi32, #tpu.memory_space<hbm>>
      %dma_start3A_71 = tpu.memref_squeeze %dma_start3A_70 : memref<1x10240xi32, #tpu.memory_space<hbm>> -> memref<10240xi32, #tpu.memory_space<hbm>>
      %dma_start3A_72 = arith.constant 0 : i32
      %dma_start3A_73 = tpu.memref_slice %arg3[%add3A_9, %dma_start3A_72] : memref<32x10240xi32, #tpu.memory_space<hbm>> -> memref<1x10240xi32, #tpu.memory_space<hbm>>
      %dma_start3A_74 = tpu.memref_squeeze %dma_start3A_73 : memref<1x10240xi32, #tpu.memory_space<hbm>> -> memref<10240xi32, #tpu.memory_space<hbm>>
      tpu.enqueue_dma source(%dma_start3A_74 : memref<10240xi32, #tpu.memory_space<hbm>>) target(%arg7 : memref<10240xi32, #tpu.memory_space<vmem>>) target_semaphore(%run_scoped3A : memref<!tpu.dma_semaphore, #tpu.memory_space<semaphore_mem>>)
      %dma_wait3A = arith.constant 0 : i32
      %dma_wait3A_75 = tpu.memref_slice %arg3[%add3A_9, %dma_wait3A] : memref<32x10240xi32, #tpu.memory_space<hbm>> -> memref<1x10240xi32, #tpu.memory_space<hbm>>
      %dma_wait3A_76 = tpu.memref_squeeze %dma_wait3A_75 : memref<1x10240xi32, #tpu.memory_space<hbm>> -> memref<10240xi32, #tpu.memory_space<hbm>>
      %dma_wait3A_77 = arith.constant 0 : i32
      %dma_wait3A_78 = tpu.memref_slice %arg3[%add3A_9, %dma_wait3A_77] : memref<32x10240xi32, #tpu.memory_space<hbm>> -> memref<1x10240xi32, #tpu.memory_space<hbm>>
      %dma_wait3A_79 = tpu.memref_squeeze %dma_wait3A_78 : memref<1x10240xi32, #tpu.memory_space<hbm>> -> memref<10240xi32, #tpu.memory_space<hbm>>
      tpu.wait_dma2 semaphore(%run_scoped3A : memref<!tpu.dma_semaphore, #tpu.memory_space<semaphore_mem>>) src(%dma_wait3A_79 : memref<10240xi32, #tpu.memory_space<hbm>>) dst(%arg7 : memref<10240xi32, #tpu.memory_space<vmem>>)
      tpu.yield
    }) : () -> ()
    "tpu.region"() ({
      %run_scoped3A = tpu.sem_alloc : memref<!tpu.dma_semaphore, #tpu.memory_space<semaphore_mem>>
      %dma_start3A_69 = arith.constant 0 : i32
      %dma_start3A_70 = arith.constant 0 : i32
      %dma_start3A_71 = tpu.memref_slice %arg4[%add3A_9, %dma_start3A_69, %dma_start3A_70] : memref<32x80x128xi32, #tpu.memory_space<hbm>> -> memref<1x80x128xi32, #tpu.memory_space<hbm>>
      %dma_start3A_72 = tpu.memref_squeeze %dma_start3A_71 : memref<1x80x128xi32, #tpu.memory_space<hbm>> -> memref<80x128xi32, #tpu.memory_space<hbm>>
      %dma_start3A_73 = arith.constant 0 : i32
      %dma_start3A_74 = arith.constant 0 : i32
      %dma_start3A_75 = tpu.memref_slice %arg4[%add3A_9, %dma_start3A_73, %dma_start3A_74] : memref<32x80x128xi32, #tpu.memory_space<hbm>> -> memref<1x80x128xi32, #tpu.memory_space<hbm>>
      %dma_start3A_76 = tpu.memref_squeeze %dma_start3A_75 : memref<1x80x128xi32, #tpu.memory_space<hbm>> -> memref<80x128xi32, #tpu.memory_space<hbm>>
      tpu.enqueue_dma source(%dma_start3A_76 : memref<80x128xi32, #tpu.memory_space<hbm>>) target(%arg8 : memref<80x128xi32, #tpu.memory_space<vmem>>) target_semaphore(%run_scoped3A : memref<!tpu.dma_semaphore, #tpu.memory_space<semaphore_mem>>)
      %dma_wait3A = arith.constant 0 : i32
      %dma_wait3A_77 = arith.constant 0 : i32
      %dma_wait3A_78 = tpu.memref_slice %arg4[%add3A_9, %dma_wait3A, %dma_wait3A_77] : memref<32x80x128xi32, #tpu.memory_space<hbm>> -> memref<1x80x128xi32, #tpu.memory_space<hbm>>
      %dma_wait3A_79 = tpu.memref_squeeze %dma_wait3A_78 : memref<1x80x128xi32, #tpu.memory_space<hbm>> -> memref<80x128xi32, #tpu.memory_space<hbm>>
      %dma_wait3A_80 = arith.constant 0 : i32
      %dma_wait3A_81 = arith.constant 0 : i32
      %dma_wait3A_82 = tpu.memref_slice %arg4[%add3A_9, %dma_wait3A_80, %dma_wait3A_81] : memref<32x80x128xi32, #tpu.memory_space<hbm>> -> memref<1x80x128xi32, #tpu.memory_space<hbm>>
      %dma_wait3A_83 = tpu.memref_squeeze %dma_wait3A_82 : memref<1x80x128xi32, #tpu.memory_space<hbm>> -> memref<80x128xi32, #tpu.memory_space<hbm>>
      tpu.wait_dma2 semaphore(%run_scoped3A : memref<!tpu.dma_semaphore, #tpu.memory_space<semaphore_mem>>) src(%dma_wait3A_83 : memref<80x128xi32, #tpu.memory_space<hbm>>) dst(%arg8 : memref<80x128xi32, #tpu.memory_space<vmem>>)
      tpu.yield
    }) : () -> ()
    %dma_start3A = arith.constant 0 : i32
    %dma_start3A_10 = tpu.memref_slice %arg7[%dma_start3A] : memref<10240xi32, #tpu.memory_space<vmem>> -> memref<128xi32, #tpu.memory_space<vmem>>
    %dma_start3A_11 = arith.constant 0 : i32
    %dma_start3A_12 = arith.constant 0 : i32
    %dma_start3A_13 = tpu.memref_slice %arg2[%arg0, %dma_start3A_11, %dma_start3A_12] : memref<2x10240x64xf32, #tpu.memory_space<hbm>> -> memref<1x10240x64xf32, #tpu.memory_space<hbm>>
    %dma_start3A_14 = tpu.memref_squeeze %dma_start3A_13 : memref<1x10240x64xf32, #tpu.memory_space<hbm>> -> memref<10240x64xf32, #tpu.memory_space<hbm>>
    %dma_start3A_15 = arith.constant 0 : i32
    %dma_start3A_16 = arith.constant 0 : i32
    %dma_start3A_17 = tpu.memref_slice %dma_start3A_14[%dma_start3A_15, %dma_start3A_16] : memref<10240x64xf32, #tpu.memory_space<hbm>> -> memref<10240x64xf32, #tpu.memory_space<hbm>>
    tpu.enqueue_indirect_dma source(%dma_start3A_17 : memref<10240x64xf32, #tpu.memory_space<hbm>>) target(%arg9 : memref<128x64xf32, #tpu.memory_space<vmem>>) offsets(%dma_start3A_10 : memref<128xi32, #tpu.memory_space<vmem>>) semaphore(%arg13 : memref<!tpu.dma_semaphore, #tpu.memory_space<semaphore_mem>>)
    %scan3A = arith.constant 0 : i32
    %scan3A_18 = arith.constant 0 : i32
    %scan3A_19 = arith.constant 38 : i32
    %scan3A_20 = arith.addi %scan3A_18, %scan3A_19 : i32
    %scan3A_21 = arith.constant 1 : i32
    scf.for %scan3A_69 = %scan3A_18 to %scan3A_20 step %scan3A_21  : i32 {
      %mul3A_70 = arith.constant 2 : i32
      %mul3A_71 = arith.muli %mul3A_70, %scan3A_69 : i32
      %add3A_72 = arith.constant 0 : i32
      %add3A_73 = arith.addi %add3A_72, %mul3A_71 : i32
      %add3A_74 = arith.constant 1 : i32
      %add3A_75 = arith.addi %add3A_73, %add3A_74 : i32
      %mul3A_76 = arith.constant 128 : i32
      %mul3A_77 = arith.muli %add3A_75, %mul3A_76 : i32
      %dma_start3A_78 = tpu.memref_slice %arg7[%mul3A_77] : memref<10240xi32, #tpu.memory_space<vmem>> -> memref<128xi32, #tpu.memory_space<vmem>>
      %dma_start3A_79 = arith.constant 0 : i32
      %dma_start3A_80 = arith.constant 0 : i32
      %dma_start3A_81 = tpu.memref_slice %arg2[%arg0, %dma_start3A_79, %dma_start3A_80] : memref<2x10240x64xf32, #tpu.memory_space<hbm>> -> memref<1x10240x64xf32, #tpu.memory_space<hbm>>
      %dma_start3A_82 = tpu.memref_squeeze %dma_start3A_81 : memref<1x10240x64xf32, #tpu.memory_space<hbm>> -> memref<10240x64xf32, #tpu.memory_space<hbm>>
      %dma_start3A_83 = arith.constant 0 : i32
      %dma_start3A_84 = arith.constant 0 : i32
      %dma_start3A_85 = tpu.memref_slice %dma_start3A_82[%dma_start3A_83, %dma_start3A_84] : memref<10240x64xf32, #tpu.memory_space<hbm>> -> memref<10240x64xf32, #tpu.memory_space<hbm>>
      tpu.enqueue_indirect_dma source(%dma_start3A_85 : memref<10240x64xf32, #tpu.memory_space<hbm>>) target(%arg10 : memref<128x64xf32, #tpu.memory_space<vmem>>) offsets(%dma_start3A_78 : memref<128xi32, #tpu.memory_space<vmem>>) semaphore(%arg14 : memref<!tpu.dma_semaphore, #tpu.memory_space<semaphore_mem>>)
      %dma_wait3A = arith.constant 0 : i32
      %dma_wait3A_86 = tpu.memref_slice %arg7[%dma_wait3A] : memref<10240xi32, #tpu.memory_space<vmem>> -> memref<128xi32, #tpu.memory_space<vmem>>
      %dma_wait3A_87 = arith.constant 0 : i32
      %dma_wait3A_88 = arith.constant 0 : i32
      %dma_wait3A_89 = tpu.memref_slice %arg11[%dma_wait3A_87, %dma_wait3A_88] : memref<10240x64xf32, #tpu.memory_space<vmem_shared>> -> memref<10240x64xf32, #tpu.memory_space<vmem_shared>>
      tpu.wait_indirect_dma semaphore(%arg13 : memref<!tpu.dma_semaphore, #tpu.memory_space<semaphore_mem>>) src(%dma_wait3A_89 : memref<10240x64xf32, #tpu.memory_space<vmem_shared>>) dst(%arg9 : memref<128x64xf32, #tpu.memory_space<vmem>>)
      "tpu.region"() ({
        %run_scoped3A = tpu.sem_alloc : memref<!tpu.dma_semaphore, #tpu.memory_space<semaphore_mem>>
        %dma_start3A_99 = arith.constant 0 : i32
        %dma_start3A_100 = tpu.memref_slice %arg8[%add3A_73, %dma_start3A_99] : memref<80x128xi32, #tpu.memory_space<vmem>> -> memref<1x128xi32, #tpu.memory_space<vmem>>
        %dma_start3A_101 = tpu.memref_squeeze %dma_start3A_100 : memref<1x128xi32, #tpu.memory_space<vmem>> -> memref<128xi32, #tpu.memory_space<vmem>>
        %dma_start3A_102 = arith.constant 0 : i32
        %dma_start3A_103 = arith.constant 0 : i32
        %dma_start3A_104 = tpu.memref_slice %arg12[%dma_start3A_102, %dma_start3A_103] : memref<10240x64xf32, #tpu.memory_space<vmem_shared>> -> memref<10240x64xf32, #tpu.memory_space<vmem_shared>>
        tpu.enqueue_indirect_dma source(%arg9 : memref<128x64xf32, #tpu.memory_space<vmem>>) target(%dma_start3A_104 : memref<10240x64xf32, #tpu.memory_space<vmem_shared>>) offsets(%dma_start3A_101 : memref<128xi32, #tpu.memory_space<vmem>>) semaphore(%run_scoped3A : memref<!tpu.dma_semaphore, #tpu.memory_space<semaphore_mem>>) {add = true}
        %dma_wait3A_105 = arith.constant 0 : i32
        %dma_wait3A_106 = tpu.memref_slice %arg8[%add3A_73, %dma_wait3A_105] : memref<80x128xi32, #tpu.memory_space<vmem>> -> memref<1x128xi32, #tpu.memory_space<vmem>>
        %dma_wait3A_107 = tpu.memref_squeeze %dma_wait3A_106 : memref<1x128xi32, #tpu.memory_space<vmem>> -> memref<128xi32, #tpu.memory_space<vmem>>
        %dma_wait3A_108 = arith.constant 0 : i32
        %dma_wait3A_109 = arith.constant 0 : i32
        %dma_wait3A_110 = tpu.memref_slice %arg12[%dma_wait3A_108, %dma_wait3A_109] : memref<10240x64xf32, #tpu.memory_space<vmem_shared>> -> memref<10240x64xf32, #tpu.memory_space<vmem_shared>>
        tpu.wait_indirect_dma semaphore(%run_scoped3A : memref<!tpu.dma_semaphore, #tpu.memory_space<semaphore_mem>>) src(%arg9 : memref<128x64xf32, #tpu.memory_space<vmem>>) dst(%dma_wait3A_110 : memref<10240x64xf32, #tpu.memory_space<vmem_shared>>)
        tpu.yield
      }) : () -> ()
      %add3A_90 = arith.constant 1 : i32
      %add3A_91 = arith.addi %add3A_75, %add3A_90 : i32
      %lt3A = arith.constant 76 : i32
      %lt3A_92 = arith.cmpi slt, %add3A_91, %lt3A : i32
      %convert_element_type3A = arith.extui %lt3A_92 : i1 to i32
      %cond3A = arith.constant 0 : i32
      %cond3A_93 = arith.cmpi ne, %convert_element_type3A, %cond3A : i32
      scf.if %cond3A_93 {
        %add3A_99 = arith.constant 1 : i32
        %add3A_100 = arith.addi %add3A_75, %add3A_99 : i32
        %mul3A_101 = arith.constant 128 : i32
        %mul3A_102 = arith.muli %add3A_100, %mul3A_101 : i32
        %dma_start3A_103 = tpu.memref_slice %arg7[%mul3A_102] : memref<10240xi32, #tpu.memory_space<vmem>> -> memref<128xi32, #tpu.memory_space<vmem>>
        %dma_start3A_104 = arith.constant 0 : i32
        %dma_start3A_105 = arith.constant 0 : i32
        %dma_start3A_106 = tpu.memref_slice %arg2[%arg0, %dma_start3A_104, %dma_start3A_105] : memref<2x10240x64xf32, #tpu.memory_space<hbm>> -> memref<1x10240x64xf32, #tpu.memory_space<hbm>>
        %dma_start3A_107 = tpu.memref_squeeze %dma_start3A_106 : memref<1x10240x64xf32, #tpu.memory_space<hbm>> -> memref<10240x64xf32, #tpu.memory_space<hbm>>
        %dma_start3A_108 = arith.constant 0 : i32
        %dma_start3A_109 = arith.constant 0 : i32
        %dma_start3A_110 = tpu.memref_slice %dma_start3A_107[%dma_start3A_108, %dma_start3A_109] : memref<10240x64xf32, #tpu.memory_space<hbm>> -> memref<10240x64xf32, #tpu.memory_space<hbm>>
        tpu.enqueue_indirect_dma source(%dma_start3A_110 : memref<10240x64xf32, #tpu.memory_space<hbm>>) target(%arg9 : memref<128x64xf32, #tpu.memory_space<vmem>>) offsets(%dma_start3A_103 : memref<128xi32, #tpu.memory_space<vmem>>) semaphore(%arg13 : memref<!tpu.dma_semaphore, #tpu.memory_space<semaphore_mem>>)
      } else {
      }
      %dma_wait3A_94 = arith.constant 0 : i32
      %dma_wait3A_95 = tpu.memref_slice %arg7[%dma_wait3A_94] : memref<10240xi32, #tpu.memory_space<vmem>> -> memref<128xi32, #tpu.memory_space<vmem>>
      %dma_wait3A_96 = arith.constant 0 : i32
      %dma_wait3A_97 = arith.constant 0 : i32
      %dma_wait3A_98 = tpu.memref_slice %arg11[%dma_wait3A_96, %dma_wait3A_97] : memref<10240x64xf32, #tpu.memory_space<vmem_shared>> -> memref<10240x64xf32, #tpu.memory_space<vmem_shared>>
      tpu.wait_indirect_dma semaphore(%arg14 : memref<!tpu.dma_semaphore, #tpu.memory_space<semaphore_mem>>) src(%dma_wait3A_98 : memref<10240x64xf32, #tpu.memory_space<vmem_shared>>) dst(%arg10 : memref<128x64xf32, #tpu.memory_space<vmem>>)
      "tpu.region"() ({
        %run_scoped3A = tpu.sem_alloc : memref<!tpu.dma_semaphore, #tpu.memory_space<semaphore_mem>>
        %dma_start3A_99 = arith.constant 0 : i32
        %dma_start3A_100 = tpu.memref_slice %arg8[%add3A_75, %dma_start3A_99] : memref<80x128xi32, #tpu.memory_space<vmem>> -> memref<1x128xi32, #tpu.memory_space<vmem>>
        %dma_start3A_101 = tpu.memref_squeeze %dma_start3A_100 : memref<1x128xi32, #tpu.memory_space<vmem>> -> memref<128xi32, #tpu.memory_space<vmem>>
        %dma_start3A_102 = arith.constant 0 : i32
        %dma_start3A_103 = arith.constant 0 : i32
        %dma_start3A_104 = tpu.memref_slice %arg12[%dma_start3A_102, %dma_start3A_103] : memref<10240x64xf32, #tpu.memory_space<vmem_shared>> -> memref<10240x64xf32, #tpu.memory_space<vmem_shared>>
        tpu.enqueue_indirect_dma source(%arg10 : memref<128x64xf32, #tpu.memory_space<vmem>>) target(%dma_start3A_104 : memref<10240x64xf32, #tpu.memory_space<vmem_shared>>) offsets(%dma_start3A_101 : memref<128xi32, #tpu.memory_space<vmem>>) semaphore(%run_scoped3A : memref<!tpu.dma_semaphore, #tpu.memory_space<semaphore_mem>>) {add = true}
        %dma_wait3A_105 = arith.constant 0 : i32
        %dma_wait3A_106 = tpu.memref_slice %arg8[%add3A_75, %dma_wait3A_105] : memref<80x128xi32, #tpu.memory_space<vmem>> -> memref<1x128xi32, #tpu.memory_space<vmem>>
        %dma_wait3A_107 = tpu.memref_squeeze %dma_wait3A_106 : memref<1x128xi32, #tpu.memory_space<vmem>> -> memref<128xi32, #tpu.memory_space<vmem>>
        %dma_wait3A_108 = arith.constant 0 : i32
        %dma_wait3A_109 = arith.constant 0 : i32
        %dma_wait3A_110 = tpu.memref_slice %arg12[%dma_wait3A_108, %dma_wait3A_109] : memref<10240x64xf32, #tpu.memory_space<vmem_shared>> -> memref<10240x64xf32, #tpu.memory_space<vmem_shared>>
        tpu.wait_indirect_dma semaphore(%run_scoped3A : memref<!tpu.dma_semaphore, #tpu.memory_space<semaphore_mem>>) src(%arg10 : memref<128x64xf32, #tpu.memory_space<vmem>>) dst(%dma_wait3A_110 : memref<10240x64xf32, #tpu.memory_space<vmem_shared>>)
        tpu.yield
      }) : () -> ()
    }
    %scan3A_22 = arith.constant 38 : i32
    %dma_start3A_23 = arith.constant 9728 : i32
    %dma_start3A_24 = tpu.memref_slice %arg7[%dma_start3A_23] : memref<10240xi32, #tpu.memory_space<vmem>> -> memref<128xi32, #tpu.memory_space<vmem>>
    %dma_start3A_25 = arith.constant 0 : i32
    %dma_start3A_26 = arith.constant 0 : i32
    %dma_start3A_27 = tpu.memref_slice %arg11[%dma_start3A_25, %dma_start3A_26] : memref<10240x64xf32, #tpu.memory_space<vmem_shared>> -> memref<10240x64xf32, #tpu.memory_space<vmem_shared>>
    tpu.enqueue_indirect_dma source(%dma_start3A_27 : memref<10240x64xf32, #tpu.memory_space<vmem_shared>>) target(%arg9 : memref<128x64xf32, #tpu.memory_space<vmem>>) offsets(%dma_start3A_24 : memref<128xi32, #tpu.memory_space<vmem>>) semaphore(%arg13 : memref<!tpu.dma_semaphore, #tpu.memory_space<semaphore_mem>>)
    %scan3A_28 = arith.constant 0 : i32
    %scan3A_29 = arith.constant 0 : i32
    %scan3A_30 = arith.constant 2 : i32
    %scan3A_31 = arith.addi %scan3A_29, %scan3A_30 : i32
    %scan3A_32 = arith.constant 1 : i32
    scf.for %scan3A_69 = %scan3A_29 to %scan3A_31 step %scan3A_32  : i32 {
      %mul3A_70 = arith.constant 2 : i32
      %mul3A_71 = arith.muli %mul3A_70, %scan3A_69 : i32
      %add3A_72 = arith.constant 76 : i32
      %add3A_73 = arith.addi %add3A_72, %mul3A_71 : i32
      %add3A_74 = arith.constant 1 : i32
      %add3A_75 = arith.addi %add3A_73, %add3A_74 : i32
      %mul3A_76 = arith.constant 128 : i32
      %mul3A_77 = arith.muli %add3A_75, %mul3A_76 : i32
      %dma_start3A_78 = tpu.memref_slice %arg7[%mul3A_77] : memref<10240xi32, #tpu.memory_space<vmem>> -> memref<128xi32, #tpu.memory_space<vmem>>
      %dma_start3A_79 = arith.constant 0 : i32
      %dma_start3A_80 = arith.constant 0 : i32
      %dma_start3A_81 = tpu.memref_slice %arg11[%dma_start3A_79, %dma_start3A_80] : memref<10240x64xf32, #tpu.memory_space<vmem_shared>> -> memref<10240x64xf32, #tpu.memory_space<vmem_shared>>
      tpu.enqueue_indirect_dma source(%dma_start3A_81 : memref<10240x64xf32, #tpu.memory_space<vmem_shared>>) target(%arg10 : memref<128x64xf32, #tpu.memory_space<vmem>>) offsets(%dma_start3A_78 : memref<128xi32, #tpu.memory_space<vmem>>) semaphore(%arg14 : memref<!tpu.dma_semaphore, #tpu.memory_space<semaphore_mem>>)
      %dma_wait3A = arith.constant 0 : i32
      %dma_wait3A_82 = tpu.memref_slice %arg7[%dma_wait3A] : memref<10240xi32, #tpu.memory_space<vmem>> -> memref<128xi32, #tpu.memory_space<vmem>>
      %dma_wait3A_83 = arith.constant 0 : i32
      %dma_wait3A_84 = arith.constant 0 : i32
      %dma_wait3A_85 = tpu.memref_slice %arg11[%dma_wait3A_83, %dma_wait3A_84] : memref<10240x64xf32, #tpu.memory_space<vmem_shared>> -> memref<10240x64xf32, #tpu.memory_space<vmem_shared>>
      tpu.wait_indirect_dma semaphore(%arg13 : memref<!tpu.dma_semaphore, #tpu.memory_space<semaphore_mem>>) src(%dma_wait3A_85 : memref<10240x64xf32, #tpu.memory_space<vmem_shared>>) dst(%arg9 : memref<128x64xf32, #tpu.memory_space<vmem>>)
      "tpu.region"() ({
        %run_scoped3A = tpu.sem_alloc : memref<!tpu.dma_semaphore, #tpu.memory_space<semaphore_mem>>
        %dma_start3A_95 = arith.constant 0 : i32
        %dma_start3A_96 = tpu.memref_slice %arg8[%add3A_73, %dma_start3A_95] : memref<80x128xi32, #tpu.memory_space<vmem>> -> memref<1x128xi32, #tpu.memory_space<vmem>>
        %dma_start3A_97 = tpu.memref_squeeze %dma_start3A_96 : memref<1x128xi32, #tpu.memory_space<vmem>> -> memref<128xi32, #tpu.memory_space<vmem>>
        %dma_start3A_98 = arith.constant 0 : i32
        %dma_start3A_99 = arith.constant 0 : i32
        %dma_start3A_100 = tpu.memref_slice %arg12[%dma_start3A_98, %dma_start3A_99] : memref<10240x64xf32, #tpu.memory_space<vmem_shared>> -> memref<10240x64xf32, #tpu.memory_space<vmem_shared>>
        tpu.enqueue_indirect_dma source(%arg9 : memref<128x64xf32, #tpu.memory_space<vmem>>) target(%dma_start3A_100 : memref<10240x64xf32, #tpu.memory_space<vmem_shared>>) offsets(%dma_start3A_97 : memref<128xi32, #tpu.memory_space<vmem>>) semaphore(%run_scoped3A : memref<!tpu.dma_semaphore, #tpu.memory_space<semaphore_mem>>) {add = true}
        %dma_wait3A_101 = arith.constant 0 : i32
        %dma_wait3A_102 = tpu.memref_slice %arg8[%add3A_73, %dma_wait3A_101] : memref<80x128xi32, #tpu.memory_space<vmem>> -> memref<1x128xi32, #tpu.memory_space<vmem>>
        %dma_wait3A_103 = tpu.memref_squeeze %dma_wait3A_102 : memref<1x128xi32, #tpu.memory_space<vmem>> -> memref<128xi32, #tpu.memory_space<vmem>>
        %dma_wait3A_104 = arith.constant 0 : i32
        %dma_wait3A_105 = arith.constant 0 : i32
        %dma_wait3A_106 = tpu.memref_slice %arg12[%dma_wait3A_104, %dma_wait3A_105] : memref<10240x64xf32, #tpu.memory_space<vmem_shared>> -> memref<10240x64xf32, #tpu.memory_space<vmem_shared>>
        tpu.wait_indirect_dma semaphore(%run_scoped3A : memref<!tpu.dma_semaphore, #tpu.memory_space<semaphore_mem>>) src(%arg9 : memref<128x64xf32, #tpu.memory_space<vmem>>) dst(%dma_wait3A_106 : memref<10240x64xf32, #tpu.memory_space<vmem_shared>>)
        tpu.yield
      }) : () -> ()
      %add3A_86 = arith.constant 1 : i32
      %add3A_87 = arith.addi %add3A_75, %add3A_86 : i32
      %lt3A = arith.constant 80 : i32
      %lt3A_88 = arith.cmpi slt, %add3A_87, %lt3A : i32
      %convert_element_type3A = arith.extui %lt3A_88 : i1 to i32
      %cond3A = arith.constant 0 : i32
      %cond3A_89 = arith.cmpi ne, %convert_element_type3A, %cond3A : i32
      scf.if %cond3A_89 {
        %add3A_95 = arith.constant 1 : i32
        %add3A_96 = arith.addi %add3A_75, %add3A_95 : i32
        %mul3A_97 = arith.constant 128 : i32
        %mul3A_98 = arith.muli %add3A_96, %mul3A_97 : i32
        %dma_start3A_99 = tpu.memref_slice %arg7[%mul3A_98] : memref<10240xi32, #tpu.memory_space<vmem>> -> memref<128xi32, #tpu.memory_space<vmem>>
        %dma_start3A_100 = arith.constant 0 : i32
        %dma_start3A_101 = arith.constant 0 : i32
        %dma_start3A_102 = tpu.memref_slice %arg11[%dma_start3A_100, %dma_start3A_101] : memref<10240x64xf32, #tpu.memory_space<vmem_shared>> -> memref<10240x64xf32, #tpu.memory_space<vmem_shared>>
        tpu.enqueue_indirect_dma source(%dma_start3A_102 : memref<10240x64xf32, #tpu.memory_space<vmem_shared>>) target(%arg9 : memref<128x64xf32, #tpu.memory_space<vmem>>) offsets(%dma_start3A_99 : memref<128xi32, #tpu.memory_space<vmem>>) semaphore(%arg13 : memref<!tpu.dma_semaphore, #tpu.memory_space<semaphore_mem>>)
      } else {
      }
      %dma_wait3A_90 = arith.constant 0 : i32
      %dma_wait3A_91 = tpu.memref_slice %arg7[%dma_wait3A_90] : memref<10240xi32, #tpu.memory_space<vmem>> -> memref<128xi32, #tpu.memory_space<vmem>>
      %dma_wait3A_92 = arith.constant 0 : i32
      %dma_wait3A_93 = arith.constant 0 : i32
      %dma_wait3A_94 = tpu.memref_slice %arg11[%dma_wait3A_92, %dma_wait3A_93] : memref<10240x64xf32, #tpu.memory_space<vmem_shared>> -> memref<10240x64xf32, #tpu.memory_space<vmem_shared>>
      tpu.wait_indirect_dma semaphore(%arg14 : memref<!tpu.dma_semaphore, #tpu.memory_space<semaphore_mem>>) src(%dma_wait3A_94 : memref<10240x64xf32, #tpu.memory_space<vmem_shared>>) dst(%arg10 : memref<128x64xf32, #tpu.memory_space<vmem>>)
      "tpu.region"() ({
        %run_scoped3A = tpu.sem_alloc : memref<!tpu.dma_semaphore, #tpu.memory_space<semaphore_mem>>
        %dma_start3A_95 = arith.constant 0 : i32
        %dma_start3A_96 = tpu.memref_slice %arg8[%add3A_75, %dma_start3A_95] : memref<80x128xi32, #tpu.memory_space<vmem>> -> memref<1x128xi32, #tpu.memory_space<vmem>>
        %dma_start3A_97 = tpu.memref_squeeze %dma_start3A_96 : memref<1x128xi32, #tpu.memory_space<vmem>> -> memref<128xi32, #tpu.memory_space<vmem>>
        %dma_start3A_98 = arith.constant 0 : i32
        %dma_start3A_99 = arith.constant 0 : i32
        %dma_start3A_100 = tpu.memref_slice %arg12[%dma_start3A_98, %dma_start3A_99] : memref<10240x64xf32, #tpu.memory_space<vmem_shared>> -> memref<10240x64xf32, #tpu.memory_space<vmem_shared>>
        tpu.enqueue_indirect_dma source(%arg10 : memref<128x64xf32, #tpu.memory_space<vmem>>) target(%dma_start3A_100 : memref<10240x64xf32, #tpu.memory_space<vmem_shared>>) offsets(%dma_start3A_97 : memref<128xi32, #tpu.memory_space<vmem>>) semaphore(%run_scoped3A : memref<!tpu.dma_semaphore, #tpu.memory_space<semaphore_mem>>) {add = true}
        %dma_wait3A_101 = arith.constant 0 : i32
        %dma_wait3A_102 = tpu.memref_slice %arg8[%add3A_75, %dma_wait3A_101] : memref<80x128xi32, #tpu.memory_space<vmem>> -> memref<1x128xi32, #tpu.memory_space<vmem>>
        %dma_wait3A_103 = tpu.memref_squeeze %dma_wait3A_102 : memref<1x128xi32, #tpu.memory_space<vmem>> -> memref<128xi32, #tpu.memory_space<vmem>>
        %dma_wait3A_104 = arith.constant 0 : i32
        %dma_wait3A_105 = arith.constant 0 : i32
        %dma_wait3A_106 = tpu.memref_slice %arg12[%dma_wait3A_104, %dma_wait3A_105] : memref<10240x64xf32, #tpu.memory_space<vmem_shared>> -> memref<10240x64xf32, #tpu.memory_space<vmem_shared>>
        tpu.wait_indirect_dma semaphore(%run_scoped3A : memref<!tpu.dma_semaphore, #tpu.memory_space<semaphore_mem>>) src(%arg10 : memref<128x64xf32, #tpu.memory_space<vmem>>) dst(%dma_wait3A_106 : memref<10240x64xf32, #tpu.memory_space<vmem_shared>>)
        tpu.yield
      }) : () -> ()
    }
    %scan3A_33 = arith.constant 2 : i32
    %mul3A_34 = arith.constant 2 : i32
    %mul3A_35 = arith.muli %arg1, %mul3A_34 : i32
    %add3A_36 = arith.constant 1 : i32
    %add3A_37 = arith.addi %mul3A_35, %add3A_36 : i32
    "tpu.region"() ({
      %run_scoped3A = tpu.sem_alloc : memref<!tpu.dma_semaphore, #tpu.memory_space<semaphore_mem>>
      %dma_start3A_69 = arith.constant 0 : i32
      %dma_start3A_70 = tpu.memref_slice %arg3[%add3A_37, %dma_start3A_69] : memref<32x10240xi32, #tpu.memory_space<hbm>> -> memref<1x10240xi32, #tpu.memory_space<hbm>>
      %dma_start3A_71 = tpu.memref_squeeze %dma_start3A_70 : memref<1x10240xi32, #tpu.memory_space<hbm>> -> memref<10240xi32, #tpu.memory_space<hbm>>
      %dma_start3A_72 = arith.constant 0 : i32
      %dma_start3A_73 = tpu.memref_slice %arg3[%add3A_37, %dma_start3A_72] : memref<32x10240xi32, #tpu.memory_space<hbm>> -> memref<1x10240xi32, #tpu.memory_space<hbm>>
      %dma_start3A_74 = tpu.memref_squeeze %dma_start3A_73 : memref<1x10240xi32, #tpu.memory_space<hbm>> -> memref<10240xi32, #tpu.memory_space<hbm>>
      tpu.enqueue_dma source(%dma_start3A_74 : memref<10240xi32, #tpu.memory_space<hbm>>) target(%arg7 : memref<10240xi32, #tpu.memory_space<vmem>>) target_semaphore(%run_scoped3A : memref<!tpu.dma_semaphore, #tpu.memory_space<semaphore_mem>>)
      %dma_wait3A = arith.constant 0 : i32
      %dma_wait3A_75 = tpu.memref_slice %arg3[%add3A_37, %dma_wait3A] : memref<32x10240xi32, #tpu.memory_space<hbm>> -> memref<1x10240xi32, #tpu.memory_space<hbm>>
      %dma_wait3A_76 = tpu.memref_squeeze %dma_wait3A_75 : memref<1x10240xi32, #tpu.memory_space<hbm>> -> memref<10240xi32, #tpu.memory_space<hbm>>
      %dma_wait3A_77 = arith.constant 0 : i32
      %dma_wait3A_78 = tpu.memref_slice %arg3[%add3A_37, %dma_wait3A_77] : memref<32x10240xi32, #tpu.memory_space<hbm>> -> memref<1x10240xi32, #tpu.memory_space<hbm>>
      %dma_wait3A_79 = tpu.memref_squeeze %dma_wait3A_78 : memref<1x10240xi32, #tpu.memory_space<hbm>> -> memref<10240xi32, #tpu.memory_space<hbm>>
      tpu.wait_dma2 semaphore(%run_scoped3A : memref<!tpu.dma_semaphore, #tpu.memory_space<semaphore_mem>>) src(%dma_wait3A_79 : memref<10240xi32, #tpu.memory_space<hbm>>) dst(%arg7 : memref<10240xi32, #tpu.memory_space<vmem>>)
      tpu.yield
    }) : () -> ()
    "tpu.region"() ({
      %run_scoped3A = tpu.sem_alloc : memref<!tpu.dma_semaphore, #tpu.memory_space<semaphore_mem>>
      %dma_start3A_69 = arith.constant 0 : i32
      %dma_start3A_70 = arith.constant 0 : i32
      %dma_start3A_71 = tpu.memref_slice %arg4[%add3A_37, %dma_start3A_69, %dma_start3A_70] : memref<32x80x128xi32, #tpu.memory_space<hbm>> -> memref<1x80x128xi32, #tpu.memory_space<hbm>>
      %dma_start3A_72 = tpu.memref_squeeze %dma_start3A_71 : memref<1x80x128xi32, #tpu.memory_space<hbm>> -> memref<80x128xi32, #tpu.memory_space<hbm>>
      %dma_start3A_73 = arith.constant 0 : i32
      %dma_start3A_74 = arith.constant 0 : i32
      %dma_start3A_75 = tpu.memref_slice %arg4[%add3A_37, %dma_start3A_73, %dma_start3A_74] : memref<32x80x128xi32, #tpu.memory_space<hbm>> -> memref<1x80x128xi32, #tpu.memory_space<hbm>>
      %dma_start3A_76 = tpu.memref_squeeze %dma_start3A_75 : memref<1x80x128xi32, #tpu.memory_space<hbm>> -> memref<80x128xi32, #tpu.memory_space<hbm>>
      tpu.enqueue_dma source(%dma_start3A_76 : memref<80x128xi32, #tpu.memory_space<hbm>>) target(%arg8 : memref<80x128xi32, #tpu.memory_space<vmem>>) target_semaphore(%run_scoped3A : memref<!tpu.dma_semaphore, #tpu.memory_space<semaphore_mem>>)
      %dma_wait3A = arith.constant 0 : i32
      %dma_wait3A_77 = arith.constant 0 : i32
      %dma_wait3A_78 = tpu.memref_slice %arg4[%add3A_37, %dma_wait3A, %dma_wait3A_77] : memref<32x80x128xi32, #tpu.memory_space<hbm>> -> memref<1x80x128xi32, #tpu.memory_space<hbm>>
      %dma_wait3A_79 = tpu.memref_squeeze %dma_wait3A_78 : memref<1x80x128xi32, #tpu.memory_space<hbm>> -> memref<80x128xi32, #tpu.memory_space<hbm>>
      %dma_wait3A_80 = arith.constant 0 : i32
      %dma_wait3A_81 = arith.constant 0 : i32
      %dma_wait3A_82 = tpu.memref_slice %arg4[%add3A_37, %dma_wait3A_80, %dma_wait3A_81] : memref<32x80x128xi32, #tpu.memory_space<hbm>> -> memref<1x80x128xi32, #tpu.memory_space<hbm>>
      %dma_wait3A_83 = tpu.memref_squeeze %dma_wait3A_82 : memref<1x80x128xi32, #tpu.memory_space<hbm>> -> memref<80x128xi32, #tpu.memory_space<hbm>>
      tpu.wait_dma2 semaphore(%run_scoped3A : memref<!tpu.dma_semaphore, #tpu.memory_space<semaphore_mem>>) src(%dma_wait3A_83 : memref<80x128xi32, #tpu.memory_space<hbm>>) dst(%arg8 : memref<80x128xi32, #tpu.memory_space<vmem>>)
      tpu.yield
    }) : () -> ()
    %dma_start3A_38 = arith.constant 0 : i32
    %dma_start3A_39 = tpu.memref_slice %arg7[%dma_start3A_38] : memref<10240xi32, #tpu.memory_space<vmem>> -> memref<128xi32, #tpu.memory_space<vmem>>
    %dma_start3A_40 = arith.constant 0 : i32
    %dma_start3A_41 = arith.constant 0 : i32
    %dma_start3A_42 = tpu.memref_slice %arg2[%arg0, %dma_start3A_40, %dma_start3A_41] : memref<2x10240x64xf32, #tpu.memory_space<hbm>> -> memref<1x10240x64xf32, #tpu.memory_space<hbm>>
    %dma_start3A_43 = tpu.memref_squeeze %dma_start3A_42 : memref<1x10240x64xf32, #tpu.memory_space<hbm>> -> memref<10240x64xf32, #tpu.memory_space<hbm>>
    %dma_start3A_44 = arith.constant 0 : i32
    %dma_start3A_45 = arith.constant 0 : i32
    %dma_start3A_46 = tpu.memref_slice %dma_start3A_43[%dma_start3A_44, %dma_start3A_45] : memref<10240x64xf32, #tpu.memory_space<hbm>> -> memref<10240x64xf32, #tpu.memory_space<hbm>>
    tpu.enqueue_indirect_dma source(%dma_start3A_46 : memref<10240x64xf32, #tpu.memory_space<hbm>>) target(%arg9 : memref<128x64xf32, #tpu.memory_space<vmem>>) offsets(%dma_start3A_39 : memref<128xi32, #tpu.memory_space<vmem>>) semaphore(%arg13 : memref<!tpu.dma_semaphore, #tpu.memory_space<semaphore_mem>>)
    %scan3A_47 = arith.constant 0 : i32
    %scan3A_48 = arith.constant 0 : i32
    %scan3A_49 = arith.constant 38 : i32
    %scan3A_50 = arith.addi %scan3A_48, %scan3A_49 : i32
    %scan3A_51 = arith.constant 1 : i32
    scf.for %scan3A_69 = %scan3A_48 to %scan3A_50 step %scan3A_51  : i32 {
      %mul3A_70 = arith.constant 2 : i32
      %mul3A_71 = arith.muli %mul3A_70, %scan3A_69 : i32
      %add3A_72 = arith.constant 0 : i32
      %add3A_73 = arith.addi %add3A_72, %mul3A_71 : i32
      %add3A_74 = arith.constant 1 : i32
      %add3A_75 = arith.addi %add3A_73, %add3A_74 : i32
      %mul3A_76 = arith.constant 128 : i32
      %mul3A_77 = arith.muli %add3A_75, %mul3A_76 : i32
      %dma_start3A_78 = tpu.memref_slice %arg7[%mul3A_77] : memref<10240xi32, #tpu.memory_space<vmem>> -> memref<128xi32, #tpu.memory_space<vmem>>
      %dma_start3A_79 = arith.constant 0 : i32
      %dma_start3A_80 = arith.constant 0 : i32
      %dma_start3A_81 = tpu.memref_slice %arg2[%arg0, %dma_start3A_79, %dma_start3A_80] : memref<2x10240x64xf32, #tpu.memory_space<hbm>> -> memref<1x10240x64xf32, #tpu.memory_space<hbm>>
      %dma_start3A_82 = tpu.memref_squeeze %dma_start3A_81 : memref<1x10240x64xf32, #tpu.memory_space<hbm>> -> memref<10240x64xf32, #tpu.memory_space<hbm>>
      %dma_start3A_83 = arith.constant 0 : i32
      %dma_start3A_84 = arith.constant 0 : i32
      %dma_start3A_85 = tpu.memref_slice %dma_start3A_82[%dma_start3A_83, %dma_start3A_84] : memref<10240x64xf32, #tpu.memory_space<hbm>> -> memref<10240x64xf32, #tpu.memory_space<hbm>>
      tpu.enqueue_indirect_dma source(%dma_start3A_85 : memref<10240x64xf32, #tpu.memory_space<hbm>>) target(%arg10 : memref<128x64xf32, #tpu.memory_space<vmem>>) offsets(%dma_start3A_78 : memref<128xi32, #tpu.memory_space<vmem>>) semaphore(%arg14 : memref<!tpu.dma_semaphore, #tpu.memory_space<semaphore_mem>>)
      %dma_wait3A = arith.constant 0 : i32
      %dma_wait3A_86 = tpu.memref_slice %arg7[%dma_wait3A] : memref<10240xi32, #tpu.memory_space<vmem>> -> memref<128xi32, #tpu.memory_space<vmem>>
      %dma_wait3A_87 = arith.constant 0 : i32
      %dma_wait3A_88 = arith.constant 0 : i32
      %dma_wait3A_89 = tpu.memref_slice %arg11[%dma_wait3A_87, %dma_wait3A_88] : memref<10240x64xf32, #tpu.memory_space<vmem_shared>> -> memref<10240x64xf32, #tpu.memory_space<vmem_shared>>
      tpu.wait_indirect_dma semaphore(%arg13 : memref<!tpu.dma_semaphore, #tpu.memory_space<semaphore_mem>>) src(%dma_wait3A_89 : memref<10240x64xf32, #tpu.memory_space<vmem_shared>>) dst(%arg9 : memref<128x64xf32, #tpu.memory_space<vmem>>)
      "tpu.region"() ({
        %run_scoped3A = tpu.sem_alloc : memref<!tpu.dma_semaphore, #tpu.memory_space<semaphore_mem>>
        %dma_start3A_99 = arith.constant 0 : i32
        %dma_start3A_100 = tpu.memref_slice %arg8[%add3A_73, %dma_start3A_99] : memref<80x128xi32, #tpu.memory_space<vmem>> -> memref<1x128xi32, #tpu.memory_space<vmem>>
        %dma_start3A_101 = tpu.memref_squeeze %dma_start3A_100 : memref<1x128xi32, #tpu.memory_space<vmem>> -> memref<128xi32, #tpu.memory_space<vmem>>
        %dma_start3A_102 = arith.constant 0 : i32
        %dma_start3A_103 = arith.constant 0 : i32
        %dma_start3A_104 = tpu.memref_slice %arg12[%dma_start3A_102, %dma_start3A_103] : memref<10240x64xf32, #tpu.memory_space<vmem_shared>> -> memref<10240x64xf32, #tpu.memory_space<vmem_shared>>
        tpu.enqueue_indirect_dma source(%arg9 : memref<128x64xf32, #tpu.memory_space<vmem>>) target(%dma_start3A_104 : memref<10240x64xf32, #tpu.memory_space<vmem_shared>>) offsets(%dma_start3A_101 : memref<128xi32, #tpu.memory_space<vmem>>) semaphore(%run_scoped3A : memref<!tpu.dma_semaphore, #tpu.memory_space<semaphore_mem>>) {add = true}
        %dma_wait3A_105 = arith.constant 0 : i32
        %dma_wait3A_106 = tpu.memref_slice %arg8[%add3A_73, %dma_wait3A_105] : memref<80x128xi32, #tpu.memory_space<vmem>> -> memref<1x128xi32, #tpu.memory_space<vmem>>
        %dma_wait3A_107 = tpu.memref_squeeze %dma_wait3A_106 : memref<1x128xi32, #tpu.memory_space<vmem>> -> memref<128xi32, #tpu.memory_space<vmem>>
        %dma_wait3A_108 = arith.constant 0 : i32
        %dma_wait3A_109 = arith.constant 0 : i32
        %dma_wait3A_110 = tpu.memref_slice %arg12[%dma_wait3A_108, %dma_wait3A_109] : memref<10240x64xf32, #tpu.memory_space<vmem_shared>> -> memref<10240x64xf32, #tpu.memory_space<vmem_shared>>
        tpu.wait_indirect_dma semaphore(%run_scoped3A : memref<!tpu.dma_semaphore, #tpu.memory_space<semaphore_mem>>) src(%arg9 : memref<128x64xf32, #tpu.memory_space<vmem>>) dst(%dma_wait3A_110 : memref<10240x64xf32, #tpu.memory_space<vmem_shared>>)
        tpu.yield
      }) : () -> ()
      %add3A_90 = arith.constant 1 : i32
      %add3A_91 = arith.addi %add3A_75, %add3A_90 : i32
      %lt3A = arith.constant 76 : i32
      %lt3A_92 = arith.cmpi slt, %add3A_91, %lt3A : i32
      %convert_element_type3A = arith.extui %lt3A_92 : i1 to i32
      %cond3A = arith.constant 0 : i32
      %cond3A_93 = arith.cmpi ne, %convert_element_type3A, %cond3A : i32
      scf.if %cond3A_93 {
        %add3A_99 = arith.constant 1 : i32
        %add3A_100 = arith.addi %add3A_75, %add3A_99 : i32
        %mul3A_101 = arith.constant 128 : i32
        %mul3A_102 = arith.muli %add3A_100, %mul3A_101 : i32
        %dma_start3A_103 = tpu.memref_slice %arg7[%mul3A_102] : memref<10240xi32, #tpu.memory_space<vmem>> -> memref<128xi32, #tpu.memory_space<vmem>>
        %dma_start3A_104 = arith.constant 0 : i32
        %dma_start3A_105 = arith.constant 0 : i32
        %dma_start3A_106 = tpu.memref_slice %arg2[%arg0, %dma_start3A_104, %dma_start3A_105] : memref<2x10240x64xf32, #tpu.memory_space<hbm>> -> memref<1x10240x64xf32, #tpu.memory_space<hbm>>
        %dma_start3A_107 = tpu.memref_squeeze %dma_start3A_106 : memref<1x10240x64xf32, #tpu.memory_space<hbm>> -> memref<10240x64xf32, #tpu.memory_space<hbm>>
        %dma_start3A_108 = arith.constant 0 : i32
        %dma_start3A_109 = arith.constant 0 : i32
        %dma_start3A_110 = tpu.memref_slice %dma_start3A_107[%dma_start3A_108, %dma_start3A_109] : memref<10240x64xf32, #tpu.memory_space<hbm>> -> memref<10240x64xf32, #tpu.memory_space<hbm>>
        tpu.enqueue_indirect_dma source(%dma_start3A_110 : memref<10240x64xf32, #tpu.memory_space<hbm>>) target(%arg9 : memref<128x64xf32, #tpu.memory_space<vmem>>) offsets(%dma_start3A_103 : memref<128xi32, #tpu.memory_space<vmem>>) semaphore(%arg13 : memref<!tpu.dma_semaphore, #tpu.memory_space<semaphore_mem>>)
      } else {
      }
      %dma_wait3A_94 = arith.constant 0 : i32
      %dma_wait3A_95 = tpu.memref_slice %arg7[%dma_wait3A_94] : memref<10240xi32, #tpu.memory_space<vmem>> -> memref<128xi32, #tpu.memory_space<vmem>>
      %dma_wait3A_96 = arith.constant 0 : i32
      %dma_wait3A_97 = arith.constant 0 : i32
      %dma_wait3A_98 = tpu.memref_slice %arg11[%dma_wait3A_96, %dma_wait3A_97] : memref<10240x64xf32, #tpu.memory_space<vmem_shared>> -> memref<10240x64xf32, #tpu.memory_space<vmem_shared>>
      tpu.wait_indirect_dma semaphore(%arg14 : memref<!tpu.dma_semaphore, #tpu.memory_space<semaphore_mem>>) src(%dma_wait3A_98 : memref<10240x64xf32, #tpu.memory_space<vmem_shared>>) dst(%arg10 : memref<128x64xf32, #tpu.memory_space<vmem>>)
      "tpu.region"() ({
        %run_scoped3A = tpu.sem_alloc : memref<!tpu.dma_semaphore, #tpu.memory_space<semaphore_mem>>
        %dma_start3A_99 = arith.constant 0 : i32
        %dma_start3A_100 = tpu.memref_slice %arg8[%add3A_75, %dma_start3A_99] : memref<80x128xi32, #tpu.memory_space<vmem>> -> memref<1x128xi32, #tpu.memory_space<vmem>>
        %dma_start3A_101 = tpu.memref_squeeze %dma_start3A_100 : memref<1x128xi32, #tpu.memory_space<vmem>> -> memref<128xi32, #tpu.memory_space<vmem>>
        %dma_start3A_102 = arith.constant 0 : i32
        %dma_start3A_103 = arith.constant 0 : i32
        %dma_start3A_104 = tpu.memref_slice %arg12[%dma_start3A_102, %dma_start3A_103] : memref<10240x64xf32, #tpu.memory_space<vmem_shared>> -> memref<10240x64xf32, #tpu.memory_space<vmem_shared>>
        tpu.enqueue_indirect_dma source(%arg10 : memref<128x64xf32, #tpu.memory_space<vmem>>) target(%dma_start3A_104 : memref<10240x64xf32, #tpu.memory_space<vmem_shared>>) offsets(%dma_start3A_101 : memref<128xi32, #tpu.memory_space<vmem>>) semaphore(%run_scoped3A : memref<!tpu.dma_semaphore, #tpu.memory_space<semaphore_mem>>) {add = true}
        %dma_wait3A_105 = arith.constant 0 : i32
        %dma_wait3A_106 = tpu.memref_slice %arg8[%add3A_75, %dma_wait3A_105] : memref<80x128xi32, #tpu.memory_space<vmem>> -> memref<1x128xi32, #tpu.memory_space<vmem>>
        %dma_wait3A_107 = tpu.memref_squeeze %dma_wait3A_106 : memref<1x128xi32, #tpu.memory_space<vmem>> -> memref<128xi32, #tpu.memory_space<vmem>>
        %dma_wait3A_108 = arith.constant 0 : i32
        %dma_wait3A_109 = arith.constant 0 : i32
        %dma_wait3A_110 = tpu.memref_slice %arg12[%dma_wait3A_108, %dma_wait3A_109] : memref<10240x64xf32, #tpu.memory_space<vmem_shared>> -> memref<10240x64xf32, #tpu.memory_space<vmem_shared>>
        tpu.wait_indirect_dma semaphore(%run_scoped3A : memref<!tpu.dma_semaphore, #tpu.memory_space<semaphore_mem>>) src(%arg10 : memref<128x64xf32, #tpu.memory_space<vmem>>) dst(%dma_wait3A_110 : memref<10240x64xf32, #tpu.memory_space<vmem_shared>>)
        tpu.yield
      }) : () -> ()
    }
    %scan3A_52 = arith.constant 38 : i32
    %dma_start3A_53 = arith.constant 9728 : i32
    %dma_start3A_54 = tpu.memref_slice %arg7[%dma_start3A_53] : memref<10240xi32, #tpu.memory_space<vmem>> -> memref<128xi32, #tpu.memory_space<vmem>>
    %dma_start3A_55 = arith.constant 0 : i32
    %dma_start3A_56 = arith.constant 0 : i32
    %dma_start3A_57 = tpu.memref_slice %arg11[%dma_start3A_55, %dma_start3A_56] : memref<10240x64xf32, #tpu.memory_space<vmem_shared>> -> memref<10240x64xf32, #tpu.memory_space<vmem_shared>>
    tpu.enqueue_indirect_dma source(%dma_start3A_57 : memref<10240x64xf32, #tpu.memory_space<vmem_shared>>) target(%arg9 : memref<128x64xf32, #tpu.memory_space<vmem>>) offsets(%dma_start3A_54 : memref<128xi32, #tpu.memory_space<vmem>>) semaphore(%arg13 : memref<!tpu.dma_semaphore, #tpu.memory_space<semaphore_mem>>)
    %scan3A_58 = arith.constant 0 : i32
    %scan3A_59 = arith.constant 0 : i32
    %scan3A_60 = arith.constant 2 : i32
    %scan3A_61 = arith.addi %scan3A_59, %scan3A_60 : i32
    %scan3A_62 = arith.constant 1 : i32
    scf.for %scan3A_69 = %scan3A_59 to %scan3A_61 step %scan3A_62  : i32 {
      %mul3A_70 = arith.constant 2 : i32
      %mul3A_71 = arith.muli %mul3A_70, %scan3A_69 : i32
      %add3A_72 = arith.constant 76 : i32
      %add3A_73 = arith.addi %add3A_72, %mul3A_71 : i32
      %add3A_74 = arith.constant 1 : i32
      %add3A_75 = arith.addi %add3A_73, %add3A_74 : i32
      %mul3A_76 = arith.constant 128 : i32
      %mul3A_77 = arith.muli %add3A_75, %mul3A_76 : i32
      %dma_start3A_78 = tpu.memref_slice %arg7[%mul3A_77] : memref<10240xi32, #tpu.memory_space<vmem>> -> memref<128xi32, #tpu.memory_space<vmem>>
      %dma_start3A_79 = arith.constant 0 : i32
      %dma_start3A_80 = arith.constant 0 : i32
      %dma_start3A_81 = tpu.memref_slice %arg11[%dma_start3A_79, %dma_start3A_80] : memref<10240x64xf32, #tpu.memory_space<vmem_shared>> -> memref<10240x64xf32, #tpu.memory_space<vmem_shared>>
      tpu.enqueue_indirect_dma source(%dma_start3A_81 : memref<10240x64xf32, #tpu.memory_space<vmem_shared>>) target(%arg10 : memref<128x64xf32, #tpu.memory_space<vmem>>) offsets(%dma_start3A_78 : memref<128xi32, #tpu.memory_space<vmem>>) semaphore(%arg14 : memref<!tpu.dma_semaphore, #tpu.memory_space<semaphore_mem>>)
      %dma_wait3A = arith.constant 0 : i32
      %dma_wait3A_82 = tpu.memref_slice %arg7[%dma_wait3A] : memref<10240xi32, #tpu.memory_space<vmem>> -> memref<128xi32, #tpu.memory_space<vmem>>
      %dma_wait3A_83 = arith.constant 0 : i32
      %dma_wait3A_84 = arith.constant 0 : i32
      %dma_wait3A_85 = tpu.memref_slice %arg11[%dma_wait3A_83, %dma_wait3A_84] : memref<10240x64xf32, #tpu.memory_space<vmem_shared>> -> memref<10240x64xf32, #tpu.memory_space<vmem_shared>>
      tpu.wait_indirect_dma semaphore(%arg13 : memref<!tpu.dma_semaphore, #tpu.memory_space<semaphore_mem>>) src(%dma_wait3A_85 : memref<10240x64xf32, #tpu.memory_space<vmem_shared>>) dst(%arg9 : memref<128x64xf32, #tpu.memory_space<vmem>>)
      "tpu.region"() ({
        %run_scoped3A = tpu.sem_alloc : memref<!tpu.dma_semaphore, #tpu.memory_space<semaphore_mem>>
        %dma_start3A_95 = arith.constant 0 : i32
        %dma_start3A_96 = tpu.memref_slice %arg8[%add3A_73, %dma_start3A_95] : memref<80x128xi32, #tpu.memory_space<vmem>> -> memref<1x128xi32, #tpu.memory_space<vmem>>
        %dma_start3A_97 = tpu.memref_squeeze %dma_start3A_96 : memref<1x128xi32, #tpu.memory_space<vmem>> -> memref<128xi32, #tpu.memory_space<vmem>>
        %dma_start3A_98 = arith.constant 0 : i32
        %dma_start3A_99 = arith.constant 0 : i32
        %dma_start3A_100 = tpu.memref_slice %arg12[%dma_start3A_98, %dma_start3A_99] : memref<10240x64xf32, #tpu.memory_space<vmem_shared>> -> memref<10240x64xf32, #tpu.memory_space<vmem_shared>>
        tpu.enqueue_indirect_dma source(%arg9 : memref<128x64xf32, #tpu.memory_space<vmem>>) target(%dma_start3A_100 : memref<10240x64xf32, #tpu.memory_space<vmem_shared>>) offsets(%dma_start3A_97 : memref<128xi32, #tpu.memory_space<vmem>>) semaphore(%run_scoped3A : memref<!tpu.dma_semaphore, #tpu.memory_space<semaphore_mem>>) {add = true}
        %dma_wait3A_101 = arith.constant 0 : i32
        %dma_wait3A_102 = tpu.memref_slice %arg8[%add3A_73, %dma_wait3A_101] : memref<80x128xi32, #tpu.memory_space<vmem>> -> memref<1x128xi32, #tpu.memory_space<vmem>>
        %dma_wait3A_103 = tpu.memref_squeeze %dma_wait3A_102 : memref<1x128xi32, #tpu.memory_space<vmem>> -> memref<128xi32, #tpu.memory_space<vmem>>
        %dma_wait3A_104 = arith.constant 0 : i32
        %dma_wait3A_105 = arith.constant 0 : i32
        %dma_wait3A_106 = tpu.memref_slice %arg12[%dma_wait3A_104, %dma_wait3A_105] : memref<10240x64xf32, #tpu.memory_space<vmem_shared>> -> memref<10240x64xf32, #tpu.memory_space<vmem_shared>>
        tpu.wait_indirect_dma semaphore(%run_scoped3A : memref<!tpu.dma_semaphore, #tpu.memory_space<semaphore_mem>>) src(%arg9 : memref<128x64xf32, #tpu.memory_space<vmem>>) dst(%dma_wait3A_106 : memref<10240x64xf32, #tpu.memory_space<vmem_shared>>)
        tpu.yield
      }) : () -> ()
      %add3A_86 = arith.constant 1 : i32
      %add3A_87 = arith.addi %add3A_75, %add3A_86 : i32
      %lt3A = arith.constant 80 : i32
      %lt3A_88 = arith.cmpi slt, %add3A_87, %lt3A : i32
      %convert_element_type3A = arith.extui %lt3A_88 : i1 to i32
      %cond3A = arith.constant 0 : i32
      %cond3A_89 = arith.cmpi ne, %convert_element_type3A, %cond3A : i32
      scf.if %cond3A_89 {
        %add3A_95 = arith.constant 1 : i32
        %add3A_96 = arith.addi %add3A_75, %add3A_95 : i32
        %mul3A_97 = arith.constant 128 : i32
        %mul3A_98 = arith.muli %add3A_96, %mul3A_97 : i32
        %dma_start3A_99 = tpu.memref_slice %arg7[%mul3A_98] : memref<10240xi32, #tpu.memory_space<vmem>> -> memref<128xi32, #tpu.memory_space<vmem>>
        %dma_start3A_100 = arith.constant 0 : i32
        %dma_start3A_101 = arith.constant 0 : i32
        %dma_start3A_102 = tpu.memref_slice %arg11[%dma_start3A_100, %dma_start3A_101] : memref<10240x64xf32, #tpu.memory_space<vmem_shared>> -> memref<10240x64xf32, #tpu.memory_space<vmem_shared>>
        tpu.enqueue_indirect_dma source(%dma_start3A_102 : memref<10240x64xf32, #tpu.memory_space<vmem_shared>>) target(%arg9 : memref<128x64xf32, #tpu.memory_space<vmem>>) offsets(%dma_start3A_99 : memref<128xi32, #tpu.memory_space<vmem>>) semaphore(%arg13 : memref<!tpu.dma_semaphore, #tpu.memory_space<semaphore_mem>>)
      } else {
      }
      %dma_wait3A_90 = arith.constant 0 : i32
      %dma_wait3A_91 = tpu.memref_slice %arg7[%dma_wait3A_90] : memref<10240xi32, #tpu.memory_space<vmem>> -> memref<128xi32, #tpu.memory_space<vmem>>
      %dma_wait3A_92 = arith.constant 0 : i32
      %dma_wait3A_93 = arith.constant 0 : i32
      %dma_wait3A_94 = tpu.memref_slice %arg11[%dma_wait3A_92, %dma_wait3A_93] : memref<10240x64xf32, #tpu.memory_space<vmem_shared>> -> memref<10240x64xf32, #tpu.memory_space<vmem_shared>>
      tpu.wait_indirect_dma semaphore(%arg14 : memref<!tpu.dma_semaphore, #tpu.memory_space<semaphore_mem>>) src(%dma_wait3A_94 : memref<10240x64xf32, #tpu.memory_space<vmem_shared>>) dst(%arg10 : memref<128x64xf32, #tpu.memory_space<vmem>>)
      "tpu.region"() ({
        %run_scoped3A = tpu.sem_alloc : memref<!tpu.dma_semaphore, #tpu.memory_space<semaphore_mem>>
        %dma_start3A_95 = arith.constant 0 : i32
        %dma_start3A_96 = tpu.memref_slice %arg8[%add3A_75, %dma_start3A_95] : memref<80x128xi32, #tpu.memory_space<vmem>> -> memref<1x128xi32, #tpu.memory_space<vmem>>
        %dma_start3A_97 = tpu.memref_squeeze %dma_start3A_96 : memref<1x128xi32, #tpu.memory_space<vmem>> -> memref<128xi32, #tpu.memory_space<vmem>>
        %dma_start3A_98 = arith.constant 0 : i32
        %dma_start3A_99 = arith.constant 0 : i32
        %dma_start3A_100 = tpu.memref_slice %arg12[%dma_start3A_98, %dma_start3A_99] : memref<10240x64xf32, #tpu.memory_space<vmem_shared>> -> memref<10240x64xf32, #tpu.memory_space<vmem_shared>>
        tpu.enqueue_indirect_dma source(%arg10 : memref<128x64xf32, #tpu.memory_space<vmem>>) target(%dma_start3A_100 : memref<10240x64xf32, #tpu.memory_space<vmem_shared>>) offsets(%dma_start3A_97 : memref<128xi32, #tpu.memory_space<vmem>>) semaphore(%run_scoped3A : memref<!tpu.dma_semaphore, #tpu.memory_space<semaphore_mem>>) {add = true}
        %dma_wait3A_101 = arith.constant 0 : i32
        %dma_wait3A_102 = tpu.memref_slice %arg8[%add3A_75, %dma_wait3A_101] : memref<80x128xi32, #tpu.memory_space<vmem>> -> memref<1x128xi32, #tpu.memory_space<vmem>>
        %dma_wait3A_103 = tpu.memref_squeeze %dma_wait3A_102 : memref<1x128xi32, #tpu.memory_space<vmem>> -> memref<128xi32, #tpu.memory_space<vmem>>
        %dma_wait3A_104 = arith.constant 0 : i32
        %dma_wait3A_105 = arith.constant 0 : i32
        %dma_wait3A_106 = tpu.memref_slice %arg12[%dma_wait3A_104, %dma_wait3A_105] : memref<10240x64xf32, #tpu.memory_space<vmem_shared>> -> memref<10240x64xf32, #tpu.memory_space<vmem_shared>>
        tpu.wait_indirect_dma semaphore(%run_scoped3A : memref<!tpu.dma_semaphore, #tpu.memory_space<semaphore_mem>>) src(%arg10 : memref<128x64xf32, #tpu.memory_space<vmem>>) dst(%dma_wait3A_106 : memref<10240x64xf32, #tpu.memory_space<vmem_shared>>)
        tpu.yield
      }) : () -> ()
    }
    %scan3A_63 = arith.constant 2 : i32
    %barrier3A_64 = arith.constant 0 : index
    tpu.barrier barrier_id(%barrier3A_64)
    %mul3A_65 = arith.constant 640 : i32
    %mul3A_66 = arith.muli %arg1, %mul3A_65 : i32
    %mul3A_67 = arith.constant 640 : i32
    %mul3A_68 = arith.muli %arg1, %mul3A_67 : i32
    "tpu.region"() ({
      %run_scoped3A = tpu.sem_alloc : memref<!tpu.dma_semaphore, #tpu.memory_space<semaphore_mem>>
      %dma_start3A_69 = arith.constant 0 : i32
      %dma_start3A_70 = tpu.memref_slice %arg6[%arg0, %mul3A_68, %dma_start3A_69] : memref<2x10240x64xf32, #tpu.memory_space<hbm>> -> memref<1x640x64xf32, #tpu.memory_space<hbm>>
      %dma_start3A_71 = tpu.memref_squeeze %dma_start3A_70 : memref<1x640x64xf32, #tpu.memory_space<hbm>> -> memref<640x64xf32, #tpu.memory_space<hbm>>
      %dma_start3A_72 = arith.constant 0 : i32
      %dma_start3A_73 = tpu.memref_slice %arg12[%mul3A_66, %dma_start3A_72] : memref<10240x64xf32, #tpu.memory_space<vmem_shared>> -> memref<640x64xf32, #tpu.memory_space<vmem_shared>>
      tpu.enqueue_dma source(%dma_start3A_73 : memref<640x64xf32, #tpu.memory_space<vmem_shared>>) target(%dma_start3A_71 : memref<640x64xf32, #tpu.memory_space<hbm>>) target_semaphore(%run_scoped3A : memref<!tpu.dma_semaphore, #tpu.memory_space<semaphore_mem>>)
      %dma_wait3A = arith.constant 0 : i32
      %dma_wait3A_74 = tpu.memref_slice %arg6[%arg0, %mul3A_68, %dma_wait3A] : memref<2x10240x64xf32, #tpu.memory_space<hbm>> -> memref<1x640x64xf32, #tpu.memory_space<hbm>>
      %dma_wait3A_75 = tpu.memref_squeeze %dma_wait3A_74 : memref<1x640x64xf32, #tpu.memory_space<hbm>> -> memref<640x64xf32, #tpu.memory_space<hbm>>
      %dma_wait3A_76 = arith.constant 0 : i32
      %dma_wait3A_77 = tpu.memref_slice %arg12[%mul3A_66, %dma_wait3A_76] : memref<10240x64xf32, #tpu.memory_space<vmem_shared>> -> memref<640x64xf32, #tpu.memory_space<vmem_shared>>
      tpu.wait_dma2 semaphore(%run_scoped3A : memref<!tpu.dma_semaphore, #tpu.memory_space<semaphore_mem>>) src(%dma_wait3A_77 : memref<640x64xf32, #tpu.memory_space<vmem_shared>>) dst(%dma_wait3A_75 : memref<640x64xf32, #tpu.memory_space<hbm>>)
      tpu.yield
    }) : () -> ()
    return
  }
}

module attributes {stable_mosaic.version = 14 : i64} {
  func.func @body(%arg0: memref<10240x128xf32, #tpu.memory_space<vmem>>, %arg1: memref<128x128xf32, #tpu.memory_space<vmem>>, %arg2: memref<2x10240x8xf32, #tpu.memory_space<vmem>>, %arg3: memref<2x10240x64xf32, #tpu.memory_space<vmem>>, %arg4: memref<10240x1xf32, #tpu.memory_space<vmem>>) attributes {dimension_semantics = [], scalar_prefetch = 0 : i64, scratch_operands = 0 : i64, tpu.core_type = #tpu.core_type<tc>} {
    %get3A = arith.constant 0 : index
    %get3A_0 = arith.constant 0 : index
    %get3A_1 = arith.constant 0 : index
    %get3A_2 = vector.load %arg2[%get3A, %get3A_0, %get3A_1] : memref<2x10240x8xf32, #tpu.memory_space<vmem>>, vector<1x10240x8xf32>
    %get3A_3 = vector.shape_cast %get3A_2 : vector<1x10240x8xf32> to vector<10240x8xf32>
    %slice3A = vector.extract_strided_slice %get3A_3 {offsets = [0, 0], sizes = [10240, 1], strides = [1, 1]} : vector<10240x8xf32> to vector<10240x1xf32>
    %get3A_4 = arith.constant 1 : index
    %get3A_5 = arith.constant 0 : index
    %get3A_6 = arith.constant 0 : index
    %get3A_7 = vector.load %arg2[%get3A_4, %get3A_5, %get3A_6] : memref<2x10240x8xf32, #tpu.memory_space<vmem>>, vector<1x10240x8xf32>
    %get3A_8 = vector.shape_cast %get3A_7 : vector<1x10240x8xf32> to vector<10240x8xf32>
    %slice3A_9 = vector.extract_strided_slice %get3A_8 {offsets = [0, 0], sizes = [10240, 1], strides = [1, 1]} : vector<10240x8xf32> to vector<10240x1xf32>
    %add3A = arith.addf %slice3A, %slice3A_9 : vector<10240x1xf32>
    %add3A_10 = arith.constant 1.000000e+00 : f32
    %add3A_11 = vector.broadcast %add3A_10 : f32 to vector<10240x1xf32>
    %add3A_12 = arith.addf %add3A, %add3A_11 : vector<10240x1xf32>
    %max3A = arith.constant 1.000000e+00 : f32
    %max3A_13 = vector.broadcast %max3A : f32 to vector<10240x1xf32>
    %max3A_14 = arith.maximumf %add3A_12, %max3A_13 : vector<10240x1xf32>
    %rsqrt3A = math.rsqrt %max3A_14 : vector<10240x1xf32>
    %get3A_15 = arith.constant 0 : index
    %get3A_16 = arith.constant 0 : index
    %get3A_17 = vector.load %arg0[%get3A_15, %get3A_16] : memref<10240x128xf32, #tpu.memory_space<vmem>>, vector<10240x128xf32>
    %get3A_18 = arith.constant 0 : index
    %get3A_19 = arith.constant 0 : index
    %get3A_20 = vector.load %arg1[%get3A_18, %get3A_19] : memref<128x128xf32, #tpu.memory_space<vmem>>, vector<128x128xf32>
    %dot_general3A = arith.constant dense<0.000000e+00> : vector<10240x128xf32>
    %dot_general3A_21 = tpu.matmul %get3A_17, %get3A_20, %dot_general3A {dimension_numbers = #tpu.dot_dimension_numbers<[1], [0], [0], [1], [0, 0, 1, 1], [], []>, transpose_lhs_hint = false} : vector<10240x128xf32>, vector<128x128xf32>, vector<10240x128xf32> -> vector<10240x128xf32>
    %mul3A = vector.broadcast %rsqrt3A : vector<10240x1xf32> to vector<10240x128xf32>
    %mul3A_22 = arith.mulf %dot_general3A_21, %mul3A : vector<10240x128xf32>
    %slice3A_23 = vector.extract_strided_slice %mul3A_22 {offsets = [0, 0], sizes = [10240, 64], strides = [1, 1]} : vector<10240x128xf32> to vector<10240x64xf32>
    %swap3A = arith.constant 0 : index
    %swap3A_24 = arith.constant 0 : index
    %swap3A_25 = arith.constant 0 : index
    %swap3A_26 = vector.load %arg3[%swap3A, %swap3A_24, %swap3A_25] : memref<2x10240x64xf32, #tpu.memory_space<vmem>>, vector<1x10240x64xf32>
    %swap3A_27 = vector.shape_cast %swap3A_26 : vector<1x10240x64xf32> to vector<10240x64xf32>
    %swap3A_28 = vector.shape_cast %slice3A_23 : vector<10240x64xf32> to vector<1x10240x64xf32>
    tpu.vector_store %arg3[%swap3A, %swap3A_24, %swap3A_25], %swap3A_28 {strides = array<i32>} : memref<2x10240x64xf32, #tpu.memory_space<vmem>>, vector<1x10240x64xf32>,
    %slice3A_29 = vector.extract_strided_slice %mul3A_22 {offsets = [0, 64], sizes = [10240, 64], strides = [1, 1]} : vector<10240x128xf32> to vector<10240x64xf32>
    %swap3A_30 = arith.constant 1 : index
    %swap3A_31 = arith.constant 0 : index
    %swap3A_32 = arith.constant 0 : index
    %swap3A_33 = vector.load %arg3[%swap3A_30, %swap3A_31, %swap3A_32] : memref<2x10240x64xf32, #tpu.memory_space<vmem>>, vector<1x10240x64xf32>
    %swap3A_34 = vector.shape_cast %swap3A_33 : vector<1x10240x64xf32> to vector<10240x64xf32>
    %swap3A_35 = vector.shape_cast %slice3A_29 : vector<10240x64xf32> to vector<1x10240x64xf32>
    tpu.vector_store %arg3[%swap3A_30, %swap3A_31, %swap3A_32], %swap3A_35 {strides = array<i32>} : memref<2x10240x64xf32, #tpu.memory_space<vmem>>, vector<1x10240x64xf32>,
    %swap3A_36 = arith.constant 0 : index
    %swap3A_37 = arith.constant 0 : index
    %swap3A_38 = vector.load %arg4[%swap3A_36, %swap3A_37] : memref<10240x1xf32, #tpu.memory_space<vmem>>, vector<10240x1xf32>
    tpu.vector_store %arg4[%swap3A_36, %swap3A_37], %rsqrt3A {strides = array<i32>} : memref<10240x1xf32, #tpu.memory_space<vmem>>, vector<10240x1xf32>,
    return
  }
}

module attributes {stable_mosaic.version = 14 : i64} {
  func.func @body(%arg0: memref<2x10240x64xf32, #tpu.memory_space<vmem>>, %arg1: memref<2x10240x64xf32, #tpu.memory_space<vmem>>, %arg2: memref<10240x1xf32, #tpu.memory_space<vmem>>, %arg3: memref<1x128xf32, #tpu.memory_space<vmem>>, %arg4: memref<1x128xf32, #tpu.memory_space<vmem>>, %arg5: memref<1x128xf32, #tpu.memory_space<vmem>>, %arg6: memref<128x128xf32, #tpu.memory_space<vmem>>, %arg7: memref<2x10240x64xf32, #tpu.memory_space<vmem>>) attributes {dimension_semantics = [], scalar_prefetch = 0 : i64, scratch_operands = 0 : i64, tpu.core_type = #tpu.core_type<tc>} {
    %get3A = arith.constant 0 : index
    %get3A_0 = arith.constant 0 : index
    %get3A_1 = arith.constant 0 : index
    %get3A_2 = vector.load %arg0[%get3A, %get3A_0, %get3A_1] : memref<2x10240x64xf32, #tpu.memory_space<vmem>>, vector<1x10240x64xf32>
    %get3A_3 = vector.shape_cast %get3A_2 : vector<1x10240x64xf32> to vector<10240x64xf32>
    %get3A_4 = arith.constant 0 : index
    %get3A_5 = arith.constant 0 : index
    %get3A_6 = arith.constant 0 : index
    %get3A_7 = vector.load %arg1[%get3A_4, %get3A_5, %get3A_6] : memref<2x10240x64xf32, #tpu.memory_space<vmem>>, vector<1x10240x64xf32>
    %get3A_8 = vector.shape_cast %get3A_7 : vector<1x10240x64xf32> to vector<10240x64xf32>
    %add3A = arith.addf %get3A_3, %get3A_8 : vector<10240x64xf32>
    %get3A_9 = arith.constant 1 : index
    %get3A_10 = arith.constant 0 : index
    %get3A_11 = arith.constant 0 : index
    %get3A_12 = vector.load %arg0[%get3A_9, %get3A_10, %get3A_11] : memref<2x10240x64xf32, #tpu.memory_space<vmem>>, vector<1x10240x64xf32>
    %get3A_13 = vector.shape_cast %get3A_12 : vector<1x10240x64xf32> to vector<10240x64xf32>
    %get3A_14 = arith.constant 1 : index
    %get3A_15 = arith.constant 0 : index
    %get3A_16 = arith.constant 0 : index
    %get3A_17 = vector.load %arg1[%get3A_14, %get3A_15, %get3A_16] : memref<2x10240x64xf32, #tpu.memory_space<vmem>>, vector<1x10240x64xf32>
    %get3A_18 = vector.shape_cast %get3A_17 : vector<1x10240x64xf32> to vector<10240x64xf32>
    %add3A_19 = arith.addf %get3A_13, %get3A_18 : vector<10240x64xf32>
    %concatenate3A = tpu.concatenate %add3A, %add3A_19 in 1 : vector<10240x64xf32>, vector<10240x64xf32> -> vector<10240x128xf32>
    %get3A_20 = arith.constant 0 : index
    %get3A_21 = arith.constant 0 : index
    %get3A_22 = vector.load %arg2[%get3A_20, %get3A_21] : memref<10240x1xf32, #tpu.memory_space<vmem>>, vector<10240x1xf32>
    %mul3A = vector.broadcast %get3A_22 : vector<10240x1xf32> to vector<10240x128xf32>
    %mul3A_23 = arith.mulf %concatenate3A, %mul3A : vector<10240x128xf32>
    %get3A_24 = arith.constant 0 : index
    %get3A_25 = arith.constant 0 : index
    %get3A_26 = vector.load %arg3[%get3A_24, %get3A_25] : memref<1x128xf32, #tpu.memory_space<vmem>>, vector<1x128xf32>
    %add3A_27 = vector.broadcast %get3A_26 : vector<1x128xf32> to vector<10240x128xf32>
    %add3A_28 = arith.addf %mul3A_23, %add3A_27 : vector<10240x128xf32>
    %slice3A = vector.extract_strided_slice %add3A_28 {offsets = [0, 0], sizes = [10000, 128], strides = [1, 1]} : vector<10240x128xf32> to vector<10000x128xf32>
    %reduce_sum3A = arith.constant dense<0.000000e+00> : vector<128xf32>
    %reduce_sum3A_29 = vector.multi_reduction <add>, %slice3A, %reduce_sum3A [0] : vector<10000x128xf32> to vector<128xf32>
    %broadcast_in_dim3A = vector.shape_cast %reduce_sum3A_29 : vector<128xf32> to vector<1x128xf32>
    %div3A = arith.constant 1.000000e+04 : f32
    %div3A_30 = vector.broadcast %div3A : f32 to vector<1x128xf32>
    %div3A_31 = arith.divf %broadcast_in_dim3A, %div3A_30 : vector<1x128xf32>
    %sub3A = vector.broadcast %div3A_31 : vector<1x128xf32> to vector<10000x128xf32>
    %sub3A_32 = arith.subf %slice3A, %sub3A : vector<10000x128xf32>
    %mul3A_33 = arith.mulf %sub3A_32, %sub3A_32 : vector<10000x128xf32>
    %reduce_sum3A_34 = arith.constant dense<0.000000e+00> : vector<128xf32>
    %reduce_sum3A_35 = vector.multi_reduction <add>, %mul3A_33, %reduce_sum3A_34 [0] : vector<10000x128xf32> to vector<128xf32>
    %broadcast_in_dim3A_36 = vector.shape_cast %reduce_sum3A_35 : vector<128xf32> to vector<1x128xf32>
    %div3A_37 = arith.constant 1.000000e+04 : f32
    %div3A_38 = vector.broadcast %div3A_37 : f32 to vector<1x128xf32>
    %div3A_39 = arith.divf %broadcast_in_dim3A_36, %div3A_38 : vector<1x128xf32>
    %sub3A_40 = vector.broadcast %div3A_31 : vector<1x128xf32> to vector<10240x128xf32>
    %sub3A_41 = arith.subf %add3A_28, %sub3A_40 : vector<10240x128xf32>
    %add3A_42 = arith.constant 9.99999974E-6 : f32
    %add3A_43 = vector.broadcast %add3A_42 : f32 to vector<1x128xf32>
    %add3A_44 = arith.addf %div3A_39, %add3A_43 : vector<1x128xf32>
    %rsqrt3A = math.rsqrt %add3A_44 : vector<1x128xf32>
    %mul3A_45 = vector.broadcast %rsqrt3A : vector<1x128xf32> to vector<10240x128xf32>
    %mul3A_46 = arith.mulf %sub3A_41, %mul3A_45 : vector<10240x128xf32>
    %get3A_47 = arith.constant 0 : index
    %get3A_48 = arith.constant 0 : index
    %get3A_49 = vector.load %arg4[%get3A_47, %get3A_48] : memref<1x128xf32, #tpu.memory_space<vmem>>, vector<1x128xf32>
    %mul3A_50 = vector.broadcast %get3A_49 : vector<1x128xf32> to vector<10240x128xf32>
    %mul3A_51 = arith.mulf %mul3A_46, %mul3A_50 : vector<10240x128xf32>
    %get3A_52 = arith.constant 0 : index
    %get3A_53 = arith.constant 0 : index
    %get3A_54 = vector.load %arg5[%get3A_52, %get3A_53] : memref<1x128xf32, #tpu.memory_space<vmem>>, vector<1x128xf32>
    %add3A_55 = vector.broadcast %get3A_54 : vector<1x128xf32> to vector<10240x128xf32>
    %add3A_56 = arith.addf %mul3A_51, %add3A_55 : vector<10240x128xf32>
    %max3A = arith.constant 0.000000e+00 : f32
    %max3A_57 = vector.broadcast %max3A : f32 to vector<10240x128xf32>
    %max3A_58 = arith.maximumf %add3A_56, %max3A_57 : vector<10240x128xf32>
    %get3A_59 = arith.constant 0 : index
    %get3A_60 = arith.constant 0 : index
    %get3A_61 = vector.load %arg6[%get3A_59, %get3A_60] : memref<128x128xf32, #tpu.memory_space<vmem>>, vector<128x128xf32>
    %dot_general3A = arith.constant dense<0.000000e+00> : vector<10240x128xf32>
    %dot_general3A_62 = tpu.matmul %max3A_58, %get3A_61, %dot_general3A {dimension_numbers = #tpu.dot_dimension_numbers<[1], [0], [0], [1], [0, 0, 1, 1], [], []>, transpose_lhs_hint = false} : vector<10240x128xf32>, vector<128x128xf32>, vector<10240x128xf32> -> vector<10240x128xf32>
    %get3A_63 = arith.constant 0 : index
    %get3A_64 = arith.constant 0 : index
    %get3A_65 = vector.load %arg2[%get3A_63, %get3A_64] : memref<10240x1xf32, #tpu.memory_space<vmem>>, vector<10240x1xf32>
    %mul3A_66 = vector.broadcast %get3A_65 : vector<10240x1xf32> to vector<10240x128xf32>
    %mul3A_67 = arith.mulf %dot_general3A_62, %mul3A_66 : vector<10240x128xf32>
    %slice3A_68 = vector.extract_strided_slice %mul3A_67 {offsets = [0, 0], sizes = [10240, 64], strides = [1, 1]} : vector<10240x128xf32> to vector<10240x64xf32>
    %swap3A = arith.constant 0 : index
    %swap3A_69 = arith.constant 0 : index
    %swap3A_70 = arith.constant 0 : index
    %swap3A_71 = vector.load %arg7[%swap3A, %swap3A_69, %swap3A_70] : memref<2x10240x64xf32, #tpu.memory_space<vmem>>, vector<1x10240x64xf32>
    %swap3A_72 = vector.shape_cast %swap3A_71 : vector<1x10240x64xf32> to vector<10240x64xf32>
    %swap3A_73 = vector.shape_cast %slice3A_68 : vector<10240x64xf32> to vector<1x10240x64xf32>
    tpu.vector_store %arg7[%swap3A, %swap3A_69, %swap3A_70], %swap3A_73 {strides = array<i32>} : memref<2x10240x64xf32, #tpu.memory_space<vmem>>, vector<1x10240x64xf32>,
    %slice3A_74 = vector.extract_strided_slice %mul3A_67 {offsets = [0, 64], sizes = [10240, 64], strides = [1, 1]} : vector<10240x128xf32> to vector<10240x64xf32>
    %swap3A_75 = arith.constant 1 : index
    %swap3A_76 = arith.constant 0 : index
    %swap3A_77 = arith.constant 0 : index
    %swap3A_78 = vector.load %arg7[%swap3A_75, %swap3A_76, %swap3A_77] : memref<2x10240x64xf32, #tpu.memory_space<vmem>>, vector<1x10240x64xf32>
    %swap3A_79 = vector.shape_cast %swap3A_78 : vector<1x10240x64xf32> to vector<10240x64xf32>
    %swap3A_80 = vector.shape_cast %slice3A_74 : vector<10240x64xf32> to vector<1x10240x64xf32>
    tpu.vector_store %arg7[%swap3A_75, %swap3A_76, %swap3A_77], %swap3A_80 {strides = array<i32>} : memref<2x10240x64xf32, #tpu.memory_space<vmem>>, vector<1x10240x64xf32>,
    return
  }
}

module attributes {stable_mosaic.version = 14 : i64} {
  func.func @body(%arg0: memref<2x10240x64xf32, #tpu.memory_space<vmem>>, %arg1: memref<2x10240x64xf32, #tpu.memory_space<vmem>>, %arg2: memref<10240x1xf32, #tpu.memory_space<vmem>>, %arg3: memref<1x128xf32, #tpu.memory_space<vmem>>, %arg4: memref<1x128xf32, #tpu.memory_space<vmem>>, %arg5: memref<1x128xf32, #tpu.memory_space<vmem>>, %arg6: memref<128x40xf32, #tpu.memory_space<vmem>>, %arg7: memref<10240x40xf32, #tpu.memory_space<vmem>>) attributes {dimension_semantics = [], scalar_prefetch = 0 : i64, scratch_operands = 0 : i64, tpu.core_type = #tpu.core_type<tc>} {
    %get3A = arith.constant 0 : index
    %get3A_0 = arith.constant 0 : index
    %get3A_1 = arith.constant 0 : index
    %get3A_2 = vector.load %arg0[%get3A, %get3A_0, %get3A_1] : memref<2x10240x64xf32, #tpu.memory_space<vmem>>, vector<1x10240x64xf32>
    %get3A_3 = vector.shape_cast %get3A_2 : vector<1x10240x64xf32> to vector<10240x64xf32>
    %get3A_4 = arith.constant 0 : index
    %get3A_5 = arith.constant 0 : index
    %get3A_6 = arith.constant 0 : index
    %get3A_7 = vector.load %arg1[%get3A_4, %get3A_5, %get3A_6] : memref<2x10240x64xf32, #tpu.memory_space<vmem>>, vector<1x10240x64xf32>
    %get3A_8 = vector.shape_cast %get3A_7 : vector<1x10240x64xf32> to vector<10240x64xf32>
    %add3A = arith.addf %get3A_3, %get3A_8 : vector<10240x64xf32>
    %get3A_9 = arith.constant 1 : index
    %get3A_10 = arith.constant 0 : index
    %get3A_11 = arith.constant 0 : index
    %get3A_12 = vector.load %arg0[%get3A_9, %get3A_10, %get3A_11] : memref<2x10240x64xf32, #tpu.memory_space<vmem>>, vector<1x10240x64xf32>
    %get3A_13 = vector.shape_cast %get3A_12 : vector<1x10240x64xf32> to vector<10240x64xf32>
    %get3A_14 = arith.constant 1 : index
    %get3A_15 = arith.constant 0 : index
    %get3A_16 = arith.constant 0 : index
    %get3A_17 = vector.load %arg1[%get3A_14, %get3A_15, %get3A_16] : memref<2x10240x64xf32, #tpu.memory_space<vmem>>, vector<1x10240x64xf32>
    %get3A_18 = vector.shape_cast %get3A_17 : vector<1x10240x64xf32> to vector<10240x64xf32>
    %add3A_19 = arith.addf %get3A_13, %get3A_18 : vector<10240x64xf32>
    %concatenate3A = tpu.concatenate %add3A, %add3A_19 in 1 : vector<10240x64xf32>, vector<10240x64xf32> -> vector<10240x128xf32>
    %get3A_20 = arith.constant 0 : index
    %get3A_21 = arith.constant 0 : index
    %get3A_22 = vector.load %arg2[%get3A_20, %get3A_21] : memref<10240x1xf32, #tpu.memory_space<vmem>>, vector<10240x1xf32>
    %mul3A = vector.broadcast %get3A_22 : vector<10240x1xf32> to vector<10240x128xf32>
    %mul3A_23 = arith.mulf %concatenate3A, %mul3A : vector<10240x128xf32>
    %get3A_24 = arith.constant 0 : index
    %get3A_25 = arith.constant 0 : index
    %get3A_26 = vector.load %arg3[%get3A_24, %get3A_25] : memref<1x128xf32, #tpu.memory_space<vmem>>, vector<1x128xf32>
    %add3A_27 = vector.broadcast %get3A_26 : vector<1x128xf32> to vector<10240x128xf32>
    %add3A_28 = arith.addf %mul3A_23, %add3A_27 : vector<10240x128xf32>
    %slice3A = vector.extract_strided_slice %add3A_28 {offsets = [0, 0], sizes = [10000, 128], strides = [1, 1]} : vector<10240x128xf32> to vector<10000x128xf32>
    %reduce_sum3A = arith.constant dense<0.000000e+00> : vector<128xf32>
    %reduce_sum3A_29 = vector.multi_reduction <add>, %slice3A, %reduce_sum3A [0] : vector<10000x128xf32> to vector<128xf32>
    %broadcast_in_dim3A = vector.shape_cast %reduce_sum3A_29 : vector<128xf32> to vector<1x128xf32>
    %div3A = arith.constant 1.000000e+04 : f32
    %div3A_30 = vector.broadcast %div3A : f32 to vector<1x128xf32>
    %div3A_31 = arith.divf %broadcast_in_dim3A, %div3A_30 : vector<1x128xf32>
    %sub3A = vector.broadcast %div3A_31 : vector<1x128xf32> to vector<10000x128xf32>
    %sub3A_32 = arith.subf %slice3A, %sub3A : vector<10000x128xf32>
    %mul3A_33 = arith.mulf %sub3A_32, %sub3A_32 : vector<10000x128xf32>
    %reduce_sum3A_34 = arith.constant dense<0.000000e+00> : vector<128xf32>
    %reduce_sum3A_35 = vector.multi_reduction <add>, %mul3A_33, %reduce_sum3A_34 [0] : vector<10000x128xf32> to vector<128xf32>
    %broadcast_in_dim3A_36 = vector.shape_cast %reduce_sum3A_35 : vector<128xf32> to vector<1x128xf32>
    %div3A_37 = arith.constant 1.000000e+04 : f32
    %div3A_38 = vector.broadcast %div3A_37 : f32 to vector<1x128xf32>
    %div3A_39 = arith.divf %broadcast_in_dim3A_36, %div3A_38 : vector<1x128xf32>
    %sub3A_40 = vector.broadcast %div3A_31 : vector<1x128xf32> to vector<10240x128xf32>
    %sub3A_41 = arith.subf %add3A_28, %sub3A_40 : vector<10240x128xf32>
    %add3A_42 = arith.constant 9.99999974E-6 : f32
    %add3A_43 = vector.broadcast %add3A_42 : f32 to vector<1x128xf32>
    %add3A_44 = arith.addf %div3A_39, %add3A_43 : vector<1x128xf32>
    %rsqrt3A = math.rsqrt %add3A_44 : vector<1x128xf32>
    %mul3A_45 = vector.broadcast %rsqrt3A : vector<1x128xf32> to vector<10240x128xf32>
    %mul3A_46 = arith.mulf %sub3A_41, %mul3A_45 : vector<10240x128xf32>
    %get3A_47 = arith.constant 0 : index
    %get3A_48 = arith.constant 0 : index
    %get3A_49 = vector.load %arg4[%get3A_47, %get3A_48] : memref<1x128xf32, #tpu.memory_space<vmem>>, vector<1x128xf32>
    %mul3A_50 = vector.broadcast %get3A_49 : vector<1x128xf32> to vector<10240x128xf32>
    %mul3A_51 = arith.mulf %mul3A_46, %mul3A_50 : vector<10240x128xf32>
    %get3A_52 = arith.constant 0 : index
    %get3A_53 = arith.constant 0 : index
    %get3A_54 = vector.load %arg5[%get3A_52, %get3A_53] : memref<1x128xf32, #tpu.memory_space<vmem>>, vector<1x128xf32>
    %add3A_55 = vector.broadcast %get3A_54 : vector<1x128xf32> to vector<10240x128xf32>
    %add3A_56 = arith.addf %mul3A_51, %add3A_55 : vector<10240x128xf32>
    %max3A = arith.constant 0.000000e+00 : f32
    %max3A_57 = vector.broadcast %max3A : f32 to vector<10240x128xf32>
    %max3A_58 = arith.maximumf %add3A_56, %max3A_57 : vector<10240x128xf32>
    %get3A_59 = arith.constant 0 : index
    %get3A_60 = arith.constant 0 : index
    %get3A_61 = vector.load %arg6[%get3A_59, %get3A_60] : memref<128x40xf32, #tpu.memory_space<vmem>>, vector<128x40xf32>
    %dot_general3A = arith.constant dense<0.000000e+00> : vector<10240x40xf32>
    %dot_general3A_62 = tpu.matmul %max3A_58, %get3A_61, %dot_general3A {dimension_numbers = #tpu.dot_dimension_numbers<[1], [0], [0], [1], [0, 0, 1, 1], [], []>, transpose_lhs_hint = false} : vector<10240x128xf32>, vector<128x40xf32>, vector<10240x40xf32> -> vector<10240x40xf32>
    %get3A_63 = arith.constant 0 : index
    %get3A_64 = arith.constant 0 : index
    %get3A_65 = vector.load %arg2[%get3A_63, %get3A_64] : memref<10240x1xf32, #tpu.memory_space<vmem>>, vector<10240x1xf32>
    %mul3A_66 = vector.broadcast %get3A_65 : vector<10240x1xf32> to vector<10240x40xf32>
    %mul3A_67 = arith.mulf %dot_general3A_62, %mul3A_66 : vector<10240x40xf32>
    %swap3A = arith.constant 0 : index
    %swap3A_68 = arith.constant 0 : index
    %swap3A_69 = vector.load %arg7[%swap3A, %swap3A_68] : memref<10240x40xf32, #tpu.memory_space<vmem>>, vector<10240x40xf32>
    tpu.vector_store %arg7[%swap3A, %swap3A_68], %mul3A_67 {strides = array<i32>} : memref<10240x40xf32, #tpu.memory_space<vmem>>, vector<10240x40xf32>,
    return
  }
}

module attributes {stable_mosaic.version = 14 : i64} {
  func.func @body(%arg0: memref<2x10240x40xf32, #tpu.memory_space<vmem>>, %arg1: memref<10240x40xf32, #tpu.memory_space<vmem>>, %arg2: memref<10240x1xf32, #tpu.memory_space<vmem>>, %arg3: memref<1x40xf32, #tpu.memory_space<vmem>>, %arg4: memref<10000x40xf32, #tpu.memory_space<vmem>>) attributes {dimension_semantics = [], scalar_prefetch = 0 : i64, scratch_operands = 0 : i64, tpu.core_type = #tpu.core_type<tc>} {
    %get3A = arith.constant 0 : index
    %get3A_0 = arith.constant 0 : index
    %get3A_1 = arith.constant 0 : index
    %get3A_2 = vector.load %arg0[%get3A, %get3A_0, %get3A_1] : memref<2x10240x40xf32, #tpu.memory_space<vmem>>, vector<1x10240x40xf32>
    %get3A_3 = vector.shape_cast %get3A_2 : vector<1x10240x40xf32> to vector<10240x40xf32>
    %get3A_4 = arith.constant 1 : index
    %get3A_5 = arith.constant 0 : index
    %get3A_6 = arith.constant 0 : index
    %get3A_7 = vector.load %arg0[%get3A_4, %get3A_5, %get3A_6] : memref<2x10240x40xf32, #tpu.memory_space<vmem>>, vector<1x10240x40xf32>
    %get3A_8 = vector.shape_cast %get3A_7 : vector<1x10240x40xf32> to vector<10240x40xf32>
    %add3A = arith.addf %get3A_3, %get3A_8 : vector<10240x40xf32>
    %get3A_9 = arith.constant 0 : index
    %get3A_10 = arith.constant 0 : index
    %get3A_11 = vector.load %arg1[%get3A_9, %get3A_10] : memref<10240x40xf32, #tpu.memory_space<vmem>>, vector<10240x40xf32>
    %add3A_12 = arith.addf %add3A, %get3A_11 : vector<10240x40xf32>
    %get3A_13 = arith.constant 0 : index
    %get3A_14 = arith.constant 0 : index
    %get3A_15 = vector.load %arg2[%get3A_13, %get3A_14] : memref<10240x1xf32, #tpu.memory_space<vmem>>, vector<10240x1xf32>
    %mul3A = vector.broadcast %get3A_15 : vector<10240x1xf32> to vector<10240x40xf32>
    %mul3A_16 = arith.mulf %add3A_12, %mul3A : vector<10240x40xf32>
    %get3A_17 = arith.constant 0 : index
    %get3A_18 = arith.constant 0 : index
    %get3A_19 = vector.load %arg3[%get3A_17, %get3A_18] : memref<1x40xf32, #tpu.memory_space<vmem>>, vector<1x40xf32>
    %add3A_20 = vector.broadcast %get3A_19 : vector<1x40xf32> to vector<10240x40xf32>
    %add3A_21 = arith.addf %mul3A_16, %add3A_20 : vector<10240x40xf32>
    %slice3A = vector.extract_strided_slice %add3A_21 {offsets = [0, 0], sizes = [10000, 40], strides = [1, 1]} : vector<10240x40xf32> to vector<10000x40xf32>
    %reduce_max3A = arith.constant dense<0xFF800000> : vector<10000xf32>
    %reduce_max3A_22 = vector.multi_reduction <maximumf>, %slice3A, %reduce_max3A [1] : vector<10000x40xf32> to vector<10000xf32>
    %broadcast_in_dim3A = vector.shape_cast %reduce_max3A_22 : vector<10000xf32> to vector<10000x1xf32>
    %sub3A = vector.broadcast %broadcast_in_dim3A : vector<10000x1xf32> to vector<10000x40xf32>
    %sub3A_23 = arith.subf %slice3A, %sub3A : vector<10000x40xf32>
    %exp3A = math.exp %sub3A_23 : vector<10000x40xf32>
    %reduce_sum3A = arith.constant dense<0.000000e+00> : vector<10000xf32>
    %reduce_sum3A_24 = vector.multi_reduction <add>, %exp3A, %reduce_sum3A [1] : vector<10000x40xf32> to vector<10000xf32>
    %broadcast_in_dim3A_25 = vector.shape_cast %reduce_sum3A_24 : vector<10000xf32> to vector<10000x1xf32>
    %log3A = math.log %broadcast_in_dim3A_25 : vector<10000x1xf32>
    %sub3A_26 = vector.broadcast %log3A : vector<10000x1xf32> to vector<10000x40xf32>
    %sub3A_27 = arith.subf %sub3A_23, %sub3A_26 : vector<10000x40xf32>
    %swap3A = arith.constant 0 : index
    %swap3A_28 = arith.constant 0 : index
    %swap3A_29 = vector.load %arg4[%swap3A, %swap3A_28] : memref<10000x40xf32, #tpu.memory_space<vmem>>, vector<10000x40xf32>
    tpu.vector_store %arg4[%swap3A, %swap3A_28], %sub3A_27 {strides = array<i32>} : memref<10000x40xf32, #tpu.memory_space<vmem>>, vector<10000x40xf32>,
    return
  }
}

</mosaic_0001>

<sc_bundles>
// kernel: kernel.10.cloned.1.call-start
scs
__scs_entry_jumppad:
0x0: {  	(pc) =	sbr.rel $0x88, $3  }
0x1: {  	(tag) =	ssettag $0x0;
	lr =	simm.s32 $0x1  }
0x2: {  	[smem:$0x3F95] =	sst lr;
	_ =	strace $0xD0000000  }
0x3: {  	_ = 	snop  }
0x4: {  	_ = 	snop  }
0x5: {  	_ = 	snop  }
0x6: {  	_ = 	snop  }
0x7: {  	_ = 	snop  }
__scs_overlays_trampoline_lowered:
0x8: {  	[smem:$0x3FA4] =	sst s0  }
0x9: {  	[smem:$0x3FA5] =	sst s1  }
0xa: {  	[smem:$0x3FA6] =	sst s2  }
0xb: {  	[smem:$0x3FA7] =	sst s3  }
0xc: {  	[smem:$0x3FA8] =	sst s4  }
0xd: {  	[smem:$0x3FA9] =	sst s5  }
0xe: {  	[smem:$0x3FAA] =	sst s6  }
0xf: {  	[smem:$0x3FAB] =	sst s7  }
0x10: {  	[smem:$0x3FAC] =	sst s8  }
0x11: {  	[smem:$0x3FAD] =	sst s9;
	s0 =	simm.s32 @!p0 $0x0  }
0x12: {  	s1 =	sld [smem:$0x3F93];
	s0 =	simm.s32 @p0 $0x1  }
0x13: {  	[smem:$0x3FAE] =	sst s0;
	s0 =	simm.s32 @!p1 $0x0  }
0x14: {  	s2 =	sld [smem:$0x3F92];
	s0 =	simm.s32 @p1 $0x1  }
0x15: {  	[smem:$0x3FAF] =	sst s0;
	s0 =	simm.s32 @!p2 $0x0  }
0x16: {  	s3 =	sld [smem:$0x3FDB];
	s0 =	simm.s32 @p2 $0x1  }
0x17: {  	s4 =	simm.s32 $0x1BF5;
	[smem:$0x3FB1] =	sst s0  }
0x18: {  	s0 =	sld [smem:$0x3F94];
	_ =	swait.ge [sflag:s4], $0x0  }
0x19: {  	s7 =	sld [smem:$0x3F95]  }
0x1a: {  	s8 =	sadd.s32 $0xFFFFE003, lr  }
0x1b: {  	s9 =	sadd.s32 $0xFFFFFEF7, lr;
	s5 =	simm.s32 $0xFFFFFFFF;
	p2 =	slt.u32 s8, $0xFFFFF086  }
0x1c: {  	p1 =	slt.u32 s9, $0xF7A;
	s5 =	simm.s32 @!p2 $0x0  }
0x1d: {  	s5 =	simm.s32 @p1 $0x1;
	p0 =	seq.s32 s7, s2  }
0x1e: {  	s7 =	smul.u32 @!p0 $0xF7A, s2;
	p2 =	seq.s32 @!p0 s5, $0x0  }
0x1f: {  	s9 =	smul.u32 $0xF7A, s1;
	s8 =	simm.s32 @!p0 $0x1BF5;
	p2 =	por !p2, p0  }
0x20: {  	[sflag:s8] =	ssyncset.s32 @!p0 $0xFFFFF086;
	s6 =	sadd.s32 @!p0 s3, s7;
	s7 =	simm.s32 @!p0 $0x108  }
0x21: {  	s3 =	sadd.s32 s3, s9;
	s6 =	sadd.s32 @!p0 $0x88, s6;
	s7 =	simm.s32 @p2 $0x1082  }
0x22: {  	[simem:s7], [sflag:s8] =	dma.local @!p0 [hbm:s6], $0xF7A  }
0x23: {  	s9 =	sor.u32 $0xD0000000, s2;
	s6 =	simm.s32 $0x108;
	_ =	swait.ge @!p0 [sflag:s8], $0x0  }
0x24: {  	s3 =	sadd.s32 $0x88, s3;
	s6 =	simm.s32 @!p1 $0x1082;
	[sflag:s4] =	ssyncset.s32 $0xFFFFF086  }
0x25: {  	[simem:s6], [sflag:s4] =	dma.local [hbm:s3], $0xF7A  }
0x26: {  	[smem:$0x3F95] =	sst s1;
	(tag) =	ssettag s2;
	_ =	strace s9  }
0x27: {  	s1 =	sld [smem:$0x3FA5]  }
0x28: {  	s2 =	sld [smem:$0x3FA6]  }
0x29: {  	s4 =	sld [smem:$0x3FA8]  }
0x2a: {  	p0 =	seq.s32 s5, $0x0;
	s5 =	sld [smem:$0x3FA9]  }
0x2b: {  	s6 =	sld [smem:$0x3FAA]  }
0x2c: {  	s7 =	sld [smem:$0x3FAB]  }
0x2d: {  	s3 =	simm.s32 $0x108;
	s8 =	sld [smem:$0x3FAC]  }
0x2e: {  	s3 =	simm.s32 @!p0 $0x1082;
	s9 =	sld [smem:$0x3FAD]  }
0x2f: {  	lr =	sadd.s32 s0, s3;
	s0 =	sld [smem:$0x3FA4]  }
0x30: {  	s3 =	sld [smem:$0x3FA7]  }
0x31: {  	[smem:$0x3FB0] =	sst s10  }
0x32: {  	s10 =	sld [smem:$0x3FAE];
	_ =	sdelay $0x3  }
0x33: {  	p0 =	seq.s32 s10, $0x1;
	s10 =	sld [smem:$0x3FB0];
	_ =	sdelay $0x3  }
0x34: {  	[smem:$0x3FB0] =	sst s10  }
0x35: {  	s10 =	sld [smem:$0x3FAF];
	_ =	sdelay $0x3  }
0x36: {  	p1 =	seq.s32 s10, $0x1;
	s10 =	sld [smem:$0x3FB0];
	_ =	sdelay $0x3  }
0x37: {  	[smem:$0x3FB0] =	sst s10  }
0x38: {  	s10 =	sld [smem:$0x3FB1]  }
0x39: {  	_ = 	snop;
	(pc) =	sbr.ind lr, $3  }
0x3a: {  	_ = 	snop  }
0x3b: {  	_ = 	snop  }
0x3c: {  	p2 =	seq.s32 s10, $0x1;
	s10 =	sld [smem:$0x3FB0]  }
0x3d: {  	_ =	shalt  }
0x3e: {  	_ =	shalt  }
0x3f: {  	_ =	shalt  }
0x40: {  	_ =	shalt  }
0x41: {  	_ =	shalt  }
0x42: {  	_ =	shalt  }
0x43: {  	_ =	shalt  }
0x44: {  	_ =	shalt  }
0x45: {  	_ =	shalt  }
0x46: {  	_ =	shalt  }
0x47: {  	_ =	shalt  }
0x48: {  	_ =	shalt  }
0x49: {  	_ =	shalt  }
0x4a: {  	_ =	shalt  }
0x4b: {  	_ =	shalt  }
0x4c: {  	_ =	shalt  }
0x4d: {  	_ =	shalt  }
0x4e: {  	_ =	shalt  }
0x4f: {  	_ =	shalt  }
0x50: {  	_ =	shalt  }
0x51: {  	_ =	shalt  }
0x52: {  	_ =	shalt  }
0x53: {  	_ =	shalt  }
0x54: {  	_ =	shalt  }
0x55: {  	_ =	shalt  }
0x56: {  	_ =	shalt  }
0x57: {  	_ =	shalt  }
0x58: {  	_ =	shalt  }
0x59: {  	_ =	shalt  }
0x5a: {  	_ =	shalt  }
0x5b: {  	_ =	shalt  }
0x5c: {  	_ =	shalt  }
0x5d: {  	_ =	shalt  }
0x5e: {  	_ =	shalt  }
0x5f: {  	_ =	shalt  }
0x60: {  	_ =	shalt  }
0x61: {  	_ =	shalt  }
0x62: {  	_ =	shalt  }
0x63: {  	_ =	shalt  }
0x64: {  	_ =	shalt  }
0x65: {  	_ =	shalt  }
0x66: {  	_ =	shalt  }
0x67: {  	_ =	shalt  }
0x68: {  	_ =	shalt  }
0x69: {  	_ =	shalt  }
0x6a: {  	_ =	shalt  }
0x6b: {  	_ =	shalt  }
0x6c: {  	_ =	shalt  }
0x6d: {  	_ =	shalt  }
0x6e: {  	_ =	shalt  }
0x6f: {  	_ =	shalt  }
0x70: {  	_ =	shalt  }
0x71: {  	_ =	shalt  }
0x72: {  	_ =	shalt  }
0x73: {  	_ =	shalt  }
0x74: {  	_ =	shalt  }
0x75: {  	_ =	shalt  }
0x76: {  	_ =	shalt  }
0x77: {  	_ =	shalt  }
0x78: {  	_ =	shalt  }
0x79: {  	_ =	shalt  }
0x7a: {  	_ =	shalt  }
0x7b: {  	_ =	shalt  }
0x7c: {  	_ =	shalt  }
0x7d: {  	_ =	shalt  }
0x7e: {  	_ =	shalt  }
0x7f: {  	_ =	shalt  }
0x80: {  	_ =	shalt  }
0x81: {  	_ =	shalt  }
0x82: {  	_ =	shalt  }
0x83: {  	_ =	shalt  }
0x84: {  	_ =	shalt  }
0x85: {  	_ =	shalt  }
0x86: {  	_ =	shalt  }
0x87: {  	_ =	shalt  }
.Lfunc_end0:
.L_simem_size_0:
called_computation_lowered:
.L_overlay_start_0:
0x88: {  	s2 =	sld [smem:$0x3FD9]  }
0x89: {  	s3 =	sld [smem:$0x3FFE];
	_ =	sdelay $0x1  }
0x8a: {  	s1 =	srdreg.scid  }
0x8b: {  	s0 =	sand.u32 $0x1, s1  }
0x8c: {  	s17 =	sshll.u32 s0, $0xA;
	s2 =	sadd.s32 s3, s2  }
0x8d: {  	s2 =	sadd.s32 s2, s17  }
0x8e: {  	[smem:$0x3FBC] =	sst s2  }
0x8f: {  	_ = 	snop  }
0x90: {  	s2 =	sld [smem:$0x3FD0];
	(tm) =	ssettm $0x1  }
0x91: {  	s18 =	sld [smem:$0x3FFB];
	_ =	sdelay $0x3  }
0x92: {  	_ =	strace s18  }
0x93: {  	s3 =	sld [smem:$0x3FFC];
	_ =	sdelay $0x3  }
0x94: {  	_ =	strace s3  }
0x95: {  	s3 =	sld [smem:$0x3FFD];
	_ =	sdelay $0x3  }
0x96: {  	_ =	strace s3  }
0x97: {  	_ =	strace $0x8FFFFFFF  }
0x98: {  	s19 =	sld [smem:$0x3FDB];
	_ =	sdelay $0x1  }
0x99: {  	s4 =	simm.s32 $_scs_section_size  }
0x9a: {  	s5 =	simm.s32 $_size__tile_overlayer_lowered;
	s6 =	simm.s32 $_tile_overlayer_lowered  }
0x9b: {  	s22 =	simm.s32 $0x1BFF;
	s21 =	sshll.u32 s6, $0x1;
	s3 =	sadd.s32 s4, s19  }
0x9c: {  	s7 =	simm.s32 $0x0;
	s20 =	sshll.u32 s5, $0x1;
	s5 =	sadd.s32 s21, s3  }
0x9d: {  	[timem:s7], [sflag:s22] =	dma.local [hbm:s5], s20  }
0x9e: {  	_ =	swait.ge [sflag:s22], s20  }
0x9f: {  	s4 =	ssub.s32 $0x0, s20;
	[sflag:s22] =	ssyncset.done $0x0  }
0xa0: {  	[sflag:s22] =	ssyncadd.s32 s4;
	_ =	sdelay $0x1  }
0xa1: {  	s23 =	simm.s32 $0x1B8B  }
0xa2: {  	_ =	swait.ge [sflag:s23], $0x1  }
0xa3: {  	[sflag:s23] =	ssyncset.done $0x0  }
0xa4: {  	s25 =	simm.s32 $0x1B8E;
	s24 =	sld [smem:$0x3FFE];
	[sflag:s23] =	ssyncadd.s32 $0xFFFFFFFF  }
0xa5: {  	s26 =	simm.s32 $execute0_lowered;
	[smem:$0x3FD2] =	sst s25  }
0xa6: {  	s5 =	sshll.u32 s26, $0x1;
	_ =	strace $0x80000046;
	[dreg:$0x1] =	wrdreg $0xFFFFFFFF  }
0xa7: {  	s28 =	simm.s32 $_size_execute0_lowered;
	s3 =	sadd.s32 s3, s5;
	[dreg:$0x0] =	wrdreg $0x0  }
0xa8: {  	s5 =	sshll.u32 s28, $0x1;
	[dreg:$0x2] =	wrdreg s3  }
0xa9: {  	[dreg:$0x3] =	wrdreg s5  }
0xaa: {  	[dreg:$0x4] =	wrdreg $0xC0  }
0xab: {  	_ =	task [dreg:s7], $0x5FFFF  }
0xac: {  	[dreg:$0x1] =	wrdreg $0xFFFFFFFF  }
0xad: {  	[dreg:$0x0] =	wrdreg $0x60  }
0xae: {  	[dreg:$0x2] =	wrdreg s2  }
0xaf: {  	[dreg:$0x3] =	wrdreg s24  }
0xb0: {  	[dreg:$0x4] =	wrdreg $0x2C000  }
0xb1: {  	[dreg:$0x5] =	wrdreg $0x9  }
0xb2: {  	_ =	task.clear_ibuf [dreg:s7], $0x6FFFF;
	_ =	strace $0x90000046  }
0xb3: {  	s29 =	simm.s32 $0x9;
	_ =	strace $0x80000048  }
0xb4: {  	_ =	swait.ge [sflag:s29], $0x1  }
0xb5: {  	[sflag:s29] =	ssyncadd.s32 $0xFFFFFFFF  }
0xb6: {  	_ =	strace $0x90000048  }
0xb7: {  	_ =	sfence  }
0xb8: {  	s30 =	sld [smem:$0x0];
	_ =	sdelay $0x2  }
0xb9: {  	s31 =	sshll.u32 s1, $0xD;
	s1 =	sshrl.u32 s1, $0x2  }
0xba: {  	s3 =	sand.u32 $0x4000, s31;
	s1 =	sadd.s32 s1, s30  }
0xbb: {  	s0 =	sor.u32 s3, s0;
	s1 =	sshll.u32 s1, $0x11  }
0xbc: {  	s0 =	sor.u32 s1, s0  }
0xbd: {  	s0 =	sadd.s32 $0x8F2B, s0  }
0xbe: {  	[sflag:s0] =	ssyncadd.remote.s32 $0x1  }
0xbf: {  	_ =	sfence.sel $0xFFFF  }
0xc0: {  	[dreg:$0x0] =	wrdreg $0xFFFFFFFF;
	(pc) =	sbr.abs _section_cstart, $3  }
0xc1: {  	[dreg:$0x1] =	wrdreg $0xFFFFFFFF  }
0xc2: {  	_ =	task.clear_ibuf [dreg:s7], $0x2FFFF;
	_ =	strace $0x9FFFFFFF  }
0xc3: {  	(tm) =	ssettm $0x7FFFFFFF  }
tec
execute0_lowered:
.L_overlay_start_1:
0x0: {  	(tag) =	ssettag $0x1  }
0x1: {  	s6 =	rddreg [dreg:$0x0]  }
0x2: {  	s4 =	rddreg [dreg:$0x1]  }
0x3: {  	s2 =	rddreg [dreg:$0x2]  }
0x4: {  	s0 =	rddreg [dreg:$0x3]  }
0x5: {  	s1 =	stileid.u32;
	s5 =	srdreg.scid;
	s3 =	simm.s32 $0x0  }
0x6: {  	s7 =	smul.u32 $0x1400, s1;
	s5 =	sand.u32 $0x1, s5;
	[smem:$0x7FF] =	sst s3  }
0x7: {  	s10 =	sshll.u32 s1, $0x1;
	s31 =	sshll.u32 s1, $0x6;
	s8 =	smul.u32 $0x14000, s5  }
0x8: {  	_ =	strace $0x80000047;
	s11 =	ssub.s32 $0x2, s5;
	s5 =	sor.u32 s5, s10  }
0x9: {  	s9 =	sshrl.u32 s7, $0x3;
	s30 =	sshrl.u32 s11, $0x1;
	s10 =	smul.u32 $0x500, s5  }
0xa: {  	s12 =	sadd.s32 s7, s2;
	s5 =	sor.u32 $0x1C01, s31;
	s8 =	sadd.s32 s7, s8  }
0xb: {  	s9 =	sadd.s32 s9, s4;
	s11 =	ssub.s32 s11, s30;
	s8 =	sshrl.u32 s8, $0x3  }
0xc: {  	s6 =	sadd.s32 s6, s10;
	s10 =	simm.s32 $0x1;
	s8 =	sadd.s32 s8, s4  }
0xd: {  	s4 =	sadd.s32 $0x3400, s9;
	s9 =	sshrl.u32 s12, $0x3;
	s12 =	simm.s32 $0x2800  }
0xe: {  	v0 =	vimm.f32 $1.000000000e+00;
	s7 =	sadd.s32 $0x5C00, s8;
	s8 =	smax.u32 s11, $0x1;
	s11 =	simm.s32 $0x80  }
.LBB2_1:
0xf: {  	s13 =	simm.s32 $0x20;
	s14 =	simm.s32 $0x0  }
.LBB2_2:
0x10: {  	p0 =	sne.s32 s13, $0xFE0;
	[tilespmem:s14+$0x2800] =	vst.msk $0xff, v0;
	s14 =	smov.u32 s13;
	s13 =	sadd.s32 $0x20, s13  }
.Ltmp0:
0x11: {  	(pc) =	sbr.rel @p0 .LBB2_2-.Ltmp0, $2  }
0x12: {  	_ =	sdelay $0x2  }
0x13: {  	s14 =	sshra.s32 s14, $0x2  }
0x14: {  	[tilespmem:s14+$0x2800] =	vst.msk $0xff, v0  }
0x15: {  	[spmem:s9], [sflag:s5] =	dma.local [hbm:s4], $0x280  }
0x16: {  	_ =	swait.ge [sflag:s10], $0x280  }
0x17: {  	[sflag:s10] =	ssyncset.done $0x0  }
0x18: {  	s13 =	simm.s32 $0x0;
	[sflag:s10] =	ssyncadd.s32 $0xFFFFFD80  }
0x19: {  	[tilespmem:s13], [sflag:$0x1] =	stream.linear.gather [hbm4b:s6+s13], $0x2800, $0x38;
	[tilespmem:$0x4000] =	vst v63  }
0x1a: {  	_ =	swait.ge [sflag:s10], $0x2800  }
0x1b: {  	[sflag:s10] =	ssyncset.done $0x0  }
0x1c: {  	[sflag:s10] =	ssyncadd.s32 $0xFFFFD800  }
0x1d: {  	s31 =	simm.s32 $0x0;
	[bflag:$0x0] =	sbarrier.arrive $0xFFFF  }
0x1e: {  	[spmem:s2] =	stream.indirect.scatter.add.f32 [tilespmem:s12], [sflag:$0x1], $0x8, s31, s11, $0xb8;
	[tilespmem:$0x4000] =	vst v63  }
0x1f: {  	_ =	swait.ge [sflag:s10], $0x400  }
0x20: {  	s13 =	simm.s32 $0x200;
	[sflag:s10] =	ssyncset.done $0x0  }
.LBB2_4:
0x21: {  	s14 =	sshra.s32 s13, $0x2;
	[sflag:s10] =	ssyncadd.s32 $0xFFFFFC00;
	p0 =	sne.s32 s13, $0x9E00  }
0x22: {  	[spmem:s2] =	stream.indirect.scatter.add.f32 [tilespmem:s12], [sflag:$0x1], $0x8, s14, s11, $0xb8;
	[tilespmem:$0x4000] =	vst v63  }
.Ltmp1:
0x23: {  	_ = 	snop;
	(pc) =	sbr.rel @p0 .LBB2_4-.Ltmp1, $4  }
0x24: {  	_ = 	snop  }
0x25: {  	s13 =	sadd.s32 $0x200, s13  }
0x26: {  	_ =	swait.ge [sflag:s10], $0x400  }
0x27: {  	[sflag:s10] =	ssyncset.done $0x0  }
0x28: {  	s3 =	sadd.s32 $0x1, s3  }
0x29: {  	[sflag:s10] =	ssyncadd.s32 $0xFFFFFC00;
	p0 =	sne.s32 s3, s8  }
.Ltmp2:
0x2a: {  	[bflag:$0x0] =	sbarrier.arrive $0xFFFF;
	(pc) =	sbr.rel @p0 .LBB2_1-.Ltmp2, $4  }
0x2b: {  	[hbm:s7], [sflag:s5] =	dma.local [spmem:s9], $0x280  }
0x2c: {  	_ =	swait.ge [sflag:s10], $0x280  }
0x2d: {  	[sflag:s10] =	ssyncset.done $0x0  }
0x2e: {  	[sflag:s10] =	ssyncadd.s32 $0xFFFFFD80  }
0x2f: {  	_ =	sfence.sel $0x180000  }
0x30: {  	[bflag:$0x0] =	sbarrier.arrive $0xFFFF  }
0x31: {  	p0 =	sne.s32 s1, $0x0;
	_ =	strace $0x90000047  }
0x32: {  	s0 =	sadd.s32 @!p0 $0x100000, s0;
	[bflag:$0x2] =	sbarrier.arrive $0xFFFF  }
0x33: {  	[sflag:s0] =	ssyncadd.tile.s32 @!p0 $0x1;
	_ =	shalt  }
.Lfunc_end2:
_tile_overlayer_lowered:
.L_overlay_start_2:
0x34: {  	(tag) =	ssettag $0x2  }
0x35: {  	s0 =	rddreg [dreg:$0x0];
	s2 =	stileid.u32  }
0x36: {  	s1 =	rddreg [dreg:$0x1];
	p0 =	sne.s32 s2, $0x0  }
0x37: {  	s3 =	rddreg [dreg:$0x2];
	[bflag:$0x3] =	sbarrier.arrive $0xFFFF;
	s2 =	simm.s32 @!p0 $0x1C01  }
0x38: {  	[timem:s3], [sflag:s2] =	dma.local @!p0 [hbm:s0], s1  }
0x39: {  	s0 =	simm.s32 @!p0 $0x1  }
0x3a: {  	_ =	swait.ge @!p0 [sflag:s0], s1  }
0x3b: {  	s1 =	ssub.s32 @!p0 $0x0, s1;
	[sflag:s0] =	ssyncset.done @!p0 $0x0  }
0x3c: {  	[sflag:s0] =	ssyncadd.s32 @!p0 s1  }
0x3d: {  	[bflag:$0x3] =	sbarrier.arrive $0xFFFF  }
0x3e: {  	_ =	shalt  }

// kernel: kernel.13.cloned.1.call-start
scs
__scs_entry_jumppad:
0x0: {  	(pc) =	sbr.rel $0x88, $3  }
0x1: {  	(tag) =	ssettag $0x0;
	lr =	simm.s32 $0x1  }
0x2: {  	[smem:$0x3F95] =	sst lr;
	_ =	strace $0xD0000000  }
0x3: {  	_ = 	snop  }
0x4: {  	_ = 	snop  }
0x5: {  	_ = 	snop  }
0x6: {  	_ = 	snop  }
0x7: {  	_ = 	snop  }
__scs_overlays_trampoline_lowered:
0x8: {  	[smem:$0x3FA4] =	sst s0  }
0x9: {  	[smem:$0x3FA5] =	sst s1  }
0xa: {  	[smem:$0x3FA6] =	sst s2  }
0xb: {  	[smem:$0x3FA7] =	sst s3  }
0xc: {  	[smem:$0x3FA8] =	sst s4  }
0xd: {  	[smem:$0x3FA9] =	sst s5  }
0xe: {  	[smem:$0x3FAA] =	sst s6  }
0xf: {  	[smem:$0x3FAB] =	sst s7  }
0x10: {  	[smem:$0x3FAC] =	sst s8  }
0x11: {  	[smem:$0x3FAD] =	sst s9;
	s0 =	simm.s32 @!p0 $0x0  }
0x12: {  	s1 =	sld [smem:$0x3F93];
	s0 =	simm.s32 @p0 $0x1  }
0x13: {  	[smem:$0x3FAE] =	sst s0;
	s0 =	simm.s32 @!p1 $0x0  }
0x14: {  	s2 =	sld [smem:$0x3F92];
	s0 =	simm.s32 @p1 $0x1  }
0x15: {  	[smem:$0x3FAF] =	sst s0;
	s0 =	simm.s32 @!p2 $0x0  }
0x16: {  	s3 =	sld [smem:$0x3FDB];
	s0 =	simm.s32 @p2 $0x1  }
0x17: {  	s4 =	simm.s32 $0x1BF5;
	[smem:$0x3FB1] =	sst s0  }
0x18: {  	s0 =	sld [smem:$0x3F94];
	_ =	swait.ge [sflag:s4], $0x0  }
0x19: {  	s7 =	sld [smem:$0x3F95]  }
0x1a: {  	s8 =	sadd.s32 $0xFFFFE003, lr  }
0x1b: {  	s9 =	sadd.s32 $0xFFFFFEF7, lr;
	s5 =	simm.s32 $0xFFFFFFFF;
	p2 =	slt.u32 s8, $0xFFFFF086  }
0x1c: {  	p1 =	slt.u32 s9, $0xF7A;
	s5 =	simm.s32 @!p2 $0x0  }
0x1d: {  	s5 =	simm.s32 @p1 $0x1;
	p0 =	seq.s32 s7, s2  }
0x1e: {  	s7 =	smul.u32 @!p0 $0xF7A, s2;
	p2 =	seq.s32 @!p0 s5, $0x0  }
0x1f: {  	s9 =	smul.u32 $0xF7A, s1;
	s8 =	simm.s32 @!p0 $0x1BF5;
	p2 =	por !p2, p0  }
0x20: {  	[sflag:s8] =	ssyncset.s32 @!p0 $0xFFFFF086;
	s6 =	sadd.s32 @!p0 s3, s7;
	s7 =	simm.s32 @!p0 $0x108  }
0x21: {  	s3 =	sadd.s32 s3, s9;
	s6 =	sadd.s32 @!p0 $0x88, s6;
	s7 =	simm.s32 @p2 $0x1082  }
0x22: {  	[simem:s7], [sflag:s8] =	dma.local @!p0 [hbm:s6], $0xF7A  }
0x23: {  	s9 =	sor.u32 $0xD0000000, s2;
	s6 =	simm.s32 $0x108;
	_ =	swait.ge @!p0 [sflag:s8], $0x0  }
0x24: {  	s3 =	sadd.s32 $0x88, s3;
	s6 =	simm.s32 @!p1 $0x1082;
	[sflag:s4] =	ssyncset.s32 $0xFFFFF086  }
0x25: {  	[simem:s6], [sflag:s4] =	dma.local [hbm:s3], $0xF7A  }
0x26: {  	[smem:$0x3F95] =	sst s1;
	(tag) =	ssettag s2;
	_ =	strace s9  }
0x27: {  	s1 =	sld [smem:$0x3FA5]  }
0x28: {  	s2 =	sld [smem:$0x3FA6]  }
0x29: {  	s4 =	sld [smem:$0x3FA8]  }
0x2a: {  	p0 =	seq.s32 s5, $0x0;
	s5 =	sld [smem:$0x3FA9]  }
0x2b: {  	s6 =	sld [smem:$0x3FAA]  }
0x2c: {  	s7 =	sld [smem:$0x3FAB]  }
0x2d: {  	s3 =	simm.s32 $0x108;
	s8 =	sld [smem:$0x3FAC]  }
0x2e: {  	s3 =	simm.s32 @!p0 $0x1082;
	s9 =	sld [smem:$0x3FAD]  }
0x2f: {  	lr =	sadd.s32 s0, s3;
	s0 =	sld [smem:$0x3FA4]  }
0x30: {  	s3 =	sld [smem:$0x3FA7]  }
0x31: {  	[smem:$0x3FB0] =	sst s10  }
0x32: {  	s10 =	sld [smem:$0x3FAE];
	_ =	sdelay $0x3  }
0x33: {  	p0 =	seq.s32 s10, $0x1;
	s10 =	sld [smem:$0x3FB0];
	_ =	sdelay $0x3  }
0x34: {  	[smem:$0x3FB0] =	sst s10  }
0x35: {  	s10 =	sld [smem:$0x3FAF];
	_ =	sdelay $0x3  }
0x36: {  	p1 =	seq.s32 s10, $0x1;
	s10 =	sld [smem:$0x3FB0];
	_ =	sdelay $0x3  }
0x37: {  	[smem:$0x3FB0] =	sst s10  }
0x38: {  	s10 =	sld [smem:$0x3FB1]  }
0x39: {  	_ = 	snop;
	(pc) =	sbr.ind lr, $3  }
0x3a: {  	_ = 	snop  }
0x3b: {  	_ = 	snop  }
0x3c: {  	p2 =	seq.s32 s10, $0x1;
	s10 =	sld [smem:$0x3FB0]  }
0x3d: {  	_ =	shalt  }
0x3e: {  	_ =	shalt  }
0x3f: {  	_ =	shalt  }
0x40: {  	_ =	shalt  }
0x41: {  	_ =	shalt  }
0x42: {  	_ =	shalt  }
0x43: {  	_ =	shalt  }
0x44: {  	_ =	shalt  }
0x45: {  	_ =	shalt  }
0x46: {  	_ =	shalt  }
0x47: {  	_ =	shalt  }
0x48: {  	_ =	shalt  }
0x49: {  	_ =	shalt  }
0x4a: {  	_ =	shalt  }
0x4b: {  	_ =	shalt  }
0x4c: {  	_ =	shalt  }
0x4d: {  	_ =	shalt  }
0x4e: {  	_ =	shalt  }
0x4f: {  	_ =	shalt  }
0x50: {  	_ =	shalt  }
0x51: {  	_ =	shalt  }
0x52: {  	_ =	shalt  }
0x53: {  	_ =	shalt  }
0x54: {  	_ =	shalt  }
0x55: {  	_ =	shalt  }
0x56: {  	_ =	shalt  }
0x57: {  	_ =	shalt  }
0x58: {  	_ =	shalt  }
0x59: {  	_ =	shalt  }
0x5a: {  	_ =	shalt  }
0x5b: {  	_ =	shalt  }
0x5c: {  	_ =	shalt  }
0x5d: {  	_ =	shalt  }
0x5e: {  	_ =	shalt  }
0x5f: {  	_ =	shalt  }
0x60: {  	_ =	shalt  }
0x61: {  	_ =	shalt  }
0x62: {  	_ =	shalt  }
0x63: {  	_ =	shalt  }
0x64: {  	_ =	shalt  }
0x65: {  	_ =	shalt  }
0x66: {  	_ =	shalt  }
0x67: {  	_ =	shalt  }
0x68: {  	_ =	shalt  }
0x69: {  	_ =	shalt  }
0x6a: {  	_ =	shalt  }
0x6b: {  	_ =	shalt  }
0x6c: {  	_ =	shalt  }
0x6d: {  	_ =	shalt  }
0x6e: {  	_ =	shalt  }
0x6f: {  	_ =	shalt  }
0x70: {  	_ =	shalt  }
0x71: {  	_ =	shalt  }
0x72: {  	_ =	shalt  }
0x73: {  	_ =	shalt  }
0x74: {  	_ =	shalt  }
0x75: {  	_ =	shalt  }
0x76: {  	_ =	shalt  }
0x77: {  	_ =	shalt  }
0x78: {  	_ =	shalt  }
0x79: {  	_ =	shalt  }
0x7a: {  	_ =	shalt  }
0x7b: {  	_ =	shalt  }
0x7c: {  	_ =	shalt  }
0x7d: {  	_ =	shalt  }
0x7e: {  	_ =	shalt  }
0x7f: {  	_ =	shalt  }
0x80: {  	_ =	shalt  }
0x81: {  	_ =	shalt  }
0x82: {  	_ =	shalt  }
0x83: {  	_ =	shalt  }
0x84: {  	_ =	shalt  }
0x85: {  	_ =	shalt  }
0x86: {  	_ =	shalt  }
0x87: {  	_ =	shalt  }
.Lfunc_end0:
.L_simem_size_0:
called_computation.1_lowered:
.L_overlay_start_0:
0x88: {  	s2 =	sld [smem:$0x3FD9]  }
0x89: {  	s3 =	sld [smem:$0x3FFE];
	_ =	sdelay $0x1  }
0x8a: {  	s1 =	srdreg.scid  }
0x8b: {  	s0 =	sand.u32 $0x1, s1  }
0x8c: {  	s17 =	sshll.u32 s0, $0xA;
	s2 =	sadd.s32 s3, s2  }
0x8d: {  	s2 =	sadd.s32 s2, s17  }
0x8e: {  	[smem:$0x3FBC] =	sst s2  }
0x8f: {  	_ = 	snop  }
0x90: {  	s2 =	sld [smem:$0x3FD0];
	(tm) =	ssettm $0x1  }
0x91: {  	s18 =	sld [smem:$0x3FFB];
	_ =	sdelay $0x3  }
0x92: {  	_ =	strace s18  }
0x93: {  	s3 =	sld [smem:$0x3FFC];
	_ =	sdelay $0x3  }
0x94: {  	_ =	strace s3  }
0x95: {  	s3 =	sld [smem:$0x3FFD];
	_ =	sdelay $0x3  }
0x96: {  	_ =	strace s3  }
0x97: {  	_ =	strace $0x8FFFFFFF  }
0x98: {  	s19 =	sld [smem:$0x3FDB];
	_ =	sdelay $0x1  }
0x99: {  	s4 =	simm.s32 $_scs_section_size  }
0x9a: {  	s5 =	simm.s32 $_size__tile_overlayer_lowered;
	s6 =	simm.s32 $_tile_overlayer_lowered  }
0x9b: {  	s22 =	simm.s32 $0x1BFF;
	s21 =	sshll.u32 s6, $0x1;
	s3 =	sadd.s32 s4, s19  }
0x9c: {  	s7 =	simm.s32 $0x0;
	s20 =	sshll.u32 s5, $0x1;
	s5 =	sadd.s32 s21, s3  }
0x9d: {  	[timem:s7], [sflag:s22] =	dma.local [hbm:s5], s20  }
0x9e: {  	_ =	swait.ge [sflag:s22], s20  }
0x9f: {  	s4 =	ssub.s32 $0x0, s20;
	[sflag:s22] =	ssyncset.done $0x0  }
0xa0: {  	[sflag:s22] =	ssyncadd.s32 s4;
	_ =	sdelay $0x1  }
0xa1: {  	s23 =	simm.s32 $0x1B8B  }
0xa2: {  	_ =	swait.ge [sflag:s23], $0x1  }
0xa3: {  	[sflag:s23] =	ssyncset.done $0x0  }
0xa4: {  	s25 =	simm.s32 $0x1B8E;
	s24 =	sld [smem:$0x3FFE];
	[sflag:s23] =	ssyncadd.s32 $0xFFFFFFFF  }
0xa5: {  	s26 =	simm.s32 $execute0_lowered;
	[smem:$0x3FD2] =	sst s25  }
0xa6: {  	s5 =	sshll.u32 s26, $0x1;
	_ =	strace $0x80000049;
	[dreg:$0x1] =	wrdreg $0xFFFFFFFF  }
0xa7: {  	s28 =	simm.s32 $_size_execute0_lowered;
	s3 =	sadd.s32 s3, s5;
	[dreg:$0x0] =	wrdreg $0x0  }
0xa8: {  	s5 =	sshll.u32 s28, $0x1;
	[dreg:$0x2] =	wrdreg s3  }
0xa9: {  	[dreg:$0x3] =	wrdreg s5  }
0xaa: {  	[dreg:$0x4] =	wrdreg $0xC0  }
0xab: {  	_ =	task [dreg:s7], $0x5FFFF  }
0xac: {  	[dreg:$0x1] =	wrdreg $0xFFFFFFFF  }
0xad: {  	[dreg:$0x0] =	wrdreg $0x60  }
0xae: {  	[dreg:$0x2] =	wrdreg s24  }
0xaf: {  	[dreg:$0x3] =	wrdreg s2  }
0xb0: {  	[dreg:$0x4] =	wrdreg $0x90000  }
0xb1: {  	[dreg:$0x5] =	wrdreg $0x130000  }
0xb2: {  	[dreg:$0x6] =	wrdreg $0x9  }
0xb3: {  	_ =	task.clear_ibuf [dreg:s7], $0x7FFFF;
	_ =	strace $0x90000049  }
0xb4: {  	s29 =	simm.s32 $0x9;
	_ =	strace $0x8000004B  }
0xb5: {  	_ =	swait.ge [sflag:s29], $0x1  }
0xb6: {  	[sflag:s29] =	ssyncadd.s32 $0xFFFFFFFF  }
0xb7: {  	_ =	strace $0x9000004B  }
0xb8: {  	_ =	sfence  }
0xb9: {  	s30 =	sld [smem:$0x0];
	_ =	sdelay $0x2  }
0xba: {  	s31 =	sshll.u32 s1, $0xD;
	s1 =	sshrl.u32 s1, $0x2  }
0xbb: {  	s3 =	sand.u32 $0x4000, s31;
	s1 =	sadd.s32 s1, s30  }
0xbc: {  	s0 =	sor.u32 s3, s0;
	s1 =	sshll.u32 s1, $0x11  }
0xbd: {  	s0 =	sor.u32 s1, s0  }
0xbe: {  	s0 =	sadd.s32 $0x8F2B, s0  }
0xbf: {  	[sflag:s0] =	ssyncadd.remote.s32 $0x1  }
0xc0: {  	_ =	sfence.sel $0xFFFF  }
0xc1: {  	[dreg:$0x0] =	wrdreg $0xFFFFFFFF;
	(pc) =	sbr.abs _section_cstart, $3  }
0xc2: {  	[dreg:$0x1] =	wrdreg $0xFFFFFFFF  }
0xc3: {  	_ =	task.clear_ibuf [dreg:s7], $0x2FFFF;
	_ =	strace $0x9FFFFFFF  }
0xc4: {  	(tm) =	ssettm $0x7FFFFFFF  }
0xc5: {  	_ =	shalt  }
tec
execute0_lowered:
.L_overlay_start_1:
0x0: {  	(tag) =	ssettag $0x1  }
0x1: {  	s0 =	rddreg [dreg:$0x0]  }
0x2: {  	s1 =	rddreg [dreg:$0x1]  }
0x3: {  	s2 =	rddreg [dreg:$0x2]  }
0x4: {  	s3 =	rddreg [dreg:$0x3]  }
0x5: {  	s14 =	stileid.u32;
	s5 =	srdreg.scid;
	s4 =	simm.s32 $0x0  }
0x6: {  	s16 =	simm.s32 $0x3;
	s19 =	simm.s32 $0x80;
	s28 =	simm.s32 $0x2600  }
0x7: {  	s29 =	simm.s32 $0x2680;
	s30 =	simm.s32 $0x4E00;
	s7 =	smul.u32 $0xA000, s14  }
0x8: {  	s31 =	simm.s32 $0x2700;
	s5 =	sand.u32 $0x1, s5;
	s13 =	smul.u32 $0x5000, s14  }
0x9: {  	[smem:$0x7FF] =	sst s4;
	s9 =	sadd.s32 $0x8CC00, s0;
	s21 =	smul.u32 $0xA00, s14  }
0xa: {  	s11 =	sadd.s32 $0xAC00, s0;
	s20 =	sshll.u32 s14, $0x6;
	s8 =	smul.u32 $0xA0000, s5  }
0xb: {  	_ =	strace $0x8000004A;
	s5 =	ssub.s32 $0x2, s5;
	s10 =	sshrl.u32 s7, $0x3  }
0xc: {  	s12 =	sshrl.u32 s5, $0x1;
	s15 =	sadd.s32 s7, s2;
	s22 =	sshrl.u32 s13, $0x3  }
0xd: {  	s23 =	sadd.s32 s11, s21;
	s25 =	sadd.s32 s1, s21;
	s21 =	simm.s32 $0x7000  }
0xe: {  	s6 =	sadd.s32 s7, s8;
	s10 =	sadd.s32 s10, s0;
	s5 =	ssub.s32 s5, s12  }
0xf: {  	s7 =	sadd.s32 s7, s3;
	[dreg:$0x7] =	wrdreg s23;
	s8 =	sshrl.u32 s8, $0x3  }
0x10: {  	s24 =	sadd.s32 $0x500, s22;
	[dreg:$0x8] =	wrdreg s25;
	s15 =	sshrl.u32 s15, $0x3  }
0x11: {  	s22 =	simm.s32 $0x1;
	s23 =	simm.s32 $0x2;
	s25 =	simm.s32 $0x4D00  }
0x12: {  	s6 =	sshrl.u32 s6, $0x3;
	s10 =	sadd.s32 $0xB4C00, s10;
	s26 =	sadd.s32 s11, s24  }
0x13: {  	s1 =	sadd.s32 s1, s24;
	s14 =	smax.u32 s5, $0x1;
	s17 =	sshrl.u32 s7, $0x3  }
0x14: {  	s24 =	simm.s32 $0x2580;
	s5 =	simm.s32 $0x4F00;
	[dreg:$0x6] =	wrdreg s10  }
0x15: {  	s7 =	simm.s32 $0x4F80;
	s0 =	sadd.s32 s6, s0;
	[dreg:$0x9] =	wrdreg s26  }
0x16: {  	s6 =	sadd.s32 s9, s6;
	s10 =	sadd.s32 s9, s8;
	[dreg:$0xa] =	wrdreg s1  }
0x17: {  	s26 =	simm.s32 $0x4D80;
	s1 =	simm.s32 $0x2780;
	s8 =	simm.s32 $0x0  }
0x18: {  	[dreg:$0x5] =	wrdreg s6;
	s6 =	sor.u32 $0x1C03, s20;
	s0 =	sadd.s32 $0xC8C00, s0  }
0x19: {  	s20 =	simm.s32 $0x5000;
	[dreg:$0xb] =	wrdreg s0;
	s0 =	simm.s32 $0x4E80  }
.LBB2_1:
0x1a: {  	s9 =	rddreg [dreg:$0x5]  }
0x1b: {  	[spmem:s15], [sflag:s6] =	dma.local [hbm:s9], $0x1400  }
0x1c: {  	_ =	swait.ge [sflag:s16], $0x1400  }
0x1d: {  	[sflag:s16] =	ssyncset.done $0x0  }
0x1e: {  	s12 =	rddreg [dreg:$0x6];
	[sflag:s16] =	ssyncadd.s32 $0xFFFFEC00  }
0x1f: {  	[spmem:s17], [sflag:s6] =	dma.local [hbm:s12], $0x1400  }
0x20: {  	_ =	swait.ge [sflag:s16], $0x1400  }
0x21: {  	[sflag:s16] =	ssyncset.done $0x0  }
0x22: {  	[sflag:s16] =	ssyncadd.s32 $0xFFFFEC00  }
0x23: {  	[bflag:$0x0] =	sbarrier.arrive $0xFFFF  }
0x24: {  	s13 =	rddreg [dreg:$0x7]  }
0x25: {  	[tilespmem:s4], [sflag:$0x3] =	stream.linear.gather [hbm4b:s13+s4], $0x2800, $0x38;
	[tilespmem:$0x1D000] =	vst v63  }
0x26: {  	_ =	swait.ge [sflag:s16], $0x2800  }
0x27: {  	[sflag:s16] =	ssyncset.done $0x0  }
0x28: {  	s11 =	simm.s32 $0x2800;
	s18 =	rddreg [dreg:$0x8];
	[sflag:s16] =	ssyncadd.s32 $0xFFFFD800  }
0x29: {  	[tilespmem:s11], [sflag:$0x3] =	stream.linear.gather [hbm4b:s18+s4], $0x2800, $0x38;
	[tilespmem:$0x1D000] =	vst v63  }
0x2a: {  	_ =	swait.ge [sflag:s16], $0x2800  }
0x2b: {  	[sflag:s16] =	ssyncset.done $0x0  }
0x2c: {  	[sflag:s16] =	ssyncadd.s32 $0xFFFFD800  }
0x2d: {  	[tilespmem:s20], [sflag:$0x1] =	stream.indirect.gather [hbm4b:s10+s19], $0x40, s4, s19, $0xb8;
	[tilespmem:$0x1D000] =	vst v63  }
0x2e: {  	s11 =	simm.s32 $0x80  }
0x2f: {  	[tilespmem:s21], [sflag:$0x2] =	stream.indirect.gather [hbm4b:s10+s19], $0x40, s11, s19, $0xb8;
	[tilespmem:$0x1D000] =	vst v63  }
0x30: {  	_ =	swait.ge [sflag:s22], $0x2000  }
0x31: {  	[sflag:s22] =	ssyncset.done $0x0  }
0x32: {  	s12 =	simm.s32 $0x2800;
	[sflag:s22] =	ssyncadd.s32 $0xFFFFE000  }
0x33: {  	[spmem:s3] =	stream.indirect.scatter.add.f32 [tilespmem:s20], [sflag:$0x3], $0x40, s12, s19, $0xb8;
	[tilespmem:$0x1D000] =	vst v63  }
0x34: {  	_ =	swait.ge [sflag:s16], $0x2000  }
0x35: {  	[sflag:s16] =	ssyncset.done $0x0  }
0x36: {  	s13 =	simm.s32 $0x100;
	[sflag:s16] =	ssyncadd.s32 $0xFFFFE000  }
0x37: {  	[tilespmem:s20], [sflag:$0x1] =	stream.indirect.gather [hbm4b:s10+s19], $0x40, s13, s19, $0xb8;
	[tilespmem:$0x1D000] =	vst v63  }
0x38: {  	_ =	swait.ge [sflag:s23], $0x2000  }
0x39: {  	[sflag:s23] =	ssyncset.done $0x0  }
0x3a: {  	s18 =	simm.s32 $0x2880;
	[sflag:s23] =	ssyncadd.s32 $0xFFFFE000  }
0x3b: {  	[spmem:s3] =	stream.indirect.scatter.add.f32 [tilespmem:s21], [sflag:$0x3], $0x40, s18, s19, $0xb8;
	[tilespmem:$0x1D000] =	vst v63  }
0x3c: {  	_ =	swait.ge [sflag:s16], $0x2000  }
0x3d: {  	s9 =	simm.s32 $0x100;
	s11 =	simm.s32 $0x800;
	[sflag:s16] =	ssyncset.done $0x0  }
.LBB2_2:
0x3e: {  	s12 =	sadd.s32 $0x80, s9  }
0x3f: {  	[sflag:s16] =	ssyncadd.s32 $0xFFFFE000;
	s18 =	smov.u32 s11;
	s13 =	sadd.s32 $0x400, s11  }
0x40: {  	[tilespmem:s21], [sflag:$0x2] =	stream.indirect.gather [hbm4b:s10+s19], $0x40, s12, s19, $0xb8;
	[tilespmem:$0x1D000] =	vst v63  }
0x41: {  	p0 =	sne.s32 s11, $0x9000;
	_ =	swait.ge [sflag:s22], $0x2000  }
0x42: {  	[sflag:s22] =	ssyncset.done $0x0  }
0x43: {  	s11 =	sadd.s32 $0x2800, s9;
	[sflag:s22] =	ssyncadd.s32 $0xFFFFE000  }
0x44: {  	[spmem:s3] =	stream.indirect.scatter.add.f32 [tilespmem:s20], [sflag:$0x3], $0x40, s11, s19, $0xb8;
	[tilespmem:$0x1D000] =	vst v63  }
0x45: {  	_ =	swait.ge [sflag:s16], $0x2000  }
0x46: {  	[sflag:s16] =	ssyncset.done $0x0  }
0x47: {  	s11 =	sadd.s32 $0x100, s9;
	[sflag:s16] =	ssyncadd.s32 $0xFFFFE000  }
0x48: {  	[tilespmem:s20], [sflag:$0x1] =	stream.indirect.gather [hbm4b:s10+s19], $0x40, s11, s19, $0xb8;
	[tilespmem:$0x1D000] =	vst v63  }
0x49: {  	_ =	swait.ge [sflag:s23], $0x2000  }
.Ltmp0:
0x4a: {  	[sflag:s23] =	ssyncset.done $0x0;
	(pc) =	sbr.rel @p0 .LBB2_2-.Ltmp0, $4  }
0x4b: {  	s9 =	sadd.s32 $0x2880, s9;
	[sflag:s23] =	ssyncadd.s32 $0xFFFFE000  }
0x4c: {  	[spmem:s3] =	stream.indirect.scatter.add.f32 [tilespmem:s21], [sflag:$0x3], $0x40, s9, s19, $0xb8;
	[tilespmem:$0x1D000] =	vst v63  }
0x4d: {  	_ =	swait.ge [sflag:s16], $0x2000  }
0x4e: {  	s11 =	smov.u32 s13;
	s9 =	sshra.s32 s18, $0x2;
	[sflag:s16] =	ssyncset.done $0x0  }
0x4f: {  	s11 =	sadd.s32 $0x80, s9;
	[sflag:s16] =	ssyncadd.s32 $0xFFFFE000  }
0x50: {  	[tilespmem:s21], [sflag:$0x2] =	stream.indirect.gather [hbm4b:s10+s19], $0x40, s11, s19, $0xb8;
	[tilespmem:$0x1D000] =	vst v63  }
0x51: {  	_ =	swait.ge [sflag:s22], $0x2000  }
0x52: {  	[sflag:s22] =	ssyncset.done $0x0  }
0x53: {  	s13 =	sadd.s32 $0x2800, s9;
	[sflag:s22] =	ssyncadd.s32 $0xFFFFE000  }
0x54: {  	[spmem:s3] =	stream.indirect.scatter.add.f32 [tilespmem:s20], [sflag:$0x3], $0x40, s13, s19, $0xb8;
	[tilespmem:$0x1D000] =	vst v63  }
0x55: {  	_ =	swait.ge [sflag:s16], $0x2000  }
0x56: {  	[sflag:s16] =	ssyncset.done $0x0  }
0x57: {  	s18 =	sadd.s32 $0x100, s9;
	[sflag:s16] =	ssyncadd.s32 $0xFFFFE000  }
0x58: {  	[tilespmem:s20], [sflag:$0x1] =	stream.indirect.gather [hbm4b:s10+s19], $0x40, s18, s19, $0xb8;
	[tilespmem:$0x1D000] =	vst v63  }
0x59: {  	_ =	swait.ge [sflag:s23], $0x2000  }
0x5a: {  	[sflag:s23] =	ssyncset.done $0x0  }
0x5b: {  	s12 =	sadd.s32 $0x2880, s9;
	[sflag:s23] =	ssyncadd.s32 $0xFFFFE000  }
0x5c: {  	[spmem:s3] =	stream.indirect.scatter.add.f32 [tilespmem:s21], [sflag:$0x3], $0x40, s12, s19, $0xb8;
	[tilespmem:$0x1D000] =	vst v63  }
0x5d: {  	_ =	swait.ge [sflag:s16], $0x2000  }
0x5e: {  	[sflag:s16] =	ssyncset.done $0x0  }
0x5f: {  	[sflag:s16] =	ssyncadd.s32 $0xFFFFE000  }
0x60: {  	[tilespmem:s21], [sflag:$0x2] =	stream.indirect.gather [hbm4b:s10+s19], $0x40, s24, s19, $0xb8;
	[tilespmem:$0x1D000] =	vst v63  }
0x61: {  	_ =	swait.ge [sflag:s22], $0x2000  }
0x62: {  	[sflag:s22] =	ssyncset.done $0x0  }
0x63: {  	[sflag:s22] =	ssyncadd.s32 $0xFFFFE000  }
0x64: {  	[spmem:s3] =	stream.indirect.scatter.add.f32 [tilespmem:s20], [sflag:$0x3], $0x40, s25, s19, $0xb8;
	[tilespmem:$0x1D000] =	vst v63  }
0x65: {  	_ =	swait.ge [sflag:s16], $0x2000  }
0x66: {  	[sflag:s16] =	ssyncset.done $0x0  }
0x67: {  	[sflag:s16] =	ssyncadd.s32 $0xFFFFE000  }
0x68: {  	_ =	swait.ge [sflag:s23], $0x2000  }
0x69: {  	[sflag:s23] =	ssyncset.done $0x0  }
0x6a: {  	[sflag:s23] =	ssyncadd.s32 $0xFFFFE000  }
0x6b: {  	[spmem:s3] =	stream.indirect.scatter.add.f32 [tilespmem:s21], [sflag:$0x3], $0x40, s26, s19, $0xb8;
	[tilespmem:$0x1D000] =	vst v63  }
0x6c: {  	_ =	swait.ge [sflag:s16], $0x2000  }
0x6d: {  	[sflag:s16] =	ssyncset.done $0x0  }
0x6e: {  	[sflag:s16] =	ssyncadd.s32 $0xFFFFE000  }
0x6f: {  	[tilespmem:s20], [sflag:$0x1] =	stream.indirect.gather [spmem:s2], $0x40, s28, s19, $0xb8;
	[tilespmem:$0x1D000] =	vst v63  }
0x70: {  	_ = 	snop  }
0x71: {  	[tilespmem:s21], [sflag:$0x2] =	stream.indirect.gather [spmem:s2], $0x40, s29, s19, $0xb8;
	[tilespmem:$0x1D000] =	vst v63  }
0x72: {  	_ =	swait.ge [sflag:s22], $0x2000  }
0x73: {  	[sflag:s22] =	ssyncset.done $0x0  }
0x74: {  	[sflag:s22] =	ssyncadd.s32 $0xFFFFE000  }
0x75: {  	[spmem:s3] =	stream.indirect.scatter.add.f32 [tilespmem:s20], [sflag:$0x3], $0x40, s30, s19, $0xb8;
	[tilespmem:$0x1D000] =	vst v63  }
0x76: {  	_ =	swait.ge [sflag:s16], $0x2000  }
0x77: {  	[sflag:s16] =	ssyncset.done $0x0  }
0x78: {  	[sflag:s16] =	ssyncadd.s32 $0xFFFFE000  }
0x79: {  	[tilespmem:s20], [sflag:$0x1] =	stream.indirect.gather [spmem:s2], $0x40, s31, s19, $0xb8;
	[tilespmem:$0x1D000] =	vst v63  }
0x7a: {  	_ =	swait.ge [sflag:s23], $0x2000  }
0x7b: {  	[sflag:s23] =	ssyncset.done $0x0  }
0x7c: {  	[sflag:s23] =	ssyncadd.s32 $0xFFFFE000  }
0x7d: {  	[spmem:s3] =	stream.indirect.scatter.add.f32 [tilespmem:s21], [sflag:$0x3], $0x40, s0, s19, $0xb8;
	[tilespmem:$0x1D000] =	vst v63  }
0x7e: {  	_ =	swait.ge [sflag:s16], $0x2000  }
0x7f: {  	[sflag:s16] =	ssyncset.done $0x0  }
0x80: {  	[sflag:s16] =	ssyncadd.s32 $0xFFFFE000  }
0x81: {  	[tilespmem:s21], [sflag:$0x2] =	stream.indirect.gather [spmem:s2], $0x40, s1, s19, $0xb8;
	[tilespmem:$0x1D000] =	vst v63  }
0x82: {  	_ =	swait.ge [sflag:s22], $0x2000  }
0x83: {  	[sflag:s22] =	ssyncset.done $0x0  }
0x84: {  	[sflag:s22] =	ssyncadd.s32 $0xFFFFE000  }
0x85: {  	[spmem:s3] =	stream.indirect.scatter.add.f32 [tilespmem:s20], [sflag:$0x3], $0x40, s5, s19, $0xb8;
	[tilespmem:$0x1D000] =	vst v63  }
0x86: {  	_ =	swait.ge [sflag:s16], $0x2000  }
0x87: {  	[sflag:s16] =	ssyncset.done $0x0  }
0x88: {  	[sflag:s16] =	ssyncadd.s32 $0xFFFFE000  }
0x89: {  	_ =	swait.ge [sflag:s23], $0x2000  }
0x8a: {  	[sflag:s23] =	ssyncset.done $0x0  }
0x8b: {  	[sflag:s23] =	ssyncadd.s32 $0xFFFFE000  }
0x8c: {  	[spmem:s3] =	stream.indirect.scatter.add.f32 [tilespmem:s21], [sflag:$0x3], $0x40, s7, s19, $0xb8;
	[tilespmem:$0x1D000] =	vst v63  }
0x8d: {  	_ =	swait.ge [sflag:s16], $0x2000  }
0x8e: {  	[sflag:s16] =	ssyncset.done $0x0  }
0x8f: {  	s9 =	simm.s32 $0x0;
	s13 =	rddreg [dreg:$0x9];
	[sflag:s16] =	ssyncadd.s32 $0xFFFFE000  }
0x90: {  	[tilespmem:s9], [sflag:$0x3] =	stream.linear.gather [hbm4b:s13+s9], $0x2800, $0x38;
	[tilespmem:$0x1D000] =	vst v63  }
0x91: {  	_ =	swait.ge [sflag:s16], $0x2800  }
0x92: {  	[sflag:s16] =	ssyncset.done $0x0  }
0x93: {  	s12 =	simm.s32 $0x2800;
	s18 =	rddreg [dreg:$0xa];
	[sflag:s16] =	ssyncadd.s32 $0xFFFFD800  }
0x94: {  	[tilespmem:s12], [sflag:$0x3] =	stream.linear.gather [hbm4b:s18+s9], $0x2800, $0x38;
	[tilespmem:$0x1D000] =	vst v63  }
0x95: {  	_ =	swait.ge [sflag:s16], $0x2800  }
0x96: {  	[sflag:s16] =	ssyncset.done $0x0  }
0x97: {  	[sflag:s16] =	ssyncadd.s32 $0xFFFFD800  }
0x98: {  	[tilespmem:s20], [sflag:$0x1] =	stream.indirect.gather [hbm4b:s10+s19], $0x40, s9, s19, $0xb8;
	[tilespmem:$0x1D000] =	vst v63  }
0x99: {  	s11 =	simm.s32 $0x80  }
0x9a: {  	[tilespmem:s21], [sflag:$0x2] =	stream.indirect.gather [hbm4b:s10+s19], $0x40, s11, s19, $0xb8;
	[tilespmem:$0x1D000] =	vst v63  }
0x9b: {  	_ =	swait.ge [sflag:s22], $0x2000  }
0x9c: {  	[sflag:s22] =	ssyncset.done $0x0  }
0x9d: {  	s12 =	simm.s32 $0x2800;
	[sflag:s22] =	ssyncadd.s32 $0xFFFFE000  }
0x9e: {  	[spmem:s3] =	stream.indirect.scatter.add.f32 [tilespmem:s20], [sflag:$0x3], $0x40, s12, s19, $0xb8;
	[tilespmem:$0x1D000] =	vst v63  }
0x9f: {  	_ =	swait.ge [sflag:s16], $0x2000  }
0xa0: {  	[sflag:s16] =	ssyncset.done $0x0  }
0xa1: {  	s13 =	simm.s32 $0x100;
	[sflag:s16] =	ssyncadd.s32 $0xFFFFE000  }
0xa2: {  	[tilespmem:s20], [sflag:$0x1] =	stream.indirect.gather [hbm4b:s10+s19], $0x40, s13, s19, $0xb8;
	[tilespmem:$0x1D000] =	vst v63  }
0xa3: {  	_ =	swait.ge [sflag:s23], $0x2000  }
0xa4: {  	[sflag:s23] =	ssyncset.done $0x0  }
0xa5: {  	s18 =	simm.s32 $0x2880;
	[sflag:s23] =	ssyncadd.s32 $0xFFFFE000  }
0xa6: {  	[spmem:s3] =	stream.indirect.scatter.add.f32 [tilespmem:s21], [sflag:$0x3], $0x40, s18, s19, $0xb8;
	[tilespmem:$0x1D000] =	vst v63  }
0xa7: {  	_ =	swait.ge [sflag:s16], $0x2000  }
0xa8: {  	s9 =	simm.s32 $0x100;
	s11 =	simm.s32 $0x800;
	[sflag:s16] =	ssyncset.done $0x0  }
.LBB2_4:
0xa9: {  	s12 =	sadd.s32 $0x80, s9  }
0xaa: {  	[sflag:s16] =	ssyncadd.s32 $0xFFFFE000;
	s13 =	smov.u32 s11;
	s18 =	sadd.s32 $0x400, s11  }
0xab: {  	[tilespmem:s21], [sflag:$0x2] =	stream.indirect.gather [hbm4b:s10+s19], $0x40, s12, s19, $0xb8;
	[tilespmem:$0x1D000] =	vst v63  }
0xac: {  	p0 =	sne.s32 s11, $0x9000;
	_ =	swait.ge [sflag:s22], $0x2000  }
0xad: {  	[sflag:s22] =	ssyncset.done $0x0  }
0xae: {  	s11 =	sadd.s32 $0x2800, s9;
	[sflag:s22] =	ssyncadd.s32 $0xFFFFE000  }
0xaf: {  	[spmem:s3] =	stream.indirect.scatter.add.f32 [tilespmem:s20], [sflag:$0x3], $0x40, s11, s19, $0xb8;
	[tilespmem:$0x1D000] =	vst v63  }
0xb0: {  	_ =	swait.ge [sflag:s16], $0x2000  }
0xb1: {  	[sflag:s16] =	ssyncset.done $0x0  }
0xb2: {  	s11 =	sadd.s32 $0x100, s9;
	[sflag:s16] =	ssyncadd.s32 $0xFFFFE000  }
0xb3: {  	[tilespmem:s20], [sflag:$0x1] =	stream.indirect.gather [hbm4b:s10+s19], $0x40, s11, s19, $0xb8;
	[tilespmem:$0x1D000] =	vst v63  }
0xb4: {  	_ =	swait.ge [sflag:s23], $0x2000  }
.Ltmp1:
0xb5: {  	[sflag:s23] =	ssyncset.done $0x0;
	(pc) =	sbr.rel @p0 .LBB2_4-.Ltmp1, $4  }
0xb6: {  	s9 =	sadd.s32 $0x2880, s9;
	[sflag:s23] =	ssyncadd.s32 $0xFFFFE000  }
0xb7: {  	[spmem:s3] =	stream.indirect.scatter.add.f32 [tilespmem:s21], [sflag:$0x3], $0x40, s9, s19, $0xb8;
	[tilespmem:$0x1D000] =	vst v63  }
0xb8: {  	_ =	swait.ge [sflag:s16], $0x2000  }
0xb9: {  	s11 =	smov.u32 s18;
	s9 =	sshra.s32 s13, $0x2;
	[sflag:s16] =	ssyncset.done $0x0  }
0xba: {  	s11 =	sadd.s32 $0x80, s9;
	[sflag:s16] =	ssyncadd.s32 $0xFFFFE000  }
0xbb: {  	[tilespmem:s21], [sflag:$0x2] =	stream.indirect.gather [hbm4b:s10+s19], $0x40, s11, s19, $0xb8;
	[tilespmem:$0x1D000] =	vst v63  }
0xbc: {  	_ =	swait.ge [sflag:s22], $0x2000  }
0xbd: {  	[sflag:s22] =	ssyncset.done $0x0  }
0xbe: {  	s18 =	sadd.s32 $0x2800, s9;
	[sflag:s22] =	ssyncadd.s32 $0xFFFFE000  }
0xbf: {  	[spmem:s3] =	stream.indirect.scatter.add.f32 [tilespmem:s20], [sflag:$0x3], $0x40, s18, s19, $0xb8;
	[tilespmem:$0x1D000] =	vst v63  }
0xc0: {  	_ =	swait.ge [sflag:s16], $0x2000  }
0xc1: {  	[sflag:s16] =	ssyncset.done $0x0  }
0xc2: {  	s12 =	sadd.s32 $0x100, s9;
	[sflag:s16] =	ssyncadd.s32 $0xFFFFE000  }
0xc3: {  	[tilespmem:s20], [sflag:$0x1] =	stream.indirect.gather [hbm4b:s10+s19], $0x40, s12, s19, $0xb8;
	[tilespmem:$0x1D000] =	vst v63  }
0xc4: {  	_ =	swait.ge [sflag:s23], $0x2000  }
0xc5: {  	[sflag:s23] =	ssyncset.done $0x0  }
0xc6: {  	s13 =	sadd.s32 $0x2880, s9;
	[sflag:s23] =	ssyncadd.s32 $0xFFFFE000  }
0xc7: {  	[spmem:s3] =	stream.indirect.scatter.add.f32 [tilespmem:s21], [sflag:$0x3], $0x40, s13, s19, $0xb8;
	[tilespmem:$0x1D000] =	vst v63  }
0xc8: {  	_ =	swait.ge [sflag:s16], $0x2000  }
0xc9: {  	[sflag:s16] =	ssyncset.done $0x0  }
0xca: {  	[sflag:s16] =	ssyncadd.s32 $0xFFFFE000  }
0xcb: {  	[tilespmem:s21], [sflag:$0x2] =	stream.indirect.gather [hbm4b:s10+s19], $0x40, s24, s19, $0xb8;
	[tilespmem:$0x1D000] =	vst v63  }
0xcc: {  	_ =	swait.ge [sflag:s22], $0x2000  }
0xcd: {  	[sflag:s22] =	ssyncset.done $0x0  }
0xce: {  	[sflag:s22] =	ssyncadd.s32 $0xFFFFE000  }
0xcf: {  	[spmem:s3] =	stream.indirect.scatter.add.f32 [tilespmem:s20], [sflag:$0x3], $0x40, s25, s19, $0xb8;
	[tilespmem:$0x1D000] =	vst v63  }
0xd0: {  	_ =	swait.ge [sflag:s16], $0x2000  }
0xd1: {  	[sflag:s16] =	ssyncset.done $0x0  }
0xd2: {  	[sflag:s16] =	ssyncadd.s32 $0xFFFFE000  }
0xd3: {  	_ =	swait.ge [sflag:s23], $0x2000  }
0xd4: {  	[sflag:s23] =	ssyncset.done $0x0  }
0xd5: {  	[sflag:s23] =	ssyncadd.s32 $0xFFFFE000  }
0xd6: {  	[spmem:s3] =	stream.indirect.scatter.add.f32 [tilespmem:s21], [sflag:$0x3], $0x40, s26, s19, $0xb8;
	[tilespmem:$0x1D000] =	vst v63  }
0xd7: {  	_ =	swait.ge [sflag:s16], $0x2000  }
0xd8: {  	[sflag:s16] =	ssyncset.done $0x0  }
0xd9: {  	[sflag:s16] =	ssyncadd.s32 $0xFFFFE000  }
0xda: {  	[tilespmem:s20], [sflag:$0x1] =	stream.indirect.gather [spmem:s2], $0x40, s28, s19, $0xb8;
	[tilespmem:$0x1D000] =	vst v63  }
0xdb: {  	_ = 	snop  }
0xdc: {  	[tilespmem:s21], [sflag:$0x2] =	stream.indirect.gather [spmem:s2], $0x40, s29, s19, $0xb8;
	[tilespmem:$0x1D000] =	vst v63  }
0xdd: {  	_ =	swait.ge [sflag:s22], $0x2000  }
0xde: {  	[sflag:s22] =	ssyncset.done $0x0  }
0xdf: {  	[sflag:s22] =	ssyncadd.s32 $0xFFFFE000  }
0xe0: {  	[spmem:s3] =	stream.indirect.scatter.add.f32 [tilespmem:s20], [sflag:$0x3], $0x40, s30, s19, $0xb8;
	[tilespmem:$0x1D000] =	vst v63  }
0xe1: {  	_ =	swait.ge [sflag:s16], $0x2000  }
0xe2: {  	[sflag:s16] =	ssyncset.done $0x0  }
0xe3: {  	[sflag:s16] =	ssyncadd.s32 $0xFFFFE000  }
0xe4: {  	[tilespmem:s20], [sflag:$0x1] =	stream.indirect.gather [spmem:s2], $0x40, s31, s19, $0xb8;
	[tilespmem:$0x1D000] =	vst v63  }
0xe5: {  	_ =	swait.ge [sflag:s23], $0x2000  }
0xe6: {  	[sflag:s23] =	ssyncset.done $0x0  }
0xe7: {  	[sflag:s23] =	ssyncadd.s32 $0xFFFFE000  }
0xe8: {  	[spmem:s3] =	stream.indirect.scatter.add.f32 [tilespmem:s21], [sflag:$0x3], $0x40, s0, s19, $0xb8;
	[tilespmem:$0x1D000] =	vst v63  }
0xe9: {  	_ =	swait.ge [sflag:s16], $0x2000  }
0xea: {  	[sflag:s16] =	ssyncset.done $0x0  }
0xeb: {  	[sflag:s16] =	ssyncadd.s32 $0xFFFFE000  }
0xec: {  	[tilespmem:s21], [sflag:$0x2] =	stream.indirect.gather [spmem:s2], $0x40, s1, s19, $0xb8;
	[tilespmem:$0x1D000] =	vst v63  }
0xed: {  	_ =	swait.ge [sflag:s22], $0x2000  }
0xee: {  	[sflag:s22] =	ssyncset.done $0x0  }
0xef: {  	[sflag:s22] =	ssyncadd.s32 $0xFFFFE000  }
0xf0: {  	[spmem:s3] =	stream.indirect.scatter.add.f32 [tilespmem:s20], [sflag:$0x3], $0x40, s5, s19, $0xb8;
	[tilespmem:$0x1D000] =	vst v63  }
0xf1: {  	_ =	swait.ge [sflag:s16], $0x2000  }
0xf2: {  	[sflag:s16] =	ssyncset.done $0x0  }
0xf3: {  	[sflag:s16] =	ssyncadd.s32 $0xFFFFE000  }
0xf4: {  	_ =	swait.ge [sflag:s23], $0x2000  }
0xf5: {  	[sflag:s23] =	ssyncset.done $0x0  }
0xf6: {  	[sflag:s23] =	ssyncadd.s32 $0xFFFFE000  }
0xf7: {  	[spmem:s3] =	stream.indirect.scatter.add.f32 [tilespmem:s21], [sflag:$0x3], $0x40, s7, s19, $0xb8;
	[tilespmem:$0x1D000] =	vst v63  }
0xf8: {  	_ =	swait.ge [sflag:s16], $0x2000  }
0xf9: {  	[sflag:s16] =	ssyncset.done $0x0  }
0xfa: {  	s8 =	sadd.s32 $0x1, s8;
	[sflag:s16] =	ssyncadd.s32 $0xFFFFE000  }
0xfb: {  	p0 =	sne.s32 s8, s14;
	[bflag:$0x0] =	sbarrier.arrive $0xFFFF  }
.Ltmp2:
0xfc: {  	s18 =	rddreg [dreg:$0xb];
	(pc) =	sbr.rel @p0 .LBB2_1-.Ltmp2, $4  }
0xfd: {  	[hbm:s18], [sflag:s6] =	dma.local [spmem:s17], $0x1400  }
0xfe: {  	_ =	swait.ge [sflag:s16], $0x1400  }
0xff: {  	[sflag:s16] =	ssyncset.done $0x0  }
0x100: {  	[sflag:s16] =	ssyncadd.s32 $0xFFFFEC00  }
0x101: {  	_ =	sfence.sel $0x180000  }
0x102: {  	[bflag:$0x0] =	sbarrier.arrive $0xFFFF  }
0x103: {  	_ =	strace $0x9000004A  }
0x104: {  	s0 =	stileid.u32;
	[bflag:$0x2] =	sbarrier.arrive $0xFFFF  }
0x105: {  	p0 =	sne.s32 s0, $0x0;
	s0 =	rddreg [dreg:$0x4]  }
0x106: {  	s0 =	sadd.s32 @!p0 $0x100000, s0  }
0x107: {  	[sflag:s0] =	ssyncadd.tile.s32 @!p0 $0x1;
	_ =	shalt  }
.Lfunc_end2:
_tile_overlayer_lowered:
.L_overlay_start_2:
0x108: {  	(tag) =	ssettag $0x2  }
0x109: {  	s0 =	rddreg [dreg:$0x0];
	s2 =	stileid.u32  }
0x10a: {  	s1 =	rddreg [dreg:$0x1];
	p0 =	sne.s32 s2, $0x0  }
0x10b: {  	s3 =	rddreg [dreg:$0x2];
	[bflag:$0x3] =	sbarrier.arrive $0xFFFF;
	s2 =	simm.s32 @!p0 $0x1C03  }
0x10c: {  	[timem:s3], [sflag:s2] =	dma.local @!p0 [hbm:s0], s1  }
0x10d: {  	s0 =	simm.s32 @!p0 $0x3  }
0x10e: {  	_ =	swait.ge @!p0 [sflag:s0], s1  }
0x10f: {  	s1 =	ssub.s32 @!p0 $0x0, s1;
	[sflag:s0] =	ssyncset.done @!p0 $0x0  }
0x110: {  	[sflag:s0] =	ssyncadd.s32 @!p0 s1  }
0x111: {  	[bflag:$0x3] =	sbarrier.arrive $0xFFFF  }
0x112: {  	_ =	shalt  }

// kernel: kernel.16.cloned.1.call-start
scs
__scs_entry_jumppad:
0x0: {  	(pc) =	sbr.rel $0x88, $3  }
0x1: {  	(tag) =	ssettag $0x0;
	lr =	simm.s32 $0x1  }
0x2: {  	[smem:$0x3F95] =	sst lr;
	_ =	strace $0xD0000000  }
0x3: {  	_ = 	snop  }
0x4: {  	_ = 	snop  }
0x5: {  	_ = 	snop  }
0x6: {  	_ = 	snop  }
0x7: {  	_ = 	snop  }
__scs_overlays_trampoline_lowered:
0x8: {  	[smem:$0x3FA4] =	sst s0  }
0x9: {  	[smem:$0x3FA5] =	sst s1  }
0xa: {  	[smem:$0x3FA6] =	sst s2  }
0xb: {  	[smem:$0x3FA7] =	sst s3  }
0xc: {  	[smem:$0x3FA8] =	sst s4  }
0xd: {  	[smem:$0x3FA9] =	sst s5  }
0xe: {  	[smem:$0x3FAA] =	sst s6  }
0xf: {  	[smem:$0x3FAB] =	sst s7  }
0x10: {  	[smem:$0x3FAC] =	sst s8  }
0x11: {  	[smem:$0x3FAD] =	sst s9;
	s0 =	simm.s32 @!p0 $0x0  }
0x12: {  	s1 =	sld [smem:$0x3F93];
	s0 =	simm.s32 @p0 $0x1  }
0x13: {  	[smem:$0x3FAE] =	sst s0;
	s0 =	simm.s32 @!p1 $0x0  }
0x14: {  	s2 =	sld [smem:$0x3F92];
	s0 =	simm.s32 @p1 $0x1  }
0x15: {  	[smem:$0x3FAF] =	sst s0;
	s0 =	simm.s32 @!p2 $0x0  }
0x16: {  	s3 =	sld [smem:$0x3FDB];
	s0 =	simm.s32 @p2 $0x1  }
0x17: {  	s4 =	simm.s32 $0x1BF5;
	[smem:$0x3FB1] =	sst s0  }
0x18: {  	s0 =	sld [smem:$0x3F94];
	_ =	swait.ge [sflag:s4], $0x0  }
0x19: {  	s7 =	sld [smem:$0x3F95]  }
0x1a: {  	s8 =	sadd.s32 $0xFFFFE003, lr  }
0x1b: {  	s9 =	sadd.s32 $0xFFFFFEF7, lr;
	s5 =	simm.s32 $0xFFFFFFFF;
	p2 =	slt.u32 s8, $0xFFFFF086  }
0x1c: {  	p1 =	slt.u32 s9, $0xF7A;
	s5 =	simm.s32 @!p2 $0x0  }
0x1d: {  	s5 =	simm.s32 @p1 $0x1;
	p0 =	seq.s32 s7, s2  }
0x1e: {  	s7 =	smul.u32 @!p0 $0xF7A, s2;
	p2 =	seq.s32 @!p0 s5, $0x0  }
0x1f: {  	s9 =	smul.u32 $0xF7A, s1;
	s8 =	simm.s32 @!p0 $0x1BF5;
	p2 =	por !p2, p0  }
0x20: {  	[sflag:s8] =	ssyncset.s32 @!p0 $0xFFFFF086;
	s6 =	sadd.s32 @!p0 s3, s7;
	s7 =	simm.s32 @!p0 $0x108  }
0x21: {  	s3 =	sadd.s32 s3, s9;
	s6 =	sadd.s32 @!p0 $0x88, s6;
	s7 =	simm.s32 @p2 $0x1082  }
0x22: {  	[simem:s7], [sflag:s8] =	dma.local @!p0 [hbm:s6], $0xF7A  }
0x23: {  	s9 =	sor.u32 $0xD0000000, s2;
	s6 =	simm.s32 $0x108;
	_ =	swait.ge @!p0 [sflag:s8], $0x0  }
0x24: {  	s3 =	sadd.s32 $0x88, s3;
	s6 =	simm.s32 @!p1 $0x1082;
	[sflag:s4] =	ssyncset.s32 $0xFFFFF086  }
0x25: {  	[simem:s6], [sflag:s4] =	dma.local [hbm:s3], $0xF7A  }
0x26: {  	[smem:$0x3F95] =	sst s1;
	(tag) =	ssettag s2;
	_ =	strace s9  }
0x27: {  	s1 =	sld [smem:$0x3FA5]  }
0x28: {  	s2 =	sld [smem:$0x3FA6]  }
0x29: {  	s4 =	sld [smem:$0x3FA8]  }
0x2a: {  	p0 =	seq.s32 s5, $0x0;
	s5 =	sld [smem:$0x3FA9]  }
0x2b: {  	s6 =	sld [smem:$0x3FAA]  }
0x2c: {  	s7 =	sld [smem:$0x3FAB]  }
0x2d: {  	s3 =	simm.s32 $0x108;
	s8 =	sld [smem:$0x3FAC]  }
0x2e: {  	s3 =	simm.s32 @!p0 $0x1082;
	s9 =	sld [smem:$0x3FAD]  }
0x2f: {  	lr =	sadd.s32 s0, s3;
	s0 =	sld [smem:$0x3FA4]  }
0x30: {  	s3 =	sld [smem:$0x3FA7]  }
0x31: {  	[smem:$0x3FB0] =	sst s10  }
0x32: {  	s10 =	sld [smem:$0x3FAE];
	_ =	sdelay $0x3  }
0x33: {  	p0 =	seq.s32 s10, $0x1;
	s10 =	sld [smem:$0x3FB0];
	_ =	sdelay $0x3  }
0x34: {  	[smem:$0x3FB0] =	sst s10  }
0x35: {  	s10 =	sld [smem:$0x3FAF];
	_ =	sdelay $0x3  }
0x36: {  	p1 =	seq.s32 s10, $0x1;
	s10 =	sld [smem:$0x3FB0];
	_ =	sdelay $0x3  }
0x37: {  	[smem:$0x3FB0] =	sst s10  }
0x38: {  	s10 =	sld [smem:$0x3FB1]  }
0x39: {  	_ = 	snop;
	(pc) =	sbr.ind lr, $3  }
0x3a: {  	_ = 	snop  }
0x3b: {  	_ = 	snop  }
0x3c: {  	p2 =	seq.s32 s10, $0x1;
	s10 =	sld [smem:$0x3FB0]  }
0x3d: {  	_ =	shalt  }
0x3e: {  	_ =	shalt  }
0x3f: {  	_ =	shalt  }
0x40: {  	_ =	shalt  }
0x41: {  	_ =	shalt  }
0x42: {  	_ =	shalt  }
0x43: {  	_ =	shalt  }
0x44: {  	_ =	shalt  }
0x45: {  	_ =	shalt  }
0x46: {  	_ =	shalt  }
0x47: {  	_ =	shalt  }
0x48: {  	_ =	shalt  }
0x49: {  	_ =	shalt  }
0x4a: {  	_ =	shalt  }
0x4b: {  	_ =	shalt  }
0x4c: {  	_ =	shalt  }
0x4d: {  	_ =	shalt  }
0x4e: {  	_ =	shalt  }
0x4f: {  	_ =	shalt  }
0x50: {  	_ =	shalt  }
0x51: {  	_ =	shalt  }
0x52: {  	_ =	shalt  }
0x53: {  	_ =	shalt  }
0x54: {  	_ =	shalt  }
0x55: {  	_ =	shalt  }
0x56: {  	_ =	shalt  }
0x57: {  	_ =	shalt  }
0x58: {  	_ =	shalt  }
0x59: {  	_ =	shalt  }
0x5a: {  	_ =	shalt  }
0x5b: {  	_ =	shalt  }
0x5c: {  	_ =	shalt  }
0x5d: {  	_ =	shalt  }
0x5e: {  	_ =	shalt  }
0x5f: {  	_ =	shalt  }
0x60: {  	_ =	shalt  }
0x61: {  	_ =	shalt  }
0x62: {  	_ =	shalt  }
0x63: {  	_ =	shalt  }
0x64: {  	_ =	shalt  }
0x65: {  	_ =	shalt  }
0x66: {  	_ =	shalt  }
0x67: {  	_ =	shalt  }
0x68: {  	_ =	shalt  }
0x69: {  	_ =	shalt  }
0x6a: {  	_ =	shalt  }
0x6b: {  	_ =	shalt  }
0x6c: {  	_ =	shalt  }
0x6d: {  	_ =	shalt  }
0x6e: {  	_ =	shalt  }
0x6f: {  	_ =	shalt  }
0x70: {  	_ =	shalt  }
0x71: {  	_ =	shalt  }
0x72: {  	_ =	shalt  }
0x73: {  	_ =	shalt  }
0x74: {  	_ =	shalt  }
0x75: {  	_ =	shalt  }
0x76: {  	_ =	shalt  }
0x77: {  	_ =	shalt  }
0x78: {  	_ =	shalt  }
0x79: {  	_ =	shalt  }
0x7a: {  	_ =	shalt  }
0x7b: {  	_ =	shalt  }
0x7c: {  	_ =	shalt  }
0x7d: {  	_ =	shalt  }
0x7e: {  	_ =	shalt  }
0x7f: {  	_ =	shalt  }
0x80: {  	_ =	shalt  }
0x81: {  	_ =	shalt  }
0x82: {  	_ =	shalt  }
0x83: {  	_ =	shalt  }
0x84: {  	_ =	shalt  }
0x85: {  	_ =	shalt  }
0x86: {  	_ =	shalt  }
0x87: {  	_ =	shalt  }
.Lfunc_end0:
.L_simem_size_0:
called_computation.2_lowered:
.L_overlay_start_0:
0x88: {  	s2 =	sld [smem:$0x3FD9]  }
0x89: {  	s3 =	sld [smem:$0x3FFE];
	_ =	sdelay $0x1  }
0x8a: {  	s1 =	srdreg.scid  }
0x8b: {  	s0 =	sand.u32 $0x1, s1  }
0x8c: {  	s17 =	sshll.u32 s0, $0xA;
	s2 =	sadd.s32 s3, s2  }
0x8d: {  	s2 =	sadd.s32 s2, s17  }
0x8e: {  	[smem:$0x3FBC] =	sst s2  }
0x8f: {  	_ = 	snop  }
0x90: {  	s2 =	sld [smem:$0x3FD0];
	(tm) =	ssettm $0x1  }
0x91: {  	s18 =	sld [smem:$0x3FFB];
	_ =	sdelay $0x3  }
0x92: {  	_ =	strace s18  }
0x93: {  	s3 =	sld [smem:$0x3FFC];
	_ =	sdelay $0x3  }
0x94: {  	_ =	strace s3  }
0x95: {  	s3 =	sld [smem:$0x3FFD];
	_ =	sdelay $0x3  }
0x96: {  	_ =	strace s3  }
0x97: {  	_ =	strace $0x8FFFFFFF  }
0x98: {  	s19 =	sld [smem:$0x3FDB];
	_ =	sdelay $0x1  }
0x99: {  	s4 =	simm.s32 $_scs_section_size  }
0x9a: {  	s5 =	simm.s32 $_size__tile_overlayer_lowered;
	s6 =	simm.s32 $_tile_overlayer_lowered  }
0x9b: {  	s22 =	simm.s32 $0x1BFF;
	s21 =	sshll.u32 s6, $0x1;
	s3 =	sadd.s32 s4, s19  }
0x9c: {  	s7 =	simm.s32 $0x0;
	s20 =	sshll.u32 s5, $0x1;
	s5 =	sadd.s32 s21, s3  }
0x9d: {  	[timem:s7], [sflag:s22] =	dma.local [hbm:s5], s20  }
0x9e: {  	_ =	swait.ge [sflag:s22], s20  }
0x9f: {  	s4 =	ssub.s32 $0x0, s20;
	[sflag:s22] =	ssyncset.done $0x0  }
0xa0: {  	[sflag:s22] =	ssyncadd.s32 s4;
	_ =	sdelay $0x1  }
0xa1: {  	s23 =	simm.s32 $0x1B8B  }
0xa2: {  	_ =	swait.ge [sflag:s23], $0x1  }
0xa3: {  	[sflag:s23] =	ssyncset.done $0x0  }
0xa4: {  	s25 =	simm.s32 $0x1B8E;
	s24 =	sld [smem:$0x3FFE];
	[sflag:s23] =	ssyncadd.s32 $0xFFFFFFFF  }
0xa5: {  	s26 =	simm.s32 $execute0_lowered;
	[smem:$0x3FD2] =	sst s25  }
0xa6: {  	s5 =	sshll.u32 s26, $0x1;
	_ =	strace $0x8000004C;
	[dreg:$0x1] =	wrdreg $0xFFFFFFFF  }
0xa7: {  	s28 =	simm.s32 $_size_execute0_lowered;
	s3 =	sadd.s32 s3, s5;
	[dreg:$0x0] =	wrdreg $0x0  }
0xa8: {  	s5 =	sshll.u32 s28, $0x1;
	[dreg:$0x2] =	wrdreg s3  }
0xa9: {  	[dreg:$0x3] =	wrdreg s5  }
0xaa: {  	[dreg:$0x4] =	wrdreg $0xC0  }
0xab: {  	_ =	task [dreg:s7], $0x5FFFF  }
0xac: {  	[dreg:$0x1] =	wrdreg $0xFFFFFFFF  }
0xad: {  	[dreg:$0x0] =	wrdreg $0x60  }
0xae: {  	[dreg:$0x2] =	wrdreg s24  }
0xaf: {  	[dreg:$0x3] =	wrdreg s2  }
0xb0: {  	[dreg:$0x4] =	wrdreg $0x90000  }
0xb1: {  	[dreg:$0x5] =	wrdreg $0x130000  }
0xb2: {  	[dreg:$0x6] =	wrdreg $0x9  }
0xb3: {  	_ =	task.clear_ibuf [dreg:s7], $0x7FFFF;
	_ =	strace $0x9000004C  }
0xb4: {  	s29 =	simm.s32 $0x9;
	_ =	strace $0x8000004E  }
0xb5: {  	_ =	swait.ge [sflag:s29], $0x1  }
0xb6: {  	[sflag:s29] =	ssyncadd.s32 $0xFFFFFFFF  }
0xb7: {  	_ =	strace $0x9000004E  }
0xb8: {  	_ =	sfence  }
0xb9: {  	s30 =	sld [smem:$0x0];
	_ =	sdelay $0x2  }
0xba: {  	s31 =	sshll.u32 s1, $0xD;
	s1 =	sshrl.u32 s1, $0x2  }
0xbb: {  	s3 =	sand.u32 $0x4000, s31;
	s1 =	sadd.s32 s1, s30  }
0xbc: {  	s0 =	sor.u32 s3, s0;
	s1 =	sshll.u32 s1, $0x11  }
0xbd: {  	s0 =	sor.u32 s1, s0  }
0xbe: {  	s0 =	sadd.s32 $0x8F2B, s0  }
0xbf: {  	[sflag:s0] =	ssyncadd.remote.s32 $0x1  }
0xc0: {  	_ =	sfence.sel $0xFFFF  }
0xc1: {  	[dreg:$0x0] =	wrdreg $0xFFFFFFFF;
	(pc) =	sbr.abs _section_cstart, $3  }
0xc2: {  	[dreg:$0x1] =	wrdreg $0xFFFFFFFF  }
0xc3: {  	_ =	task.clear_ibuf [dreg:s7], $0x2FFFF;
	_ =	strace $0x9FFFFFFF  }
0xc4: {  	(tm) =	ssettm $0x7FFFFFFF  }
0xc5: {  	_ =	shalt  }
tec
execute0_lowered:
.L_overlay_start_1:
0x0: {  	(tag) =	ssettag $0x1  }
0x1: {  	s0 =	rddreg [dreg:$0x0]  }
0x2: {  	s1 =	rddreg [dreg:$0x1]  }
0x3: {  	s2 =	rddreg [dreg:$0x2]  }
0x4: {  	s3 =	rddreg [dreg:$0x3]  }
0x5: {  	s14 =	stileid.u32;
	s5 =	srdreg.scid;
	s4 =	simm.s32 $0x0  }
0x6: {  	s16 =	simm.s32 $0x3;
	s19 =	simm.s32 $0x80;
	s28 =	simm.s32 $0x2600  }
0x7: {  	s29 =	simm.s32 $0x2680;
	s30 =	simm.s32 $0x4E00;
	s7 =	smul.u32 $0xA000, s14  }
0x8: {  	s31 =	simm.s32 $0x2700;
	s5 =	sand.u32 $0x1, s5;
	s13 =	smul.u32 $0x5000, s14  }
0x9: {  	[smem:$0x7FF] =	sst s4;
	s9 =	sadd.s32 $0x8CC00, s0;
	s21 =	smul.u32 $0xA00, s14  }
0xa: {  	s11 =	sadd.s32 $0xAC00, s0;
	s20 =	sshll.u32 s14, $0x6;
	s8 =	smul.u32 $0xA0000, s5  }
0xb: {  	_ =	strace $0x8000004D;
	s5 =	ssub.s32 $0x2, s5;
	s10 =	sshrl.u32 s7, $0x3  }
0xc: {  	s12 =	sshrl.u32 s5, $0x1;
	s15 =	sadd.s32 s7, s2;
	s22 =	sshrl.u32 s13, $0x3  }
0xd: {  	s23 =	sadd.s32 s11, s21;
	s25 =	sadd.s32 s1, s21;
	s21 =	simm.s32 $0x7000  }
0xe: {  	s6 =	sadd.s32 s7, s8;
	s10 =	sadd.s32 s10, s0;
	s5 =	ssub.s32 s5, s12  }
0xf: {  	s7 =	sadd.s32 s7, s3;
	[dreg:$0x7] =	wrdreg s23;
	s8 =	sshrl.u32 s8, $0x3  }
0x10: {  	s24 =	sadd.s32 $0x500, s22;
	[dreg:$0x8] =	wrdreg s25;
	s15 =	sshrl.u32 s15, $0x3  }
0x11: {  	s22 =	simm.s32 $0x1;
	s23 =	simm.s32 $0x2;
	s25 =	simm.s32 $0x4D00  }
0x12: {  	s6 =	sshrl.u32 s6, $0x3;
	s10 =	sadd.s32 $0xB4C00, s10;
	s26 =	sadd.s32 s11, s24  }
0x13: {  	s1 =	sadd.s32 s1, s24;
	s14 =	smax.u32 s5, $0x1;
	s17 =	sshrl.u32 s7, $0x3  }
0x14: {  	s24 =	simm.s32 $0x2580;
	s5 =	simm.s32 $0x4F00;
	[dreg:$0x6] =	wrdreg s10  }
0x15: {  	s7 =	simm.s32 $0x4F80;
	s0 =	sadd.s32 s6, s0;
	[dreg:$0x9] =	wrdreg s26  }
0x16: {  	s6 =	sadd.s32 s9, s6;
	s10 =	sadd.s32 s9, s8;
	[dreg:$0xa] =	wrdreg s1  }
0x17: {  	s26 =	simm.s32 $0x4D80;
	s1 =	simm.s32 $0x2780;
	s8 =	simm.s32 $0x0  }
0x18: {  	[dreg:$0x5] =	wrdreg s6;
	s6 =	sor.u32 $0x1C03, s20;
	s0 =	sadd.s32 $0xC8C00, s0  }
0x19: {  	s20 =	simm.s32 $0x5000;
	[dreg:$0xb] =	wrdreg s0;
	s0 =	simm.s32 $0x4E80  }
.LBB2_1:
0x1a: {  	s9 =	rddreg [dreg:$0x5]  }
0x1b: {  	[spmem:s15], [sflag:s6] =	dma.local [hbm:s9], $0x1400  }
0x1c: {  	_ =	swait.ge [sflag:s16], $0x1400  }
0x1d: {  	[sflag:s16] =	ssyncset.done $0x0  }
0x1e: {  	s12 =	rddreg [dreg:$0x6];
	[sflag:s16] =	ssyncadd.s32 $0xFFFFEC00  }
0x1f: {  	[spmem:s17], [sflag:s6] =	dma.local [hbm:s12], $0x1400  }
0x20: {  	_ =	swait.ge [sflag:s16], $0x1400  }
0x21: {  	[sflag:s16] =	ssyncset.done $0x0  }
0x22: {  	[sflag:s16] =	ssyncadd.s32 $0xFFFFEC00  }
0x23: {  	[bflag:$0x0] =	sbarrier.arrive $0xFFFF  }
0x24: {  	s13 =	rddreg [dreg:$0x7]  }
0x25: {  	[tilespmem:s4], [sflag:$0x3] =	stream.linear.gather [hbm4b:s13+s4], $0x2800, $0x38;
	[tilespmem:$0x1D000] =	vst v63  }
0x26: {  	_ =	swait.ge [sflag:s16], $0x2800  }
0x27: {  	[sflag:s16] =	ssyncset.done $0x0  }
0x28: {  	s11 =	simm.s32 $0x2800;
	s18 =	rddreg [dreg:$0x8];
	[sflag:s16] =	ssyncadd.s32 $0xFFFFD800  }
0x29: {  	[tilespmem:s11], [sflag:$0x3] =	stream.linear.gather [hbm4b:s18+s4], $0x2800, $0x38;
	[tilespmem:$0x1D000] =	vst v63  }
0x2a: {  	_ =	swait.ge [sflag:s16], $0x2800  }
0x2b: {  	[sflag:s16] =	ssyncset.done $0x0  }
0x2c: {  	[sflag:s16] =	ssyncadd.s32 $0xFFFFD800  }
0x2d: {  	[tilespmem:s20], [sflag:$0x1] =	stream.indirect.gather [hbm4b:s10+s19], $0x40, s4, s19, $0xb8;
	[tilespmem:$0x1D000] =	vst v63  }
0x2e: {  	s11 =	simm.s32 $0x80  }
0x2f: {  	[tilespmem:s21], [sflag:$0x2] =	stream.indirect.gather [hbm4b:s10+s19], $0x40, s11, s19, $0xb8;
	[tilespmem:$0x1D000] =	vst v63  }
0x30: {  	_ =	swait.ge [sflag:s22], $0x2000  }
0x31: {  	[sflag:s22] =	ssyncset.done $0x0  }
0x32: {  	s12 =	simm.s32 $0x2800;
	[sflag:s22] =	ssyncadd.s32 $0xFFFFE000  }
0x33: {  	[spmem:s3] =	stream.indirect.scatter.add.f32 [tilespmem:s20], [sflag:$0x3], $0x40, s12, s19, $0xb8;
	[tilespmem:$0x1D000] =	vst v63  }
0x34: {  	_ =	swait.ge [sflag:s16], $0x2000  }
0x35: {  	[sflag:s16] =	ssyncset.done $0x0  }
0x36: {  	s13 =	simm.s32 $0x100;
	[sflag:s16] =	ssyncadd.s32 $0xFFFFE000  }
0x37: {  	[tilespmem:s20], [sflag:$0x1] =	stream.indirect.gather [hbm4b:s10+s19], $0x40, s13, s19, $0xb8;
	[tilespmem:$0x1D000] =	vst v63  }
0x38: {  	_ =	swait.ge [sflag:s23], $0x2000  }
0x39: {  	[sflag:s23] =	ssyncset.done $0x0  }
0x3a: {  	s18 =	simm.s32 $0x2880;
	[sflag:s23] =	ssyncadd.s32 $0xFFFFE000  }
0x3b: {  	[spmem:s3] =	stream.indirect.scatter.add.f32 [tilespmem:s21], [sflag:$0x3], $0x40, s18, s19, $0xb8;
	[tilespmem:$0x1D000] =	vst v63  }
0x3c: {  	_ =	swait.ge [sflag:s16], $0x2000  }
0x3d: {  	s9 =	simm.s32 $0x100;
	s11 =	simm.s32 $0x800;
	[sflag:s16] =	ssyncset.done $0x0  }
.LBB2_2:
0x3e: {  	s12 =	sadd.s32 $0x80, s9  }
0x3f: {  	[sflag:s16] =	ssyncadd.s32 $0xFFFFE000;
	s18 =	smov.u32 s11;
	s13 =	sadd.s32 $0x400, s11  }
0x40: {  	[tilespmem:s21], [sflag:$0x2] =	stream.indirect.gather [hbm4b:s10+s19], $0x40, s12, s19, $0xb8;
	[tilespmem:$0x1D000] =	vst v63  }
0x41: {  	p0 =	sne.s32 s11, $0x9000;
	_ =	swait.ge [sflag:s22], $0x2000  }
0x42: {  	[sflag:s22] =	ssyncset.done $0x0  }
0x43: {  	s11 =	sadd.s32 $0x2800, s9;
	[sflag:s22] =	ssyncadd.s32 $0xFFFFE000  }
0x44: {  	[spmem:s3] =	stream.indirect.scatter.add.f32 [tilespmem:s20], [sflag:$0x3], $0x40, s11, s19, $0xb8;
	[tilespmem:$0x1D000] =	vst v63  }
0x45: {  	_ =	swait.ge [sflag:s16], $0x2000  }
0x46: {  	[sflag:s16] =	ssyncset.done $0x0  }
0x47: {  	s11 =	sadd.s32 $0x100, s9;
	[sflag:s16] =	ssyncadd.s32 $0xFFFFE000  }
0x48: {  	[tilespmem:s20], [sflag:$0x1] =	stream.indirect.gather [hbm4b:s10+s19], $0x40, s11, s19, $0xb8;
	[tilespmem:$0x1D000] =	vst v63  }
0x49: {  	_ =	swait.ge [sflag:s23], $0x2000  }
.Ltmp0:
0x4a: {  	[sflag:s23] =	ssyncset.done $0x0;
	(pc) =	sbr.rel @p0 .LBB2_2-.Ltmp0, $4  }
0x4b: {  	s9 =	sadd.s32 $0x2880, s9;
	[sflag:s23] =	ssyncadd.s32 $0xFFFFE000  }
0x4c: {  	[spmem:s3] =	stream.indirect.scatter.add.f32 [tilespmem:s21], [sflag:$0x3], $0x40, s9, s19, $0xb8;
	[tilespmem:$0x1D000] =	vst v63  }
0x4d: {  	_ =	swait.ge [sflag:s16], $0x2000  }
0x4e: {  	s11 =	smov.u32 s13;
	s9 =	sshra.s32 s18, $0x2;
	[sflag:s16] =	ssyncset.done $0x0  }
0x4f: {  	s11 =	sadd.s32 $0x80, s9;
	[sflag:s16] =	ssyncadd.s32 $0xFFFFE000  }
0x50: {  	[tilespmem:s21], [sflag:$0x2] =	stream.indirect.gather [hbm4b:s10+s19], $0x40, s11, s19, $0xb8;
	[tilespmem:$0x1D000] =	vst v63  }
0x51: {  	_ =	swait.ge [sflag:s22], $0x2000  }
0x52: {  	[sflag:s22] =	ssyncset.done $0x0  }
0x53: {  	s13 =	sadd.s32 $0x2800, s9;
	[sflag:s22] =	ssyncadd.s32 $0xFFFFE000  }
0x54: {  	[spmem:s3] =	stream.indirect.scatter.add.f32 [tilespmem:s20], [sflag:$0x3], $0x40, s13, s19, $0xb8;
	[tilespmem:$0x1D000] =	vst v63  }
0x55: {  	_ =	swait.ge [sflag:s16], $0x2000  }
0x56: {  	[sflag:s16] =	ssyncset.done $0x0  }
0x57: {  	s18 =	sadd.s32 $0x100, s9;
	[sflag:s16] =	ssyncadd.s32 $0xFFFFE000  }
0x58: {  	[tilespmem:s20], [sflag:$0x1] =	stream.indirect.gather [hbm4b:s10+s19], $0x40, s18, s19, $0xb8;
	[tilespmem:$0x1D000] =	vst v63  }
0x59: {  	_ =	swait.ge [sflag:s23], $0x2000  }
0x5a: {  	[sflag:s23] =	ssyncset.done $0x0  }
0x5b: {  	s12 =	sadd.s32 $0x2880, s9;
	[sflag:s23] =	ssyncadd.s32 $0xFFFFE000  }
0x5c: {  	[spmem:s3] =	stream.indirect.scatter.add.f32 [tilespmem:s21], [sflag:$0x3], $0x40, s12, s19, $0xb8;
	[tilespmem:$0x1D000] =	vst v63  }
0x5d: {  	_ =	swait.ge [sflag:s16], $0x2000  }
0x5e: {  	[sflag:s16] =	ssyncset.done $0x0  }
0x5f: {  	[sflag:s16] =	ssyncadd.s32 $0xFFFFE000  }
0x60: {  	[tilespmem:s21], [sflag:$0x2] =	stream.indirect.gather [hbm4b:s10+s19], $0x40, s24, s19, $0xb8;
	[tilespmem:$0x1D000] =	vst v63  }
0x61: {  	_ =	swait.ge [sflag:s22], $0x2000  }
0x62: {  	[sflag:s22] =	ssyncset.done $0x0  }
0x63: {  	[sflag:s22] =	ssyncadd.s32 $0xFFFFE000  }
0x64: {  	[spmem:s3] =	stream.indirect.scatter.add.f32 [tilespmem:s20], [sflag:$0x3], $0x40, s25, s19, $0xb8;
	[tilespmem:$0x1D000] =	vst v63  }
0x65: {  	_ =	swait.ge [sflag:s16], $0x2000  }
0x66: {  	[sflag:s16] =	ssyncset.done $0x0  }
0x67: {  	[sflag:s16] =	ssyncadd.s32 $0xFFFFE000  }
0x68: {  	_ =	swait.ge [sflag:s23], $0x2000  }
0x69: {  	[sflag:s23] =	ssyncset.done $0x0  }
0x6a: {  	[sflag:s23] =	ssyncadd.s32 $0xFFFFE000  }
0x6b: {  	[spmem:s3] =	stream.indirect.scatter.add.f32 [tilespmem:s21], [sflag:$0x3], $0x40, s26, s19, $0xb8;
	[tilespmem:$0x1D000] =	vst v63  }
0x6c: {  	_ =	swait.ge [sflag:s16], $0x2000  }
0x6d: {  	[sflag:s16] =	ssyncset.done $0x0  }
0x6e: {  	[sflag:s16] =	ssyncadd.s32 $0xFFFFE000  }
0x6f: {  	[tilespmem:s20], [sflag:$0x1] =	stream.indirect.gather [spmem:s2], $0x40, s28, s19, $0xb8;
	[tilespmem:$0x1D000] =	vst v63  }
0x70: {  	_ = 	snop  }
0x71: {  	[tilespmem:s21], [sflag:$0x2] =	stream.indirect.gather [spmem:s2], $0x40, s29, s19, $0xb8;
	[tilespmem:$0x1D000] =	vst v63  }
0x72: {  	_ =	swait.ge [sflag:s22], $0x2000  }
0x73: {  	[sflag:s22] =	ssyncset.done $0x0  }
0x74: {  	[sflag:s22] =	ssyncadd.s32 $0xFFFFE000  }
0x75: {  	[spmem:s3] =	stream.indirect.scatter.add.f32 [tilespmem:s20], [sflag:$0x3], $0x40, s30, s19, $0xb8;
	[tilespmem:$0x1D000] =	vst v63  }
0x76: {  	_ =	swait.ge [sflag:s16], $0x2000  }
0x77: {  	[sflag:s16] =	ssyncset.done $0x0  }
0x78: {  	[sflag:s16] =	ssyncadd.s32 $0xFFFFE000  }
0x79: {  	[tilespmem:s20], [sflag:$0x1] =	stream.indirect.gather [spmem:s2], $0x40, s31, s19, $0xb8;
	[tilespmem:$0x1D000] =	vst v63  }
0x7a: {  	_ =	swait.ge [sflag:s23], $0x2000  }
0x7b: {  	[sflag:s23] =	ssyncset.done $0x0  }
0x7c: {  	[sflag:s23] =	ssyncadd.s32 $0xFFFFE000  }
0x7d: {  	[spmem:s3] =	stream.indirect.scatter.add.f32 [tilespmem:s21], [sflag:$0x3], $0x40, s0, s19, $0xb8;
	[tilespmem:$0x1D000] =	vst v63  }
0x7e: {  	_ =	swait.ge [sflag:s16], $0x2000  }
0x7f: {  	[sflag:s16] =	ssyncset.done $0x0  }
0x80: {  	[sflag:s16] =	ssyncadd.s32 $0xFFFFE000  }
0x81: {  	[tilespmem:s21], [sflag:$0x2] =	stream.indirect.gather [spmem:s2], $0x40, s1, s19, $0xb8;
	[tilespmem:$0x1D000] =	vst v63  }
0x82: {  	_ =	swait.ge [sflag:s22], $0x2000  }
0x83: {  	[sflag:s22] =	ssyncset.done $0x0  }
0x84: {  	[sflag:s22] =	ssyncadd.s32 $0xFFFFE000  }
0x85: {  	[spmem:s3] =	stream.indirect.scatter.add.f32 [tilespmem:s20], [sflag:$0x3], $0x40, s5, s19, $0xb8;
	[tilespmem:$0x1D000] =	vst v63  }
0x86: {  	_ =	swait.ge [sflag:s16], $0x2000  }
0x87: {  	[sflag:s16] =	ssyncset.done $0x0  }
0x88: {  	[sflag:s16] =	ssyncadd.s32 $0xFFFFE000  }
0x89: {  	_ =	swait.ge [sflag:s23], $0x2000  }
0x8a: {  	[sflag:s23] =	ssyncset.done $0x0  }
0x8b: {  	[sflag:s23] =	ssyncadd.s32 $0xFFFFE000  }
0x8c: {  	[spmem:s3] =	stream.indirect.scatter.add.f32 [tilespmem:s21], [sflag:$0x3], $0x40, s7, s19, $0xb8;
	[tilespmem:$0x1D000] =	vst v63  }
0x8d: {  	_ =	swait.ge [sflag:s16], $0x2000  }
0x8e: {  	[sflag:s16] =	ssyncset.done $0x0  }
0x8f: {  	s9 =	simm.s32 $0x0;
	s13 =	rddreg [dreg:$0x9];
	[sflag:s16] =	ssyncadd.s32 $0xFFFFE000  }
0x90: {  	[tilespmem:s9], [sflag:$0x3] =	stream.linear.gather [hbm4b:s13+s9], $0x2800, $0x38;
	[tilespmem:$0x1D000] =	vst v63  }
0x91: {  	_ =	swait.ge [sflag:s16], $0x2800  }
0x92: {  	[sflag:s16] =	ssyncset.done $0x0  }
0x93: {  	s12 =	simm.s32 $0x2800;
	s18 =	rddreg [dreg:$0xa];
	[sflag:s16] =	ssyncadd.s32 $0xFFFFD800  }
0x94: {  	[tilespmem:s12], [sflag:$0x3] =	stream.linear.gather [hbm4b:s18+s9], $0x2800, $0x38;
	[tilespmem:$0x1D000] =	vst v63  }
0x95: {  	_ =	swait.ge [sflag:s16], $0x2800  }
0x96: {  	[sflag:s16] =	ssyncset.done $0x0  }
0x97: {  	[sflag:s16] =	ssyncadd.s32 $0xFFFFD800  }
0x98: {  	[tilespmem:s20], [sflag:$0x1] =	stream.indirect.gather [hbm4b:s10+s19], $0x40, s9, s19, $0xb8;
	[tilespmem:$0x1D000] =	vst v63  }
0x99: {  	s11 =	simm.s32 $0x80  }
0x9a: {  	[tilespmem:s21], [sflag:$0x2] =	stream.indirect.gather [hbm4b:s10+s19], $0x40, s11, s19, $0xb8;
	[tilespmem:$0x1D000] =	vst v63  }
0x9b: {  	_ =	swait.ge [sflag:s22], $0x2000  }
0x9c: {  	[sflag:s22] =	ssyncset.done $0x0  }
0x9d: {  	s12 =	simm.s32 $0x2800;
	[sflag:s22] =	ssyncadd.s32 $0xFFFFE000  }
0x9e: {  	[spmem:s3] =	stream.indirect.scatter.add.f32 [tilespmem:s20], [sflag:$0x3], $0x40, s12, s19, $0xb8;
	[tilespmem:$0x1D000] =	vst v63  }
0x9f: {  	_ =	swait.ge [sflag:s16], $0x2000  }
0xa0: {  	[sflag:s16] =	ssyncset.done $0x0  }
0xa1: {  	s13 =	simm.s32 $0x100;
	[sflag:s16] =	ssyncadd.s32 $0xFFFFE000  }
0xa2: {  	[tilespmem:s20], [sflag:$0x1] =	stream.indirect.gather [hbm4b:s10+s19], $0x40, s13, s19, $0xb8;
	[tilespmem:$0x1D000] =	vst v63  }
0xa3: {  	_ =	swait.ge [sflag:s23], $0x2000  }
0xa4: {  	[sflag:s23] =	ssyncset.done $0x0  }
0xa5: {  	s18 =	simm.s32 $0x2880;
	[sflag:s23] =	ssyncadd.s32 $0xFFFFE000  }
0xa6: {  	[spmem:s3] =	stream.indirect.scatter.add.f32 [tilespmem:s21], [sflag:$0x3], $0x40, s18, s19, $0xb8;
	[tilespmem:$0x1D000] =	vst v63  }
0xa7: {  	_ =	swait.ge [sflag:s16], $0x2000  }
0xa8: {  	s9 =	simm.s32 $0x100;
	s11 =	simm.s32 $0x800;
	[sflag:s16] =	ssyncset.done $0x0  }
.LBB2_4:
0xa9: {  	s12 =	sadd.s32 $0x80, s9  }
0xaa: {  	[sflag:s16] =	ssyncadd.s32 $0xFFFFE000;
	s13 =	smov.u32 s11;
	s18 =	sadd.s32 $0x400, s11  }
0xab: {  	[tilespmem:s21], [sflag:$0x2] =	stream.indirect.gather [hbm4b:s10+s19], $0x40, s12, s19, $0xb8;
	[tilespmem:$0x1D000] =	vst v63  }
0xac: {  	p0 =	sne.s32 s11, $0x9000;
	_ =	swait.ge [sflag:s22], $0x2000  }
0xad: {  	[sflag:s22] =	ssyncset.done $0x0  }
0xae: {  	s11 =	sadd.s32 $0x2800, s9;
	[sflag:s22] =	ssyncadd.s32 $0xFFFFE000  }
0xaf: {  	[spmem:s3] =	stream.indirect.scatter.add.f32 [tilespmem:s20], [sflag:$0x3], $0x40, s11, s19, $0xb8;
	[tilespmem:$0x1D000] =	vst v63  }
0xb0: {  	_ =	swait.ge [sflag:s16], $0x2000  }
0xb1: {  	[sflag:s16] =	ssyncset.done $0x0  }
0xb2: {  	s11 =	sadd.s32 $0x100, s9;
	[sflag:s16] =	ssyncadd.s32 $0xFFFFE000  }
0xb3: {  	[tilespmem:s20], [sflag:$0x1] =	stream.indirect.gather [hbm4b:s10+s19], $0x40, s11, s19, $0xb8;
	[tilespmem:$0x1D000] =	vst v63  }
0xb4: {  	_ =	swait.ge [sflag:s23], $0x2000  }
.Ltmp1:
0xb5: {  	[sflag:s23] =	ssyncset.done $0x0;
	(pc) =	sbr.rel @p0 .LBB2_4-.Ltmp1, $4  }
0xb6: {  	s9 =	sadd.s32 $0x2880, s9;
	[sflag:s23] =	ssyncadd.s32 $0xFFFFE000  }
0xb7: {  	[spmem:s3] =	stream.indirect.scatter.add.f32 [tilespmem:s21], [sflag:$0x3], $0x40, s9, s19, $0xb8;
	[tilespmem:$0x1D000] =	vst v63  }
0xb8: {  	_ =	swait.ge [sflag:s16], $0x2000  }
0xb9: {  	s11 =	smov.u32 s18;
	s9 =	sshra.s32 s13, $0x2;
	[sflag:s16] =	ssyncset.done $0x0  }
0xba: {  	s11 =	sadd.s32 $0x80, s9;
	[sflag:s16] =	ssyncadd.s32 $0xFFFFE000  }
0xbb: {  	[tilespmem:s21], [sflag:$0x2] =	stream.indirect.gather [hbm4b:s10+s19], $0x40, s11, s19, $0xb8;
	[tilespmem:$0x1D000] =	vst v63  }
0xbc: {  	_ =	swait.ge [sflag:s22], $0x2000  }
0xbd: {  	[sflag:s22] =	ssyncset.done $0x0  }
0xbe: {  	s18 =	sadd.s32 $0x2800, s9;
	[sflag:s22] =	ssyncadd.s32 $0xFFFFE000  }
0xbf: {  	[spmem:s3] =	stream.indirect.scatter.add.f32 [tilespmem:s20], [sflag:$0x3], $0x40, s18, s19, $0xb8;
	[tilespmem:$0x1D000] =	vst v63  }
0xc0: {  	_ =	swait.ge [sflag:s16], $0x2000  }
0xc1: {  	[sflag:s16] =	ssyncset.done $0x0  }
0xc2: {  	s12 =	sadd.s32 $0x100, s9;
	[sflag:s16] =	ssyncadd.s32 $0xFFFFE000  }
0xc3: {  	[tilespmem:s20], [sflag:$0x1] =	stream.indirect.gather [hbm4b:s10+s19], $0x40, s12, s19, $0xb8;
	[tilespmem:$0x1D000] =	vst v63  }
0xc4: {  	_ =	swait.ge [sflag:s23], $0x2000  }
0xc5: {  	[sflag:s23] =	ssyncset.done $0x0  }
0xc6: {  	s13 =	sadd.s32 $0x2880, s9;
	[sflag:s23] =	ssyncadd.s32 $0xFFFFE000  }
0xc7: {  	[spmem:s3] =	stream.indirect.scatter.add.f32 [tilespmem:s21], [sflag:$0x3], $0x40, s13, s19, $0xb8;
	[tilespmem:$0x1D000] =	vst v63  }
0xc8: {  	_ =	swait.ge [sflag:s16], $0x2000  }
0xc9: {  	[sflag:s16] =	ssyncset.done $0x0  }
0xca: {  	[sflag:s16] =	ssyncadd.s32 $0xFFFFE000  }
0xcb: {  	[tilespmem:s21], [sflag:$0x2] =	stream.indirect.gather [hbm4b:s10+s19], $0x40, s24, s19, $0xb8;
	[tilespmem:$0x1D000] =	vst v63  }
0xcc: {  	_ =	swait.ge [sflag:s22], $0x2000  }
0xcd: {  	[sflag:s22] =	ssyncset.done $0x0  }
0xce: {  	[sflag:s22] =	ssyncadd.s32 $0xFFFFE000  }
0xcf: {  	[spmem:s3] =	stream.indirect.scatter.add.f32 [tilespmem:s20], [sflag:$0x3], $0x40, s25, s19, $0xb8;
	[tilespmem:$0x1D000] =	vst v63  }
0xd0: {  	_ =	swait.ge [sflag:s16], $0x2000  }
0xd1: {  	[sflag:s16] =	ssyncset.done $0x0  }
0xd2: {  	[sflag:s16] =	ssyncadd.s32 $0xFFFFE000  }
0xd3: {  	_ =	swait.ge [sflag:s23], $0x2000  }
0xd4: {  	[sflag:s23] =	ssyncset.done $0x0  }
0xd5: {  	[sflag:s23] =	ssyncadd.s32 $0xFFFFE000  }
0xd6: {  	[spmem:s3] =	stream.indirect.scatter.add.f32 [tilespmem:s21], [sflag:$0x3], $0x40, s26, s19, $0xb8;
	[tilespmem:$0x1D000] =	vst v63  }
0xd7: {  	_ =	swait.ge [sflag:s16], $0x2000  }
0xd8: {  	[sflag:s16] =	ssyncset.done $0x0  }
0xd9: {  	[sflag:s16] =	ssyncadd.s32 $0xFFFFE000  }
0xda: {  	[tilespmem:s20], [sflag:$0x1] =	stream.indirect.gather [spmem:s2], $0x40, s28, s19, $0xb8;
	[tilespmem:$0x1D000] =	vst v63  }
0xdb: {  	_ = 	snop  }
0xdc: {  	[tilespmem:s21], [sflag:$0x2] =	stream.indirect.gather [spmem:s2], $0x40, s29, s19, $0xb8;
	[tilespmem:$0x1D000] =	vst v63  }
0xdd: {  	_ =	swait.ge [sflag:s22], $0x2000  }
0xde: {  	[sflag:s22] =	ssyncset.done $0x0  }
0xdf: {  	[sflag:s22] =	ssyncadd.s32 $0xFFFFE000  }
0xe0: {  	[spmem:s3] =	stream.indirect.scatter.add.f32 [tilespmem:s20], [sflag:$0x3], $0x40, s30, s19, $0xb8;
	[tilespmem:$0x1D000] =	vst v63  }
0xe1: {  	_ =	swait.ge [sflag:s16], $0x2000  }
0xe2: {  	[sflag:s16] =	ssyncset.done $0x0  }
0xe3: {  	[sflag:s16] =	ssyncadd.s32 $0xFFFFE000  }
0xe4: {  	[tilespmem:s20], [sflag:$0x1] =	stream.indirect.gather [spmem:s2], $0x40, s31, s19, $0xb8;
	[tilespmem:$0x1D000] =	vst v63  }
0xe5: {  	_ =	swait.ge [sflag:s23], $0x2000  }
0xe6: {  	[sflag:s23] =	ssyncset.done $0x0  }
0xe7: {  	[sflag:s23] =	ssyncadd.s32 $0xFFFFE000  }
0xe8: {  	[spmem:s3] =	stream.indirect.scatter.add.f32 [tilespmem:s21], [sflag:$0x3], $0x40, s0, s19, $0xb8;
	[tilespmem:$0x1D000] =	vst v63  }
0xe9: {  	_ =	swait.ge [sflag:s16], $0x2000  }
0xea: {  	[sflag:s16] =	ssyncset.done $0x0  }
0xeb: {  	[sflag:s16] =	ssyncadd.s32 $0xFFFFE000  }
0xec: {  	[tilespmem:s21], [sflag:$0x2] =	stream.indirect.gather [spmem:s2], $0x40, s1, s19, $0xb8;
	[tilespmem:$0x1D000] =	vst v63  }
0xed: {  	_ =	swait.ge [sflag:s22], $0x2000  }
0xee: {  	[sflag:s22] =	ssyncset.done $0x0  }
0xef: {  	[sflag:s22] =	ssyncadd.s32 $0xFFFFE000  }
0xf0: {  	[spmem:s3] =	stream.indirect.scatter.add.f32 [tilespmem:s20], [sflag:$0x3], $0x40, s5, s19, $0xb8;
	[tilespmem:$0x1D000] =	vst v63  }
0xf1: {  	_ =	swait.ge [sflag:s16], $0x2000  }
0xf2: {  	[sflag:s16] =	ssyncset.done $0x0  }
0xf3: {  	[sflag:s16] =	ssyncadd.s32 $0xFFFFE000  }
0xf4: {  	_ =	swait.ge [sflag:s23], $0x2000  }
0xf5: {  	[sflag:s23] =	ssyncset.done $0x0  }
0xf6: {  	[sflag:s23] =	ssyncadd.s32 $0xFFFFE000  }
0xf7: {  	[spmem:s3] =	stream.indirect.scatter.add.f32 [tilespmem:s21], [sflag:$0x3], $0x40, s7, s19, $0xb8;
	[tilespmem:$0x1D000] =	vst v63  }
0xf8: {  	_ =	swait.ge [sflag:s16], $0x2000  }
0xf9: {  	[sflag:s16] =	ssyncset.done $0x0  }
0xfa: {  	s8 =	sadd.s32 $0x1, s8;
	[sflag:s16] =	ssyncadd.s32 $0xFFFFE000  }
0xfb: {  	p0 =	sne.s32 s8, s14;
	[bflag:$0x0] =	sbarrier.arrive $0xFFFF  }
.Ltmp2:
0xfc: {  	s18 =	rddreg [dreg:$0xb];
	(pc) =	sbr.rel @p0 .LBB2_1-.Ltmp2, $4  }
0xfd: {  	[hbm:s18], [sflag:s6] =	dma.local [spmem:s17], $0x1400  }
0xfe: {  	_ =	swait.ge [sflag:s16], $0x1400  }
0xff: {  	[sflag:s16] =	ssyncset.done $0x0  }
0x100: {  	[sflag:s16] =	ssyncadd.s32 $0xFFFFEC00  }
0x101: {  	_ =	sfence.sel $0x180000  }
0x102: {  	[bflag:$0x0] =	sbarrier.arrive $0xFFFF  }
0x103: {  	_ =	strace $0x9000004D  }
0x104: {  	s0 =	stileid.u32;
	[bflag:$0x2] =	sbarrier.arrive $0xFFFF  }
0x105: {  	p0 =	sne.s32 s0, $0x0;
	s0 =	rddreg [dreg:$0x4]  }
0x106: {  	s0 =	sadd.s32 @!p0 $0x100000, s0  }
0x107: {  	[sflag:s0] =	ssyncadd.tile.s32 @!p0 $0x1;
	_ =	shalt  }
.Lfunc_end2:
_tile_overlayer_lowered:
.L_overlay_start_2:
0x108: {  	(tag) =	ssettag $0x2  }
0x109: {  	s0 =	rddreg [dreg:$0x0];
	s2 =	stileid.u32  }
0x10a: {  	s1 =	rddreg [dreg:$0x1];
	p0 =	sne.s32 s2, $0x0  }
0x10b: {  	s3 =	rddreg [dreg:$0x2];
	[bflag:$0x3] =	sbarrier.arrive $0xFFFF;
	s2 =	simm.s32 @!p0 $0x1C03  }
0x10c: {  	[timem:s3], [sflag:s2] =	dma.local @!p0 [hbm:s0], s1  }
0x10d: {  	s0 =	simm.s32 @!p0 $0x3  }
0x10e: {  	_ =	swait.ge @!p0 [sflag:s0], s1  }
0x10f: {  	s1 =	ssub.s32 @!p0 $0x0, s1;
	[sflag:s0] =	ssyncset.done @!p0 $0x0  }
0x110: {  	[sflag:s0] =	ssyncadd.s32 @!p0 s1  }
0x111: {  	[bflag:$0x3] =	sbarrier.arrive $0xFFFF  }
0x112: {  	_ =	shalt  }

// kernel: kernel.19.cloned.1.call-start
scs
__scs_entry_jumppad:
0x0: {  	(pc) =	sbr.rel $0x88, $3  }
0x1: {  	(tag) =	ssettag $0x0;
	lr =	simm.s32 $0x1  }
0x2: {  	[smem:$0x3F95] =	sst lr;
	_ =	strace $0xD0000000  }
0x3: {  	_ = 	snop  }
0x4: {  	_ = 	snop  }
0x5: {  	_ = 	snop  }
0x6: {  	_ = 	snop  }
0x7: {  	_ = 	snop  }
__scs_overlays_trampoline_lowered:
0x8: {  	[smem:$0x3FA4] =	sst s0  }
0x9: {  	[smem:$0x3FA5] =	sst s1  }
0xa: {  	[smem:$0x3FA6] =	sst s2  }
0xb: {  	[smem:$0x3FA7] =	sst s3  }
0xc: {  	[smem:$0x3FA8] =	sst s4  }
0xd: {  	[smem:$0x3FA9] =	sst s5  }
0xe: {  	[smem:$0x3FAA] =	sst s6  }
0xf: {  	[smem:$0x3FAB] =	sst s7  }
0x10: {  	[smem:$0x3FAC] =	sst s8  }
0x11: {  	[smem:$0x3FAD] =	sst s9;
	s0 =	simm.s32 @!p0 $0x0  }
0x12: {  	s1 =	sld [smem:$0x3F93];
	s0 =	simm.s32 @p0 $0x1  }
0x13: {  	[smem:$0x3FAE] =	sst s0;
	s0 =	simm.s32 @!p1 $0x0  }
0x14: {  	s2 =	sld [smem:$0x3F92];
	s0 =	simm.s32 @p1 $0x1  }
0x15: {  	[smem:$0x3FAF] =	sst s0;
	s0 =	simm.s32 @!p2 $0x0  }
0x16: {  	s3 =	sld [smem:$0x3FDB];
	s0 =	simm.s32 @p2 $0x1  }
0x17: {  	s4 =	simm.s32 $0x1BF5;
	[smem:$0x3FB1] =	sst s0  }
0x18: {  	s0 =	sld [smem:$0x3F94];
	_ =	swait.ge [sflag:s4], $0x0  }
0x19: {  	s7 =	sld [smem:$0x3F95]  }
0x1a: {  	s8 =	sadd.s32 $0xFFFFE003, lr  }
0x1b: {  	s9 =	sadd.s32 $0xFFFFFEF7, lr;
	s5 =	simm.s32 $0xFFFFFFFF;
	p2 =	slt.u32 s8, $0xFFFFF086  }
0x1c: {  	p1 =	slt.u32 s9, $0xF7A;
	s5 =	simm.s32 @!p2 $0x0  }
0x1d: {  	s5 =	simm.s32 @p1 $0x1;
	p0 =	seq.s32 s7, s2  }
0x1e: {  	s7 =	smul.u32 @!p0 $0xF7A, s2;
	p2 =	seq.s32 @!p0 s5, $0x0  }
0x1f: {  	s9 =	smul.u32 $0xF7A, s1;
	s8 =	simm.s32 @!p0 $0x1BF5;
	p2 =	por !p2, p0  }
0x20: {  	[sflag:s8] =	ssyncset.s32 @!p0 $0xFFFFF086;
	s6 =	sadd.s32 @!p0 s3, s7;
	s7 =	simm.s32 @!p0 $0x108  }
0x21: {  	s3 =	sadd.s32 s3, s9;
	s6 =	sadd.s32 @!p0 $0x88, s6;
	s7 =	simm.s32 @p2 $0x1082  }
0x22: {  	[simem:s7], [sflag:s8] =	dma.local @!p0 [hbm:s6], $0xF7A  }
0x23: {  	s9 =	sor.u32 $0xD0000000, s2;
	s6 =	simm.s32 $0x108;
	_ =	swait.ge @!p0 [sflag:s8], $0x0  }
0x24: {  	s3 =	sadd.s32 $0x88, s3;
	s6 =	simm.s32 @!p1 $0x1082;
	[sflag:s4] =	ssyncset.s32 $0xFFFFF086  }
0x25: {  	[simem:s6], [sflag:s4] =	dma.local [hbm:s3], $0xF7A  }
0x26: {  	[smem:$0x3F95] =	sst s1;
	(tag) =	ssettag s2;
	_ =	strace s9  }
0x27: {  	s1 =	sld [smem:$0x3FA5]  }
0x28: {  	s2 =	sld [smem:$0x3FA6]  }
0x29: {  	s4 =	sld [smem:$0x3FA8]  }
0x2a: {  	p0 =	seq.s32 s5, $0x0;
	s5 =	sld [smem:$0x3FA9]  }
0x2b: {  	s6 =	sld [smem:$0x3FAA]  }
0x2c: {  	s7 =	sld [smem:$0x3FAB]  }
0x2d: {  	s3 =	simm.s32 $0x108;
	s8 =	sld [smem:$0x3FAC]  }
0x2e: {  	s3 =	simm.s32 @!p0 $0x1082;
	s9 =	sld [smem:$0x3FAD]  }
0x2f: {  	lr =	sadd.s32 s0, s3;
	s0 =	sld [smem:$0x3FA4]  }
0x30: {  	s3 =	sld [smem:$0x3FA7]  }
0x31: {  	[smem:$0x3FB0] =	sst s10  }
0x32: {  	s10 =	sld [smem:$0x3FAE];
	_ =	sdelay $0x3  }
0x33: {  	p0 =	seq.s32 s10, $0x1;
	s10 =	sld [smem:$0x3FB0];
	_ =	sdelay $0x3  }
0x34: {  	[smem:$0x3FB0] =	sst s10  }
0x35: {  	s10 =	sld [smem:$0x3FAF];
	_ =	sdelay $0x3  }
0x36: {  	p1 =	seq.s32 s10, $0x1;
	s10 =	sld [smem:$0x3FB0];
	_ =	sdelay $0x3  }
0x37: {  	[smem:$0x3FB0] =	sst s10  }
0x38: {  	s10 =	sld [smem:$0x3FB1]  }
0x39: {  	_ = 	snop;
	(pc) =	sbr.ind lr, $3  }
0x3a: {  	_ = 	snop  }
0x3b: {  	_ = 	snop  }
0x3c: {  	p2 =	seq.s32 s10, $0x1;
	s10 =	sld [smem:$0x3FB0]  }
0x3d: {  	_ =	shalt  }
0x3e: {  	_ =	shalt  }
0x3f: {  	_ =	shalt  }
0x40: {  	_ =	shalt  }
0x41: {  	_ =	shalt  }
0x42: {  	_ =	shalt  }
0x43: {  	_ =	shalt  }
0x44: {  	_ =	shalt  }
0x45: {  	_ =	shalt  }
0x46: {  	_ =	shalt  }
0x47: {  	_ =	shalt  }
0x48: {  	_ =	shalt  }
0x49: {  	_ =	shalt  }
0x4a: {  	_ =	shalt  }
0x4b: {  	_ =	shalt  }
0x4c: {  	_ =	shalt  }
0x4d: {  	_ =	shalt  }
0x4e: {  	_ =	shalt  }
0x4f: {  	_ =	shalt  }
0x50: {  	_ =	shalt  }
0x51: {  	_ =	shalt  }
0x52: {  	_ =	shalt  }
0x53: {  	_ =	shalt  }
0x54: {  	_ =	shalt  }
0x55: {  	_ =	shalt  }
0x56: {  	_ =	shalt  }
0x57: {  	_ =	shalt  }
0x58: {  	_ =	shalt  }
0x59: {  	_ =	shalt  }
0x5a: {  	_ =	shalt  }
0x5b: {  	_ =	shalt  }
0x5c: {  	_ =	shalt  }
0x5d: {  	_ =	shalt  }
0x5e: {  	_ =	shalt  }
0x5f: {  	_ =	shalt  }
0x60: {  	_ =	shalt  }
0x61: {  	_ =	shalt  }
0x62: {  	_ =	shalt  }
0x63: {  	_ =	shalt  }
0x64: {  	_ =	shalt  }
0x65: {  	_ =	shalt  }
0x66: {  	_ =	shalt  }
0x67: {  	_ =	shalt  }
0x68: {  	_ =	shalt  }
0x69: {  	_ =	shalt  }
0x6a: {  	_ =	shalt  }
0x6b: {  	_ =	shalt  }
0x6c: {  	_ =	shalt  }
0x6d: {  	_ =	shalt  }
0x6e: {  	_ =	shalt  }
0x6f: {  	_ =	shalt  }
0x70: {  	_ =	shalt  }
0x71: {  	_ =	shalt  }
0x72: {  	_ =	shalt  }
0x73: {  	_ =	shalt  }
0x74: {  	_ =	shalt  }
0x75: {  	_ =	shalt  }
0x76: {  	_ =	shalt  }
0x77: {  	_ =	shalt  }
0x78: {  	_ =	shalt  }
0x79: {  	_ =	shalt  }
0x7a: {  	_ =	shalt  }
0x7b: {  	_ =	shalt  }
0x7c: {  	_ =	shalt  }
0x7d: {  	_ =	shalt  }
0x7e: {  	_ =	shalt  }
0x7f: {  	_ =	shalt  }
0x80: {  	_ =	shalt  }
0x81: {  	_ =	shalt  }
0x82: {  	_ =	shalt  }
0x83: {  	_ =	shalt  }
0x84: {  	_ =	shalt  }
0x85: {  	_ =	shalt  }
0x86: {  	_ =	shalt  }
0x87: {  	_ =	shalt  }
.Lfunc_end0:
.L_simem_size_0:
called_computation.3_lowered:
.L_overlay_start_0:
0x88: {  	s2 =	sld [smem:$0x3FD9]  }
0x89: {  	s3 =	sld [smem:$0x3FFE];
	_ =	sdelay $0x1  }
0x8a: {  	s1 =	srdreg.scid  }
0x8b: {  	s0 =	sand.u32 $0x1, s1  }
0x8c: {  	s17 =	sshll.u32 s0, $0xA;
	s2 =	sadd.s32 s3, s2  }
0x8d: {  	s2 =	sadd.s32 s2, s17  }
0x8e: {  	[smem:$0x3FBC] =	sst s2  }
0x8f: {  	_ = 	snop  }
0x90: {  	s2 =	sld [smem:$0x3FD0];
	(tm) =	ssettm $0x1  }
0x91: {  	s18 =	sld [smem:$0x3FFB];
	_ =	sdelay $0x3  }
0x92: {  	_ =	strace s18  }
0x93: {  	s3 =	sld [smem:$0x3FFC];
	_ =	sdelay $0x3  }
0x94: {  	_ =	strace s3  }
0x95: {  	s3 =	sld [smem:$0x3FFD];
	_ =	sdelay $0x3  }
0x96: {  	_ =	strace s3  }
0x97: {  	_ =	strace $0x8FFFFFFF  }
0x98: {  	s19 =	sld [smem:$0x3FDB];
	_ =	sdelay $0x1  }
0x99: {  	s4 =	simm.s32 $_scs_section_size  }
0x9a: {  	s5 =	simm.s32 $_size__tile_overlayer_lowered;
	s6 =	simm.s32 $_tile_overlayer_lowered  }
0x9b: {  	s22 =	simm.s32 $0x1BFF;
	s21 =	sshll.u32 s6, $0x1;
	s3 =	sadd.s32 s4, s19  }
0x9c: {  	s7 =	simm.s32 $0x0;
	s20 =	sshll.u32 s5, $0x1;
	s5 =	sadd.s32 s21, s3  }
0x9d: {  	[timem:s7], [sflag:s22] =	dma.local [hbm:s5], s20  }
0x9e: {  	_ =	swait.ge [sflag:s22], s20  }
0x9f: {  	s4 =	ssub.s32 $0x0, s20;
	[sflag:s22] =	ssyncset.done $0x0  }
0xa0: {  	[sflag:s22] =	ssyncadd.s32 s4;
	_ =	sdelay $0x1  }
0xa1: {  	s23 =	simm.s32 $0x1B8B  }
0xa2: {  	_ =	swait.ge [sflag:s23], $0x1  }
0xa3: {  	[sflag:s23] =	ssyncset.done $0x0  }
0xa4: {  	s25 =	simm.s32 $0x1B8E;
	s24 =	sld [smem:$0x3FFE];
	[sflag:s23] =	ssyncadd.s32 $0xFFFFFFFF  }
0xa5: {  	s26 =	simm.s32 $execute0_lowered;
	[smem:$0x3FD2] =	sst s25  }
0xa6: {  	s5 =	sshll.u32 s26, $0x1;
	_ =	strace $0x8000004F;
	[dreg:$0x1] =	wrdreg $0xFFFFFFFF  }
0xa7: {  	s28 =	simm.s32 $_size_execute0_lowered;
	s3 =	sadd.s32 s3, s5;
	[dreg:$0x0] =	wrdreg $0x0  }
0xa8: {  	s5 =	sshll.u32 s28, $0x1;
	[dreg:$0x2] =	wrdreg s3  }
0xa9: {  	[dreg:$0x3] =	wrdreg s5  }
0xaa: {  	[dreg:$0x4] =	wrdreg $0xC0  }
0xab: {  	_ =	task [dreg:s7], $0x5FFFF  }
0xac: {  	[dreg:$0x1] =	wrdreg $0xFFFFFFFF  }
0xad: {  	[dreg:$0x0] =	wrdreg $0x60  }
0xae: {  	[dreg:$0x2] =	wrdreg s24  }
0xaf: {  	[dreg:$0x3] =	wrdreg s2  }
0xb0: {  	[dreg:$0x4] =	wrdreg $0x78000  }
0xb1: {  	[dreg:$0x5] =	wrdreg $0xDC000  }
0xb2: {  	[dreg:$0x6] =	wrdreg $0x9  }
0xb3: {  	_ =	task.clear_ibuf [dreg:s7], $0x7FFFF;
	_ =	strace $0x9000004F  }
0xb4: {  	s29 =	simm.s32 $0x9;
	_ =	strace $0x80000051  }
0xb5: {  	_ =	swait.ge [sflag:s29], $0x1  }
0xb6: {  	[sflag:s29] =	ssyncadd.s32 $0xFFFFFFFF  }
0xb7: {  	_ =	strace $0x90000051  }
0xb8: {  	_ =	sfence  }
0xb9: {  	s30 =	sld [smem:$0x0];
	_ =	sdelay $0x2  }
0xba: {  	s31 =	sshll.u32 s1, $0xD;
	s1 =	sshrl.u32 s1, $0x2  }
0xbb: {  	s3 =	sand.u32 $0x4000, s31;
	s1 =	sadd.s32 s1, s30  }
0xbc: {  	s0 =	sor.u32 s3, s0;
	s1 =	sshll.u32 s1, $0x11  }
0xbd: {  	s0 =	sor.u32 s1, s0  }
0xbe: {  	s0 =	sadd.s32 $0x8F2B, s0  }
0xbf: {  	[sflag:s0] =	ssyncadd.remote.s32 $0x1  }
0xc0: {  	_ =	sfence.sel $0xFFFF  }
0xc1: {  	[dreg:$0x0] =	wrdreg $0xFFFFFFFF;
	(pc) =	sbr.abs _section_cstart, $3  }
0xc2: {  	[dreg:$0x1] =	wrdreg $0xFFFFFFFF  }
0xc3: {  	_ =	task.clear_ibuf [dreg:s7], $0x2FFFF;
	_ =	strace $0x9FFFFFFF  }
0xc4: {  	(tm) =	ssettm $0x7FFFFFFF  }
0xc5: {  	_ =	shalt  }
tec
execute0_lowered:
.L_overlay_start_1:
0x0: {  	(tag) =	ssettag $0x1  }
0x1: {  	s5 =	rddreg [dreg:$0x0]  }
0x2: {  	s9 =	rddreg [dreg:$0x1]  }
0x3: {  	s1 =	srdreg.scid;
	s2 =	rddreg [dreg:$0x2]  }
0x4: {  	s0 =	stileid.u32;
	s3 =	rddreg [dreg:$0x3]  }
0x5: {  	s4 =	simm.s32 $0x0;
	s17 =	simm.s32 $0x5000;
	s18 =	simm.s32 $0x6400  }
0x6: {  	s19 =	simm.s32 $0x1;
	s20 =	simm.s32 $0x2;
	s21 =	simm.s32 $0x2780  }
0x7: {  	s22 =	simm.s32 $0x4F00;
	s23 =	simm.s32 $0x4F80;
	s24 =	simm.s32 $0x0  }
0x8: {  	s6 =	sand.u32 $0x1, s1;
	s29 =	sshll.u32 s0, $0x1;
	s7 =	smul.u32 $0x6400, s0  }
0x9: {  	[smem:$0x7FF] =	sst s4;
	s1 =	sor.u32 s6, s29;
	s8 =	smul.u32 $0x64000, s6  }
0xa: {  	s31 =	sshll.u32 s0, $0x6;
	s6 =	ssub.s32 $0x2, s6;
	s10 =	smul.u32 $0x500, s1  }
0xb: {  	s1 =	rddreg [dreg:$0x4];
	_ =	strace $0x80000050;
	s12 =	sshrl.u32 s7, $0x3  }
0xc: {  	s30 =	sshrl.u32 s6, $0x1;
	s15 =	sadd.s32 s7, s2;
	s16 =	sadd.s32 s7, s3  }
0xd: {  	s8 =	sadd.s32 s7, s8;
	s12 =	sadd.s32 s12, s5;
	s14 =	ssub.s32 s6, s30  }
0xe: {  	s6 =	sor.u32 $0x1C03, s31;
	s11 =	sadd.s32 s10, s5;
	s8 =	sshrl.u32 s8, $0x3  }
0xf: {  	s7 =	sadd.s32 $0x21400, s12;
	s9 =	sadd.s32 s9, s10;
	s13 =	sadd.s32 s8, s5  }
0x10: {  	s5 =	sadd.s32 $0x14C00, s12;
	s8 =	sadd.s32 $0xAC00, s11;
	s11 =	smax.u32 s14, $0x1  }
0x11: {  	s12 =	sshrl.u32 s15, $0x3;
	s14 =	sshrl.u32 s16, $0x3;
	s15 =	simm.s32 $0x2800  }
0x12: {  	s16 =	simm.s32 $0x80;
	s10 =	sadd.s32 $0x2DC00, s13;
	s13 =	simm.s32 $0x3  }
.LBB2_1:
0x13: {  	[spmem:s12], [sflag:s6] =	dma.local [hbm:s5], $0xC80  }
0x14: {  	_ =	swait.ge [sflag:s13], $0xC80  }
0x15: {  	[sflag:s13] =	ssyncset.done $0x0  }
0x16: {  	[sflag:s13] =	ssyncadd.s32 $0xFFFFF380  }
0x17: {  	[spmem:s14], [sflag:s6] =	dma.local [hbm:s7], $0xC80  }
0x18: {  	_ =	swait.ge [sflag:s13], $0xC80  }
0x19: {  	[sflag:s13] =	ssyncset.done $0x0  }
0x1a: {  	[sflag:s13] =	ssyncadd.s32 $0xFFFFF380  }
0x1b: {  	[tilespmem:s4], [sflag:$0x3] =	stream.linear.gather [hbm4b:s8+s4], $0x2800, $0x38;
	[tilespmem:$0x14000] =	vst v63  }
0x1c: {  	_ =	swait.ge [sflag:s13], $0x2800  }
0x1d: {  	[sflag:s13] =	ssyncset.done $0x0  }
0x1e: {  	[sflag:s13] =	ssyncadd.s32 $0xFFFFD800  }
0x1f: {  	[tilespmem:s15], [sflag:$0x3] =	stream.linear.gather [hbm4b:s9+s4], $0x2800, $0x38;
	[tilespmem:$0x14000] =	vst v63  }
0x20: {  	_ =	swait.ge [sflag:s13], $0x2800  }
0x21: {  	[sflag:s13] =	ssyncset.done $0x0  }
0x22: {  	[sflag:s13] =	ssyncadd.s32 $0xFFFFD800  }
0x23: {  	[bflag:$0x0] =	sbarrier.arrive $0xFFFF  }
0x24: {  	[tilespmem:s17], [sflag:$0x1] =	stream.indirect.gather [spmem:s2], $0x28, s4, s16, $0xb8;
	[tilespmem:$0x14000] =	vst v63  }
0x25: {  	s25 =	simm.s32 $0x80  }
0x26: {  	[tilespmem:s18], [sflag:$0x2] =	stream.indirect.gather [spmem:s2], $0x28, s25, s16, $0xb8;
	[tilespmem:$0x14000] =	vst v63  }
0x27: {  	_ =	swait.ge [sflag:s19], $0x1400  }
0x28: {  	[sflag:s19] =	ssyncset.done $0x0  }
0x29: {  	s29 =	simm.s32 $0x2800;
	[sflag:s19] =	ssyncadd.s32 $0xFFFFEC00  }
0x2a: {  	[spmem:s3] =	stream.indirect.scatter.add.f32 [tilespmem:s17], [sflag:$0x3], $0x28, s29, s16, $0xb8;
	[tilespmem:$0x14000] =	vst v63  }
0x2b: {  	_ =	swait.ge [sflag:s13], $0x1400  }
0x2c: {  	[sflag:s13] =	ssyncset.done $0x0  }
0x2d: {  	s30 =	simm.s32 $0x100;
	[sflag:s13] =	ssyncadd.s32 $0xFFFFEC00  }
0x2e: {  	[tilespmem:s17], [sflag:$0x1] =	stream.indirect.gather [spmem:s2], $0x28, s30, s16, $0xb8;
	[tilespmem:$0x14000] =	vst v63  }
0x2f: {  	_ =	swait.ge [sflag:s20], $0x1400  }
0x30: {  	[sflag:s20] =	ssyncset.done $0x0  }
0x31: {  	s31 =	simm.s32 $0x2880;
	[sflag:s20] =	ssyncadd.s32 $0xFFFFEC00  }
0x32: {  	[spmem:s3] =	stream.indirect.scatter.add.f32 [tilespmem:s18], [sflag:$0x3], $0x28, s31, s16, $0xb8;
	[tilespmem:$0x14000] =	vst v63  }
0x33: {  	_ =	swait.ge [sflag:s13], $0x1400  }
0x34: {  	s26 =	simm.s32 $0x800;
	s25 =	simm.s32 $0x100;
	[sflag:s13] =	ssyncset.done $0x0  }
.LBB2_2:
0x35: {  	s28 =	sadd.s32 $0x80, s25  }
0x36: {  	[sflag:s13] =	ssyncadd.s32 $0xFFFFEC00;
	s29 =	smov.u32 s26;
	s30 =	sadd.s32 $0x400, s26  }
0x37: {  	[tilespmem:s18], [sflag:$0x2] =	stream.indirect.gather [spmem:s2], $0x28, s28, s16, $0xb8;
	[tilespmem:$0x14000] =	vst v63  }
0x38: {  	p0 =	sne.s32 s26, $0x9800;
	_ =	swait.ge [sflag:s19], $0x1400  }
0x39: {  	[sflag:s19] =	ssyncset.done $0x0  }
0x3a: {  	s26 =	sadd.s32 $0x2800, s25;
	[sflag:s19] =	ssyncadd.s32 $0xFFFFEC00  }
0x3b: {  	[spmem:s3] =	stream.indirect.scatter.add.f32 [tilespmem:s17], [sflag:$0x3], $0x28, s26, s16, $0xb8;
	[tilespmem:$0x14000] =	vst v63  }
0x3c: {  	_ =	swait.ge [sflag:s13], $0x1400  }
0x3d: {  	[sflag:s13] =	ssyncset.done $0x0  }
0x3e: {  	s26 =	sadd.s32 $0x100, s25;
	[sflag:s13] =	ssyncadd.s32 $0xFFFFEC00  }
0x3f: {  	[tilespmem:s17], [sflag:$0x1] =	stream.indirect.gather [spmem:s2], $0x28, s26, s16, $0xb8;
	[tilespmem:$0x14000] =	vst v63  }
0x40: {  	_ =	swait.ge [sflag:s20], $0x1400  }
.Ltmp0:
0x41: {  	[sflag:s20] =	ssyncset.done $0x0;
	(pc) =	sbr.rel @p0 .LBB2_2-.Ltmp0, $4  }
0x42: {  	s25 =	sadd.s32 $0x2880, s25;
	[sflag:s20] =	ssyncadd.s32 $0xFFFFEC00  }
0x43: {  	[spmem:s3] =	stream.indirect.scatter.add.f32 [tilespmem:s18], [sflag:$0x3], $0x28, s25, s16, $0xb8;
	[tilespmem:$0x14000] =	vst v63  }
0x44: {  	_ =	swait.ge [sflag:s13], $0x1400  }
0x45: {  	s26 =	smov.u32 s30;
	s25 =	sshra.s32 s29, $0x2;
	[sflag:s13] =	ssyncset.done $0x0  }
0x46: {  	s26 =	sadd.s32 $0x80, s25;
	[sflag:s13] =	ssyncadd.s32 $0xFFFFEC00  }
0x47: {  	[tilespmem:s18], [sflag:$0x2] =	stream.indirect.gather [spmem:s2], $0x28, s26, s16, $0xb8;
	[tilespmem:$0x14000] =	vst v63  }
0x48: {  	_ =	swait.ge [sflag:s19], $0x1400  }
0x49: {  	[sflag:s19] =	ssyncset.done $0x0  }
0x4a: {  	s29 =	sadd.s32 $0x2800, s25;
	[sflag:s19] =	ssyncadd.s32 $0xFFFFEC00  }
0x4b: {  	[spmem:s3] =	stream.indirect.scatter.add.f32 [tilespmem:s17], [sflag:$0x3], $0x28, s29, s16, $0xb8;
	[tilespmem:$0x14000] =	vst v63  }
0x4c: {  	_ =	swait.ge [sflag:s13], $0x1400  }
0x4d: {  	[sflag:s13] =	ssyncset.done $0x0  }
0x4e: {  	s30 =	sadd.s32 $0x100, s25;
	[sflag:s13] =	ssyncadd.s32 $0xFFFFEC00  }
0x4f: {  	[tilespmem:s17], [sflag:$0x1] =	stream.indirect.gather [spmem:s2], $0x28, s30, s16, $0xb8;
	[tilespmem:$0x14000] =	vst v63  }
0x50: {  	_ =	swait.ge [sflag:s20], $0x1400  }
0x51: {  	[sflag:s20] =	ssyncset.done $0x0  }
0x52: {  	s31 =	sadd.s32 $0x2880, s25;
	[sflag:s20] =	ssyncadd.s32 $0xFFFFEC00  }
0x53: {  	[spmem:s3] =	stream.indirect.scatter.add.f32 [tilespmem:s18], [sflag:$0x3], $0x28, s31, s16, $0xb8;
	[tilespmem:$0x14000] =	vst v63  }
0x54: {  	_ =	swait.ge [sflag:s13], $0x1400  }
0x55: {  	[sflag:s13] =	ssyncset.done $0x0  }
0x56: {  	[sflag:s13] =	ssyncadd.s32 $0xFFFFEC00  }
0x57: {  	[tilespmem:s18], [sflag:$0x2] =	stream.indirect.gather [spmem:s2], $0x28, s21, s16, $0xb8;
	[tilespmem:$0x14000] =	vst v63  }
0x58: {  	_ =	swait.ge [sflag:s19], $0x1400  }
0x59: {  	[sflag:s19] =	ssyncset.done $0x0  }
0x5a: {  	[sflag:s19] =	ssyncadd.s32 $0xFFFFEC00  }
0x5b: {  	[spmem:s3] =	stream.indirect.scatter.add.f32 [tilespmem:s17], [sflag:$0x3], $0x28, s22, s16, $0xb8;
	[tilespmem:$0x14000] =	vst v63  }
0x5c: {  	_ =	swait.ge [sflag:s13], $0x1400  }
0x5d: {  	[sflag:s13] =	ssyncset.done $0x0  }
0x5e: {  	[sflag:s13] =	ssyncadd.s32 $0xFFFFEC00  }
0x5f: {  	_ =	swait.ge [sflag:s20], $0x1400  }
0x60: {  	[sflag:s20] =	ssyncset.done $0x0  }
0x61: {  	[sflag:s20] =	ssyncadd.s32 $0xFFFFEC00  }
0x62: {  	[spmem:s3] =	stream.indirect.scatter.add.f32 [tilespmem:s18], [sflag:$0x3], $0x28, s23, s16, $0xb8;
	[tilespmem:$0x14000] =	vst v63  }
0x63: {  	_ =	swait.ge [sflag:s13], $0x1400  }
0x64: {  	s24 =	sadd.s32 $0x1, s24;
	[sflag:s13] =	ssyncset.done $0x0  }
0x65: {  	p0 =	sne.s32 s24, s11;
	[sflag:s13] =	ssyncadd.s32 $0xFFFFEC00  }
.Ltmp1:
0x66: {  	[bflag:$0x0] =	sbarrier.arrive $0xFFFF;
	(pc) =	sbr.rel @p0 .LBB2_1-.Ltmp1, $4  }
0x67: {  	[hbm:s10], [sflag:s6] =	dma.local [spmem:s14], $0xC80  }
0x68: {  	_ =	swait.ge [sflag:s13], $0xC80  }
0x69: {  	[sflag:s13] =	ssyncset.done $0x0  }
0x6a: {  	[sflag:s13] =	ssyncadd.s32 $0xFFFFF380  }
0x6b: {  	_ =	sfence.sel $0x180000  }
0x6c: {  	[bflag:$0x0] =	sbarrier.arrive $0xFFFF  }
0x6d: {  	p0 =	sne.s32 s0, $0x0;
	_ =	strace $0x90000050  }
0x6e: {  	s0 =	sadd.s32 @!p0 $0x100000, s1;
	[bflag:$0x2] =	sbarrier.arrive $0xFFFF  }
0x6f: {  	[sflag:s0] =	ssyncadd.tile.s32 @!p0 $0x1;
	_ =	shalt  }
.Lfunc_end2:
_tile_overlayer_lowered:
.L_overlay_start_2:
0x70: {  	(tag) =	ssettag $0x2  }
0x71: {  	s0 =	rddreg [dreg:$0x0];
	s2 =	stileid.u32  }
0x72: {  	s1 =	rddreg [dreg:$0x1];
	p0 =	sne.s32 s2, $0x0  }
0x73: {  	s3 =	rddreg [dreg:$0x2];
	[bflag:$0x3] =	sbarrier.arrive $0xFFFF;
	s2 =	simm.s32 @!p0 $0x1C03  }
0x74: {  	[timem:s3], [sflag:s2] =	dma.local @!p0 [hbm:s0], s1  }
0x75: {  	s0 =	simm.s32 @!p0 $0x3  }
0x76: {  	_ =	swait.ge @!p0 [sflag:s0], s1  }
0x77: {  	s1 =	ssub.s32 @!p0 $0x0, s1;
	[sflag:s0] =	ssyncset.done @!p0 $0x0  }
0x78: {  	[sflag:s0] =	ssyncadd.s32 @!p0 s1  }
0x79: {  	[bflag:$0x3] =	sbarrier.arrive $0xFFFF  }
0x7a: {  	_ =	shalt  }

</sc_bundles>
